<compile_context>
chip_gen: v7x
topology: tpu7x:2x2x1
jax: 0.10.2.dev20260603
libtpu: 0.0.44.dev20260713+nightly
codegen_flags: <defaults>
</compile_context>

<pallas_src>
import functools

import jax
import jax.numpy as jnp
from jax import lax
from jax.experimental import pallas as pl
from jax.experimental.pallas import tpu as pltpu
from jax.experimental.pallas import tpu_sc as plsc

DIM = 64
EPS = 1e-05
L16 = 16
CHUNK = 512
GSLICE = 128


def _rsqrt(x):
    i = plsc.bitcast(x, jnp.int32)
    i = jnp.int32(0x5F3759DF) - (i >> 1)
    y = plsc.bitcast(i, jnp.float32)
    for _ in range(4):
        y = y * (1.5 - 0.5 * x * y * y)
    return y


@functools.lru_cache(maxsize=None)
def _build(total):
    info = plsc.get_sparse_core_info()
    nc, ns = info.num_cores, info.num_subcores
    nw = nc * ns
    per_w = total // nw
    assert total % (nw * CHUNK) == 0
    nchunk = per_w // CHUNK

    @functools.partial(
        pl.kernel,
        out_type=jax.ShapeDtypeStruct((total, DIM), jnp.float32),
        mesh=plsc.VectorSubcoreMesh(core_axis_name="c", subcore_axis_name="s"),
        scratch_types=[
            pltpu.VMEM((per_w,), jnp.int32),
            pltpu.VMEM((CHUNK, DIM), jnp.float32),
            pltpu.VMEM((DIM,), jnp.float32),
            pltpu.VMEM((DIM,), jnp.float32),
            pltpu.SemaphoreType.DMA,
        ],
        compiler_params=pltpu.CompilerParams(
            needs_layout_passes=False, use_tc_tiling_on_sc=False,
            disable_bounds_checks=True),
    )
    def sc_kernel(ids_hbm, table_hbm, w_hbm, b_hbm, out_hbm,
                  idx_v, rows_v, w_v, b_v, sem):
        wid = lax.axis_index("s") * nc + lax.axis_index("c")
        base = wid * per_w
        pltpu.sync_copy(ids_hbm.at[pl.ds(base, per_w)], idx_v)
        pltpu.sync_copy(w_hbm, w_v)
        pltpu.sync_copy(b_hbm, b_v)
        wregs = [w_v[pl.ds(k * L16, L16)] for k in range(DIM // L16)]
        bregs = [b_v[pl.ds(k * L16, L16)] for k in range(DIM // L16)]
        ri = lax.iota(jnp.int32, 16)

        def chunk_body(t, carry):
            copies = [
                pltpu.async_copy(
                    table_hbm.at[idx_v.at[pl.ds(t * CHUNK + j * GSLICE, GSLICE)]],
                    rows_v.at[pl.ds(j * GSLICE, GSLICE)],
                    sem,
                )
                for j in range(CHUNK // GSLICE)
            ]
            for cp in copies:
                cp.wait()

            def block_body(blk, c2):
                rows_idx = blk * L16 + ri
                ss = [jnp.zeros((L16,), jnp.float32) for _ in range(4)]
                qq = [jnp.zeros((L16,), jnp.float32) for _ in range(4)]
                for d in range(DIM):
                    cc = (ri + d) & (DIM - 1)
                    v = plsc.load_gather(rows_v, [rows_idx, cc])
                    ss[d % 4] = ss[d % 4] + v
                    qq[d % 4] = qq[d % 4] + v * v
                s = (ss[0] + ss[1]) + (ss[2] + ss[3])
                q = (qq[0] + qq[1]) + (qq[2] + qq[3])
                mean = s * (1.0 / DIM)
                var = q * (1.0 / DIM) - mean * mean
                rstd = _rsqrt(jnp.maximum(var, 0.0) + EPS)
                for d in range(DIM):
                    cc = (ri + d) & (DIM - 1)
                    v = plsc.load_gather(rows_v, [rows_idx, cc])
                    o = (v - mean) * rstd
                    plsc.store_scatter(rows_v, [rows_idx, cc], o)
                for r in range(L16):
                    rr = jnp.full((L16,), 1, jnp.int32) * (blk * L16 + r)
                    for k in range(DIM // L16):
                        cidx = ri + k * L16
                        v = plsc.load_gather(rows_v, [rr, cidx])
                        o = v * wregs[k] + bregs[k]
                        plsc.store_scatter(rows_v, [rr, cidx], o)
                return c2

            lax.fori_loop(0, CHUNK // L16, block_body, 0)
            pltpu.sync_copy(rows_v, out_hbm.at[pl.ds(base + t * CHUNK, CHUNK)])
            return carry

        lax.fori_loop(0, nchunk, chunk_body, 0)

    return sc_kernel


def kernel(input_ids, value_table, ln_weight, ln_bias):
    b, l = input_ids.shape
    ids_flat = input_ids.reshape(-1).astype(jnp.int32)
    out = _build(b * l)(ids_flat, value_table,
                        ln_weight.astype(jnp.float32),
                        ln_bias.astype(jnp.float32))
    return out.reshape(b, l, DIM)

# --- scband reference (transcript-rebuilt; emitter-appended) ---
"""Pipeline reference for scband-aixel-net-word-embedding-3745211482497 (READ-ONLY COPY).

The authoritative reference and input builder live on the scoring server;
editing this copy changes nothing except your own understanding.
"""

import jax, jax.numpy as jnp
import numpy as np

VOCAB = 1000000
DIM = 64
BATCH = 16384
HIST = 50
EPS = 1e-05


def setup_inputs(seed: int = 0) -> dict:
    key = jax.random.key(seed)
    k1, k2, k3 = jax.random.split(key, 3)
    input_ids = jax.random.randint(k1, (BATCH, HIST), 0, VOCAB, dtype=jnp.int64 if jax.config.jax_enable_x64 else jnp.int32)
    # value embedding table, kaiming-normal style init (fan_in = DIM)
    value_table = jax.random.normal(k2, (VOCAB, DIM), dtype=jnp.float32) * jnp.sqrt(2.0 / DIM)
    value_table = value_table.at[0].set(0.0)  # padding_idx=0
    ln_weight = jnp.ones((DIM,), dtype=jnp.float32)
    ln_bias = jnp.zeros((DIM,), dtype=jnp.float32)
    return {"input_ids": input_ids, "value_table": value_table, "ln_weight": ln_weight, "ln_bias": ln_bias}


def reference(input_ids, value_table, ln_weight, ln_bias):
    # emb_type == 'value' branch of AixelNetWordEmbedding.forward
    emb = jnp.take(value_table, input_ids, axis=0)  # [B, L, DIM] gather
    mean = jnp.mean(emb, axis=-1, keepdims=True)
    var = jnp.mean(jnp.square(emb - mean), axis=-1, keepdims=True)
    normed = (emb - mean) / jnp.sqrt(var + EPS)
    out = normed * ln_weight + ln_bias
    # dropout with p=0.0 is identity
    return out

if __name__ == "__main__":
    import jax
    _d = setup_inputs()
    print(jax.jit(kernel)(*tuple(_d.values())))

</pallas_src>

<mosaic_0001>
#map = affine_map<(d0, d1) -> (0)>
#map1 = affine_map<(d0, d1) -> (0, 0)>
module attributes {stable_mosaic.version = 14 : i64} {
  func.func @sc_kernel(%arg0: i32, %arg1: i32, %arg2: memref<819200xi32, #tpu.memory_space<hbm>>, %arg3: memref<1000000x64xf32, #tpu.memory_space<hbm>>, %arg4: memref<64xf32, #tpu.memory_space<hbm>>, %arg5: memref<64xf32, #tpu.memory_space<hbm>>, %arg6: memref<819200x64xf32, #tpu.memory_space<hbm>>, %arg7: memref<25600xi32, #tpu.memory_space<vmem>>, %arg8: memref<512x64xf32, #tpu.memory_space<vmem>>, %arg9: memref<64xf32, #tpu.memory_space<vmem>>, %arg10: memref<64xf32, #tpu.memory_space<vmem>>, %arg11: memref<!tpu.dma_semaphore, #tpu.memory_space<semaphore_mem>>) attributes {dimension_semantics = [#tpu.dimension_semantics<core_parallel>, #tpu.dimension_semantics<subcore_parallel>], iteration_bounds = array<i64: 2, 16>, scalar_prefetch = 0 : i64, scratch_operands = 5 : i64, tpu.core_type = #tpu.core_type<sc_vector_subcore>, window_params = [{transform_indices = #map}, {transform_indices = #map1}, {transform_indices = #map}, {transform_indices = #map}, {transform_indices = #map1}]} {
    %mul3A = arith.constant 2 : i32
    %mul3A_0 = arith.muli %arg1, %mul3A : i32
    %add3A = arith.addi %mul3A_0, %arg0 : i32
    %mul3A_1 = arith.constant 25600 : i32
    %mul3A_2 = arith.muli %add3A, %mul3A_1 : i32
    "tpu.region"() ({
      %run_scoped3A = tpu.sem_alloc : memref<!tpu.dma_semaphore, #tpu.memory_space<semaphore_mem>>
      %dma_start3A = tpu.memref_slice %arg2[%mul3A_2] : memref<819200xi32, #tpu.memory_space<hbm>> -> memref<25600xi32, #tpu.memory_space<hbm>>
      %dma_start3A_23 = tpu.memref_slice %arg2[%mul3A_2] : memref<819200xi32, #tpu.memory_space<hbm>> -> memref<25600xi32, #tpu.memory_space<hbm>>
      tpu.enqueue_dma source(%dma_start3A_23 : memref<25600xi32, #tpu.memory_space<hbm>>) target(%arg7 : memref<25600xi32, #tpu.memory_space<vmem>>) target_semaphore(%run_scoped3A : memref<!tpu.dma_semaphore, #tpu.memory_space<semaphore_mem>>)
      %dma_wait3A = tpu.memref_slice %arg2[%mul3A_2] : memref<819200xi32, #tpu.memory_space<hbm>> -> memref<25600xi32, #tpu.memory_space<hbm>>
      %dma_wait3A_24 = tpu.memref_slice %arg2[%mul3A_2] : memref<819200xi32, #tpu.memory_space<hbm>> -> memref<25600xi32, #tpu.memory_space<hbm>>
      tpu.wait_dma2 semaphore(%run_scoped3A : memref<!tpu.dma_semaphore, #tpu.memory_space<semaphore_mem>>) src(%dma_wait3A_24 : memref<25600xi32, #tpu.memory_space<hbm>>) dst(%arg7 : memref<25600xi32, #tpu.memory_space<vmem>>)
      tpu.yield
    }) : () -> ()
    "tpu.region"() ({
      %run_scoped3A = tpu.sem_alloc : memref<!tpu.dma_semaphore, #tpu.memory_space<semaphore_mem>>
      tpu.enqueue_dma source(%arg4 : memref<64xf32, #tpu.memory_space<hbm>>) target(%arg9 : memref<64xf32, #tpu.memory_space<vmem>>) target_semaphore(%run_scoped3A : memref<!tpu.dma_semaphore, #tpu.memory_space<semaphore_mem>>)
      tpu.wait_dma2 semaphore(%run_scoped3A : memref<!tpu.dma_semaphore, #tpu.memory_space<semaphore_mem>>) src(%arg4 : memref<64xf32, #tpu.memory_space<hbm>>) dst(%arg9 : memref<64xf32, #tpu.memory_space<vmem>>)
      tpu.yield
    }) : () -> ()
    "tpu.region"() ({
      %run_scoped3A = tpu.sem_alloc : memref<!tpu.dma_semaphore, #tpu.memory_space<semaphore_mem>>
      tpu.enqueue_dma source(%arg5 : memref<64xf32, #tpu.memory_space<hbm>>) target(%arg10 : memref<64xf32, #tpu.memory_space<vmem>>) target_semaphore(%run_scoped3A : memref<!tpu.dma_semaphore, #tpu.memory_space<semaphore_mem>>)
      tpu.wait_dma2 semaphore(%run_scoped3A : memref<!tpu.dma_semaphore, #tpu.memory_space<semaphore_mem>>) src(%arg5 : memref<64xf32, #tpu.memory_space<hbm>>) dst(%arg10 : memref<64xf32, #tpu.memory_space<vmem>>)
      tpu.yield
    }) : () -> ()
    %get3A = arith.constant 0 : index
    %get3A_3 = tpu.vector_load %arg9[%get3A] {strides = array<i32>} : memref<64xf32, #tpu.memory_space<vmem>>, vector<16xf32>,
    %get3A_4 = arith.constant 16 : index
    %get3A_5 = tpu.vector_load %arg9[%get3A_4] {strides = array<i32>} : memref<64xf32, #tpu.memory_space<vmem>>, vector<16xf32>,
    %get3A_6 = arith.constant 32 : index
    %get3A_7 = tpu.vector_load %arg9[%get3A_6] {strides = array<i32>} : memref<64xf32, #tpu.memory_space<vmem>>, vector<16xf32>,
    %get3A_8 = arith.constant 48 : index
    %get3A_9 = tpu.vector_load %arg9[%get3A_8] {strides = array<i32>} : memref<64xf32, #tpu.memory_space<vmem>>, vector<16xf32>,
    %get3A_10 = arith.constant 0 : index
    %get3A_11 = tpu.vector_load %arg10[%get3A_10] {strides = array<i32>} : memref<64xf32, #tpu.memory_space<vmem>>, vector<16xf32>,
    %get3A_12 = arith.constant 16 : index
    %get3A_13 = tpu.vector_load %arg10[%get3A_12] {strides = array<i32>} : memref<64xf32, #tpu.memory_space<vmem>>, vector<16xf32>,
    %get3A_14 = arith.constant 32 : index
    %get3A_15 = tpu.vector_load %arg10[%get3A_14] {strides = array<i32>} : memref<64xf32, #tpu.memory_space<vmem>>, vector<16xf32>,
    %get3A_16 = arith.constant 48 : index
    %get3A_17 = tpu.vector_load %arg10[%get3A_16] {strides = array<i32>} : memref<64xf32, #tpu.memory_space<vmem>>, vector<16xf32>,
    %iota3A = tpu.iota {dimensions = array<i32: 0>} : vector<16xi32>
    %scan3A = arith.constant 0 : i32
    %scan3A_18 = arith.constant 0 : i32
    %scan3A_19 = arith.constant 50 : i32
    %scan3A_20 = arith.addi %scan3A_18, %scan3A_19 : i32
    %scan3A_21 = arith.constant 1 : i32
    scf.for %scan3A_23 = %scan3A_18 to %scan3A_20 step %scan3A_21  : i32 {
      %mul3A_24 = arith.constant 512 : i32
      %mul3A_25 = arith.muli %scan3A_23, %mul3A_24 : i32
      %add3A_26 = arith.constant 0 : i32
      %add3A_27 = arith.addi %mul3A_25, %add3A_26 : i32
      %dma_start3A = arith.constant 0 : i32
      %dma_start3A_28 = arith.constant 0 : i32
      %dma_start3A_29 = tpu.memref_slice %arg8[%dma_start3A, %dma_start3A_28] : memref<512x64xf32, #tpu.memory_space<vmem>> -> memref<128x64xf32, #tpu.memory_space<vmem>>
      %dma_start3A_30 = tpu.memref_slice %arg7[%add3A_27] : memref<25600xi32, #tpu.memory_space<vmem>> -> memref<128xi32, #tpu.memory_space<vmem>>
      %dma_start3A_31 = arith.constant 0 : i32
      %dma_start3A_32 = arith.constant 0 : i32
      %dma_start3A_33 = tpu.memref_slice %arg3[%dma_start3A_31, %dma_start3A_32] : memref<1000000x64xf32, #tpu.memory_space<hbm>> -> memref<1000000x64xf32, #tpu.memory_space<hbm>>
      tpu.enqueue_indirect_dma source(%dma_start3A_33 : memref<1000000x64xf32, #tpu.memory_space<hbm>>) target(%dma_start3A_29 : memref<128x64xf32, #tpu.memory_space<vmem>>) offsets(%dma_start3A_30 : memref<128xi32, #tpu.memory_space<vmem>>) semaphore(%arg11 : memref<!tpu.dma_semaphore, #tpu.memory_space<semaphore_mem>>)
      %mul3A_34 = arith.constant 512 : i32
      %mul3A_35 = arith.muli %scan3A_23, %mul3A_34 : i32
      %add3A_36 = arith.constant 128 : i32
      %add3A_37 = arith.addi %mul3A_35, %add3A_36 : i32
      %dma_start3A_38 = arith.constant 128 : i32
      %dma_start3A_39 = arith.constant 0 : i32
      %dma_start3A_40 = tpu.memref_slice %arg8[%dma_start3A_38, %dma_start3A_39] : memref<512x64xf32, #tpu.memory_space<vmem>> -> memref<128x64xf32, #tpu.memory_space<vmem>>
      %dma_start3A_41 = tpu.memref_slice %arg7[%add3A_37] : memref<25600xi32, #tpu.memory_space<vmem>> -> memref<128xi32, #tpu.memory_space<vmem>>
      %dma_start3A_42 = arith.constant 0 : i32
      %dma_start3A_43 = arith.constant 0 : i32
      %dma_start3A_44 = tpu.memref_slice %arg3[%dma_start3A_42, %dma_start3A_43] : memref<1000000x64xf32, #tpu.memory_space<hbm>> -> memref<1000000x64xf32, #tpu.memory_space<hbm>>
      tpu.enqueue_indirect_dma source(%dma_start3A_44 : memref<1000000x64xf32, #tpu.memory_space<hbm>>) target(%dma_start3A_40 : memref<128x64xf32, #tpu.memory_space<vmem>>) offsets(%dma_start3A_41 : memref<128xi32, #tpu.memory_space<vmem>>) semaphore(%arg11 : memref<!tpu.dma_semaphore, #tpu.memory_space<semaphore_mem>>)
      %mul3A_45 = arith.constant 512 : i32
      %mul3A_46 = arith.muli %scan3A_23, %mul3A_45 : i32
      %add3A_47 = arith.constant 256 : i32
      %add3A_48 = arith.addi %mul3A_46, %add3A_47 : i32
      %dma_start3A_49 = arith.constant 256 : i32
      %dma_start3A_50 = arith.constant 0 : i32
      %dma_start3A_51 = tpu.memref_slice %arg8[%dma_start3A_49, %dma_start3A_50] : memref<512x64xf32, #tpu.memory_space<vmem>> -> memref<128x64xf32, #tpu.memory_space<vmem>>
      %dma_start3A_52 = tpu.memref_slice %arg7[%add3A_48] : memref<25600xi32, #tpu.memory_space<vmem>> -> memref<128xi32, #tpu.memory_space<vmem>>
      %dma_start3A_53 = arith.constant 0 : i32
      %dma_start3A_54 = arith.constant 0 : i32
      %dma_start3A_55 = tpu.memref_slice %arg3[%dma_start3A_53, %dma_start3A_54] : memref<1000000x64xf32, #tpu.memory_space<hbm>> -> memref<1000000x64xf32, #tpu.memory_space<hbm>>
      tpu.enqueue_indirect_dma source(%dma_start3A_55 : memref<1000000x64xf32, #tpu.memory_space<hbm>>) target(%dma_start3A_51 : memref<128x64xf32, #tpu.memory_space<vmem>>) offsets(%dma_start3A_52 : memref<128xi32, #tpu.memory_space<vmem>>) semaphore(%arg11 : memref<!tpu.dma_semaphore, #tpu.memory_space<semaphore_mem>>)
      %mul3A_56 = arith.constant 512 : i32
      %mul3A_57 = arith.muli %scan3A_23, %mul3A_56 : i32
      %add3A_58 = arith.constant 384 : i32
      %add3A_59 = arith.addi %mul3A_57, %add3A_58 : i32
      %dma_start3A_60 = arith.constant 384 : i32
      %dma_start3A_61 = arith.constant 0 : i32
      %dma_start3A_62 = tpu.memref_slice %arg8[%dma_start3A_60, %dma_start3A_61] : memref<512x64xf32, #tpu.memory_space<vmem>> -> memref<128x64xf32, #tpu.memory_space<vmem>>
      %dma_start3A_63 = tpu.memref_slice %arg7[%add3A_59] : memref<25600xi32, #tpu.memory_space<vmem>> -> memref<128xi32, #tpu.memory_space<vmem>>
      %dma_start3A_64 = arith.constant 0 : i32
      %dma_start3A_65 = arith.constant 0 : i32
      %dma_start3A_66 = tpu.memref_slice %arg3[%dma_start3A_64, %dma_start3A_65] : memref<1000000x64xf32, #tpu.memory_space<hbm>> -> memref<1000000x64xf32, #tpu.memory_space<hbm>>
      tpu.enqueue_indirect_dma source(%dma_start3A_66 : memref<1000000x64xf32, #tpu.memory_space<hbm>>) target(%dma_start3A_62 : memref<128x64xf32, #tpu.memory_space<vmem>>) offsets(%dma_start3A_63 : memref<128xi32, #tpu.memory_space<vmem>>) semaphore(%arg11 : memref<!tpu.dma_semaphore, #tpu.memory_space<semaphore_mem>>)
      %dma_wait3A = arith.constant 0 : i32
      %dma_wait3A_67 = arith.constant 0 : i32
      %dma_wait3A_68 = tpu.memref_slice %arg8[%dma_wait3A, %dma_wait3A_67] : memref<512x64xf32, #tpu.memory_space<vmem>> -> memref<128x64xf32, #tpu.memory_space<vmem>>
      %dma_wait3A_69 = tpu.memref_slice %arg7[%add3A_27] : memref<25600xi32, #tpu.memory_space<vmem>> -> memref<128xi32, #tpu.memory_space<vmem>>
      %dma_wait3A_70 = arith.constant 0 : i32
      %dma_wait3A_71 = arith.constant 0 : i32
      %dma_wait3A_72 = tpu.memref_slice %arg3[%dma_wait3A_70, %dma_wait3A_71] : memref<1000000x64xf32, #tpu.memory_space<hbm>> -> memref<1000000x64xf32, #tpu.memory_space<hbm>>
      tpu.wait_indirect_dma semaphore(%arg11 : memref<!tpu.dma_semaphore, #tpu.memory_space<semaphore_mem>>) src(%dma_wait3A_72 : memref<1000000x64xf32, #tpu.memory_space<hbm>>) dst(%dma_wait3A_68 : memref<128x64xf32, #tpu.memory_space<vmem>>)
      %dma_wait3A_73 = arith.constant 128 : i32
      %dma_wait3A_74 = arith.constant 0 : i32
      %dma_wait3A_75 = tpu.memref_slice %arg8[%dma_wait3A_73, %dma_wait3A_74] : memref<512x64xf32, #tpu.memory_space<vmem>> -> memref<128x64xf32, #tpu.memory_space<vmem>>
      %dma_wait3A_76 = tpu.memref_slice %arg7[%add3A_37] : memref<25600xi32, #tpu.memory_space<vmem>> -> memref<128xi32, #tpu.memory_space<vmem>>
      %dma_wait3A_77 = arith.constant 0 : i32
      %dma_wait3A_78 = arith.constant 0 : i32
      %dma_wait3A_79 = tpu.memref_slice %arg3[%dma_wait3A_77, %dma_wait3A_78] : memref<1000000x64xf32, #tpu.memory_space<hbm>> -> memref<1000000x64xf32, #tpu.memory_space<hbm>>
      tpu.wait_indirect_dma semaphore(%arg11 : memref<!tpu.dma_semaphore, #tpu.memory_space<semaphore_mem>>) src(%dma_wait3A_79 : memref<1000000x64xf32, #tpu.memory_space<hbm>>) dst(%dma_wait3A_75 : memref<128x64xf32, #tpu.memory_space<vmem>>)
      %dma_wait3A_80 = arith.constant 256 : i32
      %dma_wait3A_81 = arith.constant 0 : i32
      %dma_wait3A_82 = tpu.memref_slice %arg8[%dma_wait3A_80, %dma_wait3A_81] : memref<512x64xf32, #tpu.memory_space<vmem>> -> memref<128x64xf32, #tpu.memory_space<vmem>>
      %dma_wait3A_83 = tpu.memref_slice %arg7[%add3A_48] : memref<25600xi32, #tpu.memory_space<vmem>> -> memref<128xi32, #tpu.memory_space<vmem>>
      %dma_wait3A_84 = arith.constant 0 : i32
      %dma_wait3A_85 = arith.constant 0 : i32
      %dma_wait3A_86 = tpu.memref_slice %arg3[%dma_wait3A_84, %dma_wait3A_85] : memref<1000000x64xf32, #tpu.memory_space<hbm>> -> memref<1000000x64xf32, #tpu.memory_space<hbm>>
      tpu.wait_indirect_dma semaphore(%arg11 : memref<!tpu.dma_semaphore, #tpu.memory_space<semaphore_mem>>) src(%dma_wait3A_86 : memref<1000000x64xf32, #tpu.memory_space<hbm>>) dst(%dma_wait3A_82 : memref<128x64xf32, #tpu.memory_space<vmem>>)
      %dma_wait3A_87 = arith.constant 384 : i32
      %dma_wait3A_88 = arith.constant 0 : i32
      %dma_wait3A_89 = tpu.memref_slice %arg8[%dma_wait3A_87, %dma_wait3A_88] : memref<512x64xf32, #tpu.memory_space<vmem>> -> memref<128x64xf32, #tpu.memory_space<vmem>>
      %dma_wait3A_90 = tpu.memref_slice %arg7[%add3A_59] : memref<25600xi32, #tpu.memory_space<vmem>> -> memref<128xi32, #tpu.memory_space<vmem>>
      %dma_wait3A_91 = arith.constant 0 : i32
      %dma_wait3A_92 = arith.constant 0 : i32
      %dma_wait3A_93 = tpu.memref_slice %arg3[%dma_wait3A_91, %dma_wait3A_92] : memref<1000000x64xf32, #tpu.memory_space<hbm>> -> memref<1000000x64xf32, #tpu.memory_space<hbm>>
      tpu.wait_indirect_dma semaphore(%arg11 : memref<!tpu.dma_semaphore, #tpu.memory_space<semaphore_mem>>) src(%dma_wait3A_93 : memref<1000000x64xf32, #tpu.memory_space<hbm>>) dst(%dma_wait3A_89 : memref<128x64xf32, #tpu.memory_space<vmem>>)
      %scan3A_94 = arith.constant 0 : i32
      %scan3A_95 = arith.constant 0 : i32
      %scan3A_96 = arith.constant 32 : i32
      %scan3A_97 = arith.addi %scan3A_95, %scan3A_96 : i32
      %scan3A_98 = arith.constant 1 : i32
      scf.for %scan3A_103 = %scan3A_95 to %scan3A_97 step %scan3A_98  : i32 {
        %mul3A_104 = arith.constant 16 : i32
        %mul3A_105 = arith.muli %scan3A_103, %mul3A_104 : i32
        %add3A_106 = vector.broadcast %mul3A_105 : i32 to vector<16xi32>
        %add3A_107 = arith.addi %add3A_106, %iota3A : vector<16xi32>
        %broadcast_in_dim3A = arith.constant 0.000000e+00 : f32
        %broadcast_in_dim3A_108 = vector.broadcast %broadcast_in_dim3A : f32 to vector<16xf32>
        %broadcast_in_dim3A_109 = arith.constant 0.000000e+00 : f32
        %broadcast_in_dim3A_110 = vector.broadcast %broadcast_in_dim3A_109 : f32 to vector<16xf32>
        %broadcast_in_dim3A_111 = arith.constant 0.000000e+00 : f32
        %broadcast_in_dim3A_112 = vector.broadcast %broadcast_in_dim3A_111 : f32 to vector<16xf32>
        %broadcast_in_dim3A_113 = arith.constant 0.000000e+00 : f32
        %broadcast_in_dim3A_114 = vector.broadcast %broadcast_in_dim3A_113 : f32 to vector<16xf32>
        %broadcast_in_dim3A_115 = arith.constant 0.000000e+00 : f32
        %broadcast_in_dim3A_116 = vector.broadcast %broadcast_in_dim3A_115 : f32 to vector<16xf32>
        %broadcast_in_dim3A_117 = arith.constant 0.000000e+00 : f32
        %broadcast_in_dim3A_118 = vector.broadcast %broadcast_in_dim3A_117 : f32 to vector<16xf32>
        %broadcast_in_dim3A_119 = arith.constant 0.000000e+00 : f32
        %broadcast_in_dim3A_120 = vector.broadcast %broadcast_in_dim3A_119 : f32 to vector<16xf32>
        %broadcast_in_dim3A_121 = arith.constant 0.000000e+00 : f32
        %broadcast_in_dim3A_122 = vector.broadcast %broadcast_in_dim3A_121 : f32 to vector<16xf32>
        %add3A_123 = arith.constant 0 : i32
        %add3A_124 = vector.broadcast %add3A_123 : i32 to vector<16xi32>
        %add3A_125 = arith.addi %iota3A, %add3A_124 : vector<16xi32>
        %and3A = arith.constant 63 : i32
        %and3A_126 = vector.broadcast %and3A : i32 to vector<16xi32>
        %and3A_127 = arith.andi %add3A_125, %and3A_126 : vector<16xi32>
        %gather3A = tpu.vector_load_idx %arg8[%add3A_107, %and3A_127] : memref<512x64xf32, #tpu.memory_space<vmem>>[vector<16xi32>, vector<16xi32>], vector<16xf32>,
        %add3A_128 = arith.addf %broadcast_in_dim3A_108, %gather3A : vector<16xf32>
        %mul3A_129 = arith.mulf %gather3A, %gather3A : vector<16xf32>
        %add3A_130 = arith.addf %broadcast_in_dim3A_116, %mul3A_129 : vector<16xf32>
        %add3A_131 = arith.constant 1 : i32
        %add3A_132 = vector.broadcast %add3A_131 : i32 to vector<16xi32>
        %add3A_133 = arith.addi %iota3A, %add3A_132 : vector<16xi32>
        %and3A_134 = arith.constant 63 : i32
        %and3A_135 = vector.broadcast %and3A_134 : i32 to vector<16xi32>
        %and3A_136 = arith.andi %add3A_133, %and3A_135 : vector<16xi32>
        %gather3A_137 = tpu.vector_load_idx %arg8[%add3A_107, %and3A_136] : memref<512x64xf32, #tpu.memory_space<vmem>>[vector<16xi32>, vector<16xi32>], vector<16xf32>,
        %add3A_138 = arith.addf %broadcast_in_dim3A_110, %gather3A_137 : vector<16xf32>
        %mul3A_139 = arith.mulf %gather3A_137, %gather3A_137 : vector<16xf32>
        %add3A_140 = arith.addf %broadcast_in_dim3A_118, %mul3A_139 : vector<16xf32>
        %add3A_141 = arith.constant 2 : i32
        %add3A_142 = vector.broadcast %add3A_141 : i32 to vector<16xi32>
        %add3A_143 = arith.addi %iota3A, %add3A_142 : vector<16xi32>
        %and3A_144 = arith.constant 63 : i32
        %and3A_145 = vector.broadcast %and3A_144 : i32 to vector<16xi32>
        %and3A_146 = arith.andi %add3A_143, %and3A_145 : vector<16xi32>
        %gather3A_147 = tpu.vector_load_idx %arg8[%add3A_107, %and3A_146] : memref<512x64xf32, #tpu.memory_space<vmem>>[vector<16xi32>, vector<16xi32>], vector<16xf32>,
        %add3A_148 = arith.addf %broadcast_in_dim3A_112, %gather3A_147 : vector<16xf32>
        %mul3A_149 = arith.mulf %gather3A_147, %gather3A_147 : vector<16xf32>
        %add3A_150 = arith.addf %broadcast_in_dim3A_120, %mul3A_149 : vector<16xf32>
        %add3A_151 = arith.constant 3 : i32
        %add3A_152 = vector.broadcast %add3A_151 : i32 to vector<16xi32>
        %add3A_153 = arith.addi %iota3A, %add3A_152 : vector<16xi32>
        %and3A_154 = arith.constant 63 : i32
        %and3A_155 = vector.broadcast %and3A_154 : i32 to vector<16xi32>
        %and3A_156 = arith.andi %add3A_153, %and3A_155 : vector<16xi32>
        %gather3A_157 = tpu.vector_load_idx %arg8[%add3A_107, %and3A_156] : memref<512x64xf32, #tpu.memory_space<vmem>>[vector<16xi32>, vector<16xi32>], vector<16xf32>,
        %add3A_158 = arith.addf %broadcast_in_dim3A_114, %gather3A_157 : vector<16xf32>
        %mul3A_159 = arith.mulf %gather3A_157, %gather3A_157 : vector<16xf32>
        %add3A_160 = arith.addf %broadcast_in_dim3A_122, %mul3A_159 : vector<16xf32>
        %add3A_161 = arith.constant 4 : i32
        %add3A_162 = vector.broadcast %add3A_161 : i32 to vector<16xi32>
        %add3A_163 = arith.addi %iota3A, %add3A_162 : vector<16xi32>
        %and3A_164 = arith.constant 63 : i32
        %and3A_165 = vector.broadcast %and3A_164 : i32 to vector<16xi32>
        %and3A_166 = arith.andi %add3A_163, %and3A_165 : vector<16xi32>
        %gather3A_167 = tpu.vector_load_idx %arg8[%add3A_107, %and3A_166] : memref<512x64xf32, #tpu.memory_space<vmem>>[vector<16xi32>, vector<16xi32>], vector<16xf32>,
        %add3A_168 = arith.addf %add3A_128, %gather3A_167 : vector<16xf32>
        %mul3A_169 = arith.mulf %gather3A_167, %gather3A_167 : vector<16xf32>
        %add3A_170 = arith.addf %add3A_130, %mul3A_169 : vector<16xf32>
        %add3A_171 = arith.constant 5 : i32
        %add3A_172 = vector.broadcast %add3A_171 : i32 to vector<16xi32>
        %add3A_173 = arith.addi %iota3A, %add3A_172 : vector<16xi32>
        %and3A_174 = arith.constant 63 : i32
        %and3A_175 = vector.broadcast %and3A_174 : i32 to vector<16xi32>
        %and3A_176 = arith.andi %add3A_173, %and3A_175 : vector<16xi32>
        %gather3A_177 = tpu.vector_load_idx %arg8[%add3A_107, %and3A_176] : memref<512x64xf32, #tpu.memory_space<vmem>>[vector<16xi32>, vector<16xi32>], vector<16xf32>,
        %add3A_178 = arith.addf %add3A_138, %gather3A_177 : vector<16xf32>
        %mul3A_179 = arith.mulf %gather3A_177, %gather3A_177 : vector<16xf32>
        %add3A_180 = arith.addf %add3A_140, %mul3A_179 : vector<16xf32>
        %add3A_181 = arith.constant 6 : i32
        %add3A_182 = vector.broadcast %add3A_181 : i32 to vector<16xi32>
        %add3A_183 = arith.addi %iota3A, %add3A_182 : vector<16xi32>
        %and3A_184 = arith.constant 63 : i32
        %and3A_185 = vector.broadcast %and3A_184 : i32 to vector<16xi32>
        %and3A_186 = arith.andi %add3A_183, %and3A_185 : vector<16xi32>
        %gather3A_187 = tpu.vector_load_idx %arg8[%add3A_107, %and3A_186] : memref<512x64xf32, #tpu.memory_space<vmem>>[vector<16xi32>, vector<16xi32>], vector<16xf32>,
        %add3A_188 = arith.addf %add3A_148, %gather3A_187 : vector<16xf32>
        %mul3A_189 = arith.mulf %gather3A_187, %gather3A_187 : vector<16xf32>
        %add3A_190 = arith.addf %add3A_150, %mul3A_189 : vector<16xf32>
        %add3A_191 = arith.constant 7 : i32
        %add3A_192 = vector.broadcast %add3A_191 : i32 to vector<16xi32>
        %add3A_193 = arith.addi %iota3A, %add3A_192 : vector<16xi32>
        %and3A_194 = arith.constant 63 : i32
        %and3A_195 = vector.broadcast %and3A_194 : i32 to vector<16xi32>
        %and3A_196 = arith.andi %add3A_193, %and3A_195 : vector<16xi32>
        %gather3A_197 = tpu.vector_load_idx %arg8[%add3A_107, %and3A_196] : memref<512x64xf32, #tpu.memory_space<vmem>>[vector<16xi32>, vector<16xi32>], vector<16xf32>,
        %add3A_198 = arith.addf %add3A_158, %gather3A_197 : vector<16xf32>
        %mul3A_199 = arith.mulf %gather3A_197, %gather3A_197 : vector<16xf32>
        %add3A_200 = arith.addf %add3A_160, %mul3A_199 : vector<16xf32>
        %add3A_201 = arith.constant 8 : i32
        %add3A_202 = vector.broadcast %add3A_201 : i32 to vector<16xi32>
        %add3A_203 = arith.addi %iota3A, %add3A_202 : vector<16xi32>
        %and3A_204 = arith.constant 63 : i32
        %and3A_205 = vector.broadcast %and3A_204 : i32 to vector<16xi32>
        %and3A_206 = arith.andi %add3A_203, %and3A_205 : vector<16xi32>
        %gather3A_207 = tpu.vector_load_idx %arg8[%add3A_107, %and3A_206] : memref<512x64xf32, #tpu.memory_space<vmem>>[vector<16xi32>, vector<16xi32>], vector<16xf32>,
        %add3A_208 = arith.addf %add3A_168, %gather3A_207 : vector<16xf32>
        %mul3A_209 = arith.mulf %gather3A_207, %gather3A_207 : vector<16xf32>
        %add3A_210 = arith.addf %add3A_170, %mul3A_209 : vector<16xf32>
        %add3A_211 = arith.constant 9 : i32
        %add3A_212 = vector.broadcast %add3A_211 : i32 to vector<16xi32>
        %add3A_213 = arith.addi %iota3A, %add3A_212 : vector<16xi32>
        %and3A_214 = arith.constant 63 : i32
        %and3A_215 = vector.broadcast %and3A_214 : i32 to vector<16xi32>
        %and3A_216 = arith.andi %add3A_213, %and3A_215 : vector<16xi32>
        %gather3A_217 = tpu.vector_load_idx %arg8[%add3A_107, %and3A_216] : memref<512x64xf32, #tpu.memory_space<vmem>>[vector<16xi32>, vector<16xi32>], vector<16xf32>,
        %add3A_218 = arith.addf %add3A_178, %gather3A_217 : vector<16xf32>
        %mul3A_219 = arith.mulf %gather3A_217, %gather3A_217 : vector<16xf32>
        %add3A_220 = arith.addf %add3A_180, %mul3A_219 : vector<16xf32>
        %add3A_221 = arith.constant 10 : i32
        %add3A_222 = vector.broadcast %add3A_221 : i32 to vector<16xi32>
        %add3A_223 = arith.addi %iota3A, %add3A_222 : vector<16xi32>
        %and3A_224 = arith.constant 63 : i32
        %and3A_225 = vector.broadcast %and3A_224 : i32 to vector<16xi32>
        %and3A_226 = arith.andi %add3A_223, %and3A_225 : vector<16xi32>
        %gather3A_227 = tpu.vector_load_idx %arg8[%add3A_107, %and3A_226] : memref<512x64xf32, #tpu.memory_space<vmem>>[vector<16xi32>, vector<16xi32>], vector<16xf32>,
        %add3A_228 = arith.addf %add3A_188, %gather3A_227 : vector<16xf32>
        %mul3A_229 = arith.mulf %gather3A_227, %gather3A_227 : vector<16xf32>
        %add3A_230 = arith.addf %add3A_190, %mul3A_229 : vector<16xf32>
        %add3A_231 = arith.constant 11 : i32
        %add3A_232 = vector.broadcast %add3A_231 : i32 to vector<16xi32>
        %add3A_233 = arith.addi %iota3A, %add3A_232 : vector<16xi32>
        %and3A_234 = arith.constant 63 : i32
        %and3A_235 = vector.broadcast %and3A_234 : i32 to vector<16xi32>
        %and3A_236 = arith.andi %add3A_233, %and3A_235 : vector<16xi32>
        %gather3A_237 = tpu.vector_load_idx %arg8[%add3A_107, %and3A_236] : memref<512x64xf32, #tpu.memory_space<vmem>>[vector<16xi32>, vector<16xi32>], vector<16xf32>,
        %add3A_238 = arith.addf %add3A_198, %gather3A_237 : vector<16xf32>
        %mul3A_239 = arith.mulf %gather3A_237, %gather3A_237 : vector<16xf32>
        %add3A_240 = arith.addf %add3A_200, %mul3A_239 : vector<16xf32>
        %add3A_241 = arith.constant 12 : i32
        %add3A_242 = vector.broadcast %add3A_241 : i32 to vector<16xi32>
        %add3A_243 = arith.addi %iota3A, %add3A_242 : vector<16xi32>
        %and3A_244 = arith.constant 63 : i32
        %and3A_245 = vector.broadcast %and3A_244 : i32 to vector<16xi32>
        %and3A_246 = arith.andi %add3A_243, %and3A_245 : vector<16xi32>
        %gather3A_247 = tpu.vector_load_idx %arg8[%add3A_107, %and3A_246] : memref<512x64xf32, #tpu.memory_space<vmem>>[vector<16xi32>, vector<16xi32>], vector<16xf32>,
        %add3A_248 = arith.addf %add3A_208, %gather3A_247 : vector<16xf32>
        %mul3A_249 = arith.mulf %gather3A_247, %gather3A_247 : vector<16xf32>
        %add3A_250 = arith.addf %add3A_210, %mul3A_249 : vector<16xf32>
        %add3A_251 = arith.constant 13 : i32
        %add3A_252 = vector.broadcast %add3A_251 : i32 to vector<16xi32>
        %add3A_253 = arith.addi %iota3A, %add3A_252 : vector<16xi32>
        %and3A_254 = arith.constant 63 : i32
        %and3A_255 = vector.broadcast %and3A_254 : i32 to vector<16xi32>
        %and3A_256 = arith.andi %add3A_253, %and3A_255 : vector<16xi32>
        %gather3A_257 = tpu.vector_load_idx %arg8[%add3A_107, %and3A_256] : memref<512x64xf32, #tpu.memory_space<vmem>>[vector<16xi32>, vector<16xi32>], vector<16xf32>,
        %add3A_258 = arith.addf %add3A_218, %gather3A_257 : vector<16xf32>
        %mul3A_259 = arith.mulf %gather3A_257, %gather3A_257 : vector<16xf32>
        %add3A_260 = arith.addf %add3A_220, %mul3A_259 : vector<16xf32>
        %add3A_261 = arith.constant 14 : i32
        %add3A_262 = vector.broadcast %add3A_261 : i32 to vector<16xi32>
        %add3A_263 = arith.addi %iota3A, %add3A_262 : vector<16xi32>
        %and3A_264 = arith.constant 63 : i32
        %and3A_265 = vector.broadcast %and3A_264 : i32 to vector<16xi32>
        %and3A_266 = arith.andi %add3A_263, %and3A_265 : vector<16xi32>
        %gather3A_267 = tpu.vector_load_idx %arg8[%add3A_107, %and3A_266] : memref<512x64xf32, #tpu.memory_space<vmem>>[vector<16xi32>, vector<16xi32>], vector<16xf32>,
        %add3A_268 = arith.addf %add3A_228, %gather3A_267 : vector<16xf32>
        %mul3A_269 = arith.mulf %gather3A_267, %gather3A_267 : vector<16xf32>
        %add3A_270 = arith.addf %add3A_230, %mul3A_269 : vector<16xf32>
        %add3A_271 = arith.constant 15 : i32
        %add3A_272 = vector.broadcast %add3A_271 : i32 to vector<16xi32>
        %add3A_273 = arith.addi %iota3A, %add3A_272 : vector<16xi32>
        %and3A_274 = arith.constant 63 : i32
        %and3A_275 = vector.broadcast %and3A_274 : i32 to vector<16xi32>
        %and3A_276 = arith.andi %add3A_273, %and3A_275 : vector<16xi32>
        %gather3A_277 = tpu.vector_load_idx %arg8[%add3A_107, %and3A_276] : memref<512x64xf32, #tpu.memory_space<vmem>>[vector<16xi32>, vector<16xi32>], vector<16xf32>,
        %add3A_278 = arith.addf %add3A_238, %gather3A_277 : vector<16xf32>
        %mul3A_279 = arith.mulf %gather3A_277, %gather3A_277 : vector<16xf32>
        %add3A_280 = arith.addf %add3A_240, %mul3A_279 : vector<16xf32>
        %add3A_281 = arith.constant 16 : i32
        %add3A_282 = vector.broadcast %add3A_281 : i32 to vector<16xi32>
        %add3A_283 = arith.addi %iota3A, %add3A_282 : vector<16xi32>
        %and3A_284 = arith.constant 63 : i32
        %and3A_285 = vector.broadcast %and3A_284 : i32 to vector<16xi32>
        %and3A_286 = arith.andi %add3A_283, %and3A_285 : vector<16xi32>
        %gather3A_287 = tpu.vector_load_idx %arg8[%add3A_107, %and3A_286] : memref<512x64xf32, #tpu.memory_space<vmem>>[vector<16xi32>, vector<16xi32>], vector<16xf32>,
        %add3A_288 = arith.addf %add3A_248, %gather3A_287 : vector<16xf32>
        %mul3A_289 = arith.mulf %gather3A_287, %gather3A_287 : vector<16xf32>
        %add3A_290 = arith.addf %add3A_250, %mul3A_289 : vector<16xf32>
        %add3A_291 = arith.constant 17 : i32
        %add3A_292 = vector.broadcast %add3A_291 : i32 to vector<16xi32>
        %add3A_293 = arith.addi %iota3A, %add3A_292 : vector<16xi32>
        %and3A_294 = arith.constant 63 : i32
        %and3A_295 = vector.broadcast %and3A_294 : i32 to vector<16xi32>
        %and3A_296 = arith.andi %add3A_293, %and3A_295 : vector<16xi32>
        %gather3A_297 = tpu.vector_load_idx %arg8[%add3A_107, %and3A_296] : memref<512x64xf32, #tpu.memory_space<vmem>>[vector<16xi32>, vector<16xi32>], vector<16xf32>,
        %add3A_298 = arith.addf %add3A_258, %gather3A_297 : vector<16xf32>
        %mul3A_299 = arith.mulf %gather3A_297, %gather3A_297 : vector<16xf32>
        %add3A_300 = arith.addf %add3A_260, %mul3A_299 : vector<16xf32>
        %add3A_301 = arith.constant 18 : i32
        %add3A_302 = vector.broadcast %add3A_301 : i32 to vector<16xi32>
        %add3A_303 = arith.addi %iota3A, %add3A_302 : vector<16xi32>
        %and3A_304 = arith.constant 63 : i32
        %and3A_305 = vector.broadcast %and3A_304 : i32 to vector<16xi32>
        %and3A_306 = arith.andi %add3A_303, %and3A_305 : vector<16xi32>
        %gather3A_307 = tpu.vector_load_idx %arg8[%add3A_107, %and3A_306] : memref<512x64xf32, #tpu.memory_space<vmem>>[vector<16xi32>, vector<16xi32>], vector<16xf32>,
        %add3A_308 = arith.addf %add3A_268, %gather3A_307 : vector<16xf32>
        %mul3A_309 = arith.mulf %gather3A_307, %gather3A_307 : vector<16xf32>
        %add3A_310 = arith.addf %add3A_270, %mul3A_309 : vector<16xf32>
        %add3A_311 = arith.constant 19 : i32
        %add3A_312 = vector.broadcast %add3A_311 : i32 to vector<16xi32>
        %add3A_313 = arith.addi %iota3A, %add3A_312 : vector<16xi32>
        %and3A_314 = arith.constant 63 : i32
        %and3A_315 = vector.broadcast %and3A_314 : i32 to vector<16xi32>
        %and3A_316 = arith.andi %add3A_313, %and3A_315 : vector<16xi32>
        %gather3A_317 = tpu.vector_load_idx %arg8[%add3A_107, %and3A_316] : memref<512x64xf32, #tpu.memory_space<vmem>>[vector<16xi32>, vector<16xi32>], vector<16xf32>,
        %add3A_318 = arith.addf %add3A_278, %gather3A_317 : vector<16xf32>
        %mul3A_319 = arith.mulf %gather3A_317, %gather3A_317 : vector<16xf32>
        %add3A_320 = arith.addf %add3A_280, %mul3A_319 : vector<16xf32>
        %add3A_321 = arith.constant 20 : i32
        %add3A_322 = vector.broadcast %add3A_321 : i32 to vector<16xi32>
        %add3A_323 = arith.addi %iota3A, %add3A_322 : vector<16xi32>
        %and3A_324 = arith.constant 63 : i32
        %and3A_325 = vector.broadcast %and3A_324 : i32 to vector<16xi32>
        %and3A_326 = arith.andi %add3A_323, %and3A_325 : vector<16xi32>
        %gather3A_327 = tpu.vector_load_idx %arg8[%add3A_107, %and3A_326] : memref<512x64xf32, #tpu.memory_space<vmem>>[vector<16xi32>, vector<16xi32>], vector<16xf32>,
        %add3A_328 = arith.addf %add3A_288, %gather3A_327 : vector<16xf32>
        %mul3A_329 = arith.mulf %gather3A_327, %gather3A_327 : vector<16xf32>
        %add3A_330 = arith.addf %add3A_290, %mul3A_329 : vector<16xf32>
        %add3A_331 = arith.constant 21 : i32
        %add3A_332 = vector.broadcast %add3A_331 : i32 to vector<16xi32>
        %add3A_333 = arith.addi %iota3A, %add3A_332 : vector<16xi32>
        %and3A_334 = arith.constant 63 : i32
        %and3A_335 = vector.broadcast %and3A_334 : i32 to vector<16xi32>
        %and3A_336 = arith.andi %add3A_333, %and3A_335 : vector<16xi32>
        %gather3A_337 = tpu.vector_load_idx %arg8[%add3A_107, %and3A_336] : memref<512x64xf32, #tpu.memory_space<vmem>>[vector<16xi32>, vector<16xi32>], vector<16xf32>,
        %add3A_338 = arith.addf %add3A_298, %gather3A_337 : vector<16xf32>
        %mul3A_339 = arith.mulf %gather3A_337, %gather3A_337 : vector<16xf32>
        %add3A_340 = arith.addf %add3A_300, %mul3A_339 : vector<16xf32>
        %add3A_341 = arith.constant 22 : i32
        %add3A_342 = vector.broadcast %add3A_341 : i32 to vector<16xi32>
        %add3A_343 = arith.addi %iota3A, %add3A_342 : vector<16xi32>
        %and3A_344 = arith.constant 63 : i32
        %and3A_345 = vector.broadcast %and3A_344 : i32 to vector<16xi32>
        %and3A_346 = arith.andi %add3A_343, %and3A_345 : vector<16xi32>
        %gather3A_347 = tpu.vector_load_idx %arg8[%add3A_107, %and3A_346] : memref<512x64xf32, #tpu.memory_space<vmem>>[vector<16xi32>, vector<16xi32>], vector<16xf32>,
        %add3A_348 = arith.addf %add3A_308, %gather3A_347 : vector<16xf32>
        %mul3A_349 = arith.mulf %gather3A_347, %gather3A_347 : vector<16xf32>
        %add3A_350 = arith.addf %add3A_310, %mul3A_349 : vector<16xf32>
        %add3A_351 = arith.constant 23 : i32
        %add3A_352 = vector.broadcast %add3A_351 : i32 to vector<16xi32>
        %add3A_353 = arith.addi %iota3A, %add3A_352 : vector<16xi32>
        %and3A_354 = arith.constant 63 : i32
        %and3A_355 = vector.broadcast %and3A_354 : i32 to vector<16xi32>
        %and3A_356 = arith.andi %add3A_353, %and3A_355 : vector<16xi32>
        %gather3A_357 = tpu.vector_load_idx %arg8[%add3A_107, %and3A_356] : memref<512x64xf32, #tpu.memory_space<vmem>>[vector<16xi32>, vector<16xi32>], vector<16xf32>,
        %add3A_358 = arith.addf %add3A_318, %gather3A_357 : vector<16xf32>
        %mul3A_359 = arith.mulf %gather3A_357, %gather3A_357 : vector<16xf32>
        %add3A_360 = arith.addf %add3A_320, %mul3A_359 : vector<16xf32>
        %add3A_361 = arith.constant 24 : i32
        %add3A_362 = vector.broadcast %add3A_361 : i32 to vector<16xi32>
        %add3A_363 = arith.addi %iota3A, %add3A_362 : vector<16xi32>
        %and3A_364 = arith.constant 63 : i32
        %and3A_365 = vector.broadcast %and3A_364 : i32 to vector<16xi32>
        %and3A_366 = arith.andi %add3A_363, %and3A_365 : vector<16xi32>
        %gather3A_367 = tpu.vector_load_idx %arg8[%add3A_107, %and3A_366] : memref<512x64xf32, #tpu.memory_space<vmem>>[vector<16xi32>, vector<16xi32>], vector<16xf32>,
        %add3A_368 = arith.addf %add3A_328, %gather3A_367 : vector<16xf32>
        %mul3A_369 = arith.mulf %gather3A_367, %gather3A_367 : vector<16xf32>
        %add3A_370 = arith.addf %add3A_330, %mul3A_369 : vector<16xf32>
        %add3A_371 = arith.constant 25 : i32
        %add3A_372 = vector.broadcast %add3A_371 : i32 to vector<16xi32>
        %add3A_373 = arith.addi %iota3A, %add3A_372 : vector<16xi32>
        %and3A_374 = arith.constant 63 : i32
        %and3A_375 = vector.broadcast %and3A_374 : i32 to vector<16xi32>
        %and3A_376 = arith.andi %add3A_373, %and3A_375 : vector<16xi32>
        %gather3A_377 = tpu.vector_load_idx %arg8[%add3A_107, %and3A_376] : memref<512x64xf32, #tpu.memory_space<vmem>>[vector<16xi32>, vector<16xi32>], vector<16xf32>,
        %add3A_378 = arith.addf %add3A_338, %gather3A_377 : vector<16xf32>
        %mul3A_379 = arith.mulf %gather3A_377, %gather3A_377 : vector<16xf32>
        %add3A_380 = arith.addf %add3A_340, %mul3A_379 : vector<16xf32>
        %add3A_381 = arith.constant 26 : i32
        %add3A_382 = vector.broadcast %add3A_381 : i32 to vector<16xi32>
        %add3A_383 = arith.addi %iota3A, %add3A_382 : vector<16xi32>
        %and3A_384 = arith.constant 63 : i32
        %and3A_385 = vector.broadcast %and3A_384 : i32 to vector<16xi32>
        %and3A_386 = arith.andi %add3A_383, %and3A_385 : vector<16xi32>
        %gather3A_387 = tpu.vector_load_idx %arg8[%add3A_107, %and3A_386] : memref<512x64xf32, #tpu.memory_space<vmem>>[vector<16xi32>, vector<16xi32>], vector<16xf32>,
        %add3A_388 = arith.addf %add3A_348, %gather3A_387 : vector<16xf32>
        %mul3A_389 = arith.mulf %gather3A_387, %gather3A_387 : vector<16xf32>
        %add3A_390 = arith.addf %add3A_350, %mul3A_389 : vector<16xf32>
        %add3A_391 = arith.constant 27 : i32
        %add3A_392 = vector.broadcast %add3A_391 : i32 to vector<16xi32>
        %add3A_393 = arith.addi %iota3A, %add3A_392 : vector<16xi32>
        %and3A_394 = arith.constant 63 : i32
        %and3A_395 = vector.broadcast %and3A_394 : i32 to vector<16xi32>
        %and3A_396 = arith.andi %add3A_393, %and3A_395 : vector<16xi32>
        %gather3A_397 = tpu.vector_load_idx %arg8[%add3A_107, %and3A_396] : memref<512x64xf32, #tpu.memory_space<vmem>>[vector<16xi32>, vector<16xi32>], vector<16xf32>,
        %add3A_398 = arith.addf %add3A_358, %gather3A_397 : vector<16xf32>
        %mul3A_399 = arith.mulf %gather3A_397, %gather3A_397 : vector<16xf32>
        %add3A_400 = arith.addf %add3A_360, %mul3A_399 : vector<16xf32>
        %add3A_401 = arith.constant 28 : i32
        %add3A_402 = vector.broadcast %add3A_401 : i32 to vector<16xi32>
        %add3A_403 = arith.addi %iota3A, %add3A_402 : vector<16xi32>
        %and3A_404 = arith.constant 63 : i32
        %and3A_405 = vector.broadcast %and3A_404 : i32 to vector<16xi32>
        %and3A_406 = arith.andi %add3A_403, %and3A_405 : vector<16xi32>
        %gather3A_407 = tpu.vector_load_idx %arg8[%add3A_107, %and3A_406] : memref<512x64xf32, #tpu.memory_space<vmem>>[vector<16xi32>, vector<16xi32>], vector<16xf32>,
        %add3A_408 = arith.addf %add3A_368, %gather3A_407 : vector<16xf32>
        %mul3A_409 = arith.mulf %gather3A_407, %gather3A_407 : vector<16xf32>
        %add3A_410 = arith.addf %add3A_370, %mul3A_409 : vector<16xf32>
        %add3A_411 = arith.constant 29 : i32
        %add3A_412 = vector.broadcast %add3A_411 : i32 to vector<16xi32>
        %add3A_413 = arith.addi %iota3A, %add3A_412 : vector<16xi32>
        %and3A_414 = arith.constant 63 : i32
        %and3A_415 = vector.broadcast %and3A_414 : i32 to vector<16xi32>
        %and3A_416 = arith.andi %add3A_413, %and3A_415 : vector<16xi32>
        %gather3A_417 = tpu.vector_load_idx %arg8[%add3A_107, %and3A_416] : memref<512x64xf32, #tpu.memory_space<vmem>>[vector<16xi32>, vector<16xi32>], vector<16xf32>,
        %add3A_418 = arith.addf %add3A_378, %gather3A_417 : vector<16xf32>
        %mul3A_419 = arith.mulf %gather3A_417, %gather3A_417 : vector<16xf32>
        %add3A_420 = arith.addf %add3A_380, %mul3A_419 : vector<16xf32>
        %add3A_421 = arith.constant 30 : i32
        %add3A_422 = vector.broadcast %add3A_421 : i32 to vector<16xi32>
        %add3A_423 = arith.addi %iota3A, %add3A_422 : vector<16xi32>
        %and3A_424 = arith.constant 63 : i32
        %and3A_425 = vector.broadcast %and3A_424 : i32 to vector<16xi32>
        %and3A_426 = arith.andi %add3A_423, %and3A_425 : vector<16xi32>
        %gather3A_427 = tpu.vector_load_idx %arg8[%add3A_107, %and3A_426] : memref<512x64xf32, #tpu.memory_space<vmem>>[vector<16xi32>, vector<16xi32>], vector<16xf32>,
        %add3A_428 = arith.addf %add3A_388, %gather3A_427 : vector<16xf32>
        %mul3A_429 = arith.mulf %gather3A_427, %gather3A_427 : vector<16xf32>
        %add3A_430 = arith.addf %add3A_390, %mul3A_429 : vector<16xf32>
        %add3A_431 = arith.constant 31 : i32
        %add3A_432 = vector.broadcast %add3A_431 : i32 to vector<16xi32>
        %add3A_433 = arith.addi %iota3A, %add3A_432 : vector<16xi32>
        %and3A_434 = arith.constant 63 : i32
        %and3A_435 = vector.broadcast %and3A_434 : i32 to vector<16xi32>
        %and3A_436 = arith.andi %add3A_433, %and3A_435 : vector<16xi32>
        %gather3A_437 = tpu.vector_load_idx %arg8[%add3A_107, %and3A_436] : memref<512x64xf32, #tpu.memory_space<vmem>>[vector<16xi32>, vector<16xi32>], vector<16xf32>,
        %add3A_438 = arith.addf %add3A_398, %gather3A_437 : vector<16xf32>
        %mul3A_439 = arith.mulf %gather3A_437, %gather3A_437 : vector<16xf32>
        %add3A_440 = arith.addf %add3A_400, %mul3A_439 : vector<16xf32>
        %add3A_441 = arith.constant 32 : i32
        %add3A_442 = vector.broadcast %add3A_441 : i32 to vector<16xi32>
        %add3A_443 = arith.addi %iota3A, %add3A_442 : vector<16xi32>
        %and3A_444 = arith.constant 63 : i32
        %and3A_445 = vector.broadcast %and3A_444 : i32 to vector<16xi32>
        %and3A_446 = arith.andi %add3A_443, %and3A_445 : vector<16xi32>
        %gather3A_447 = tpu.vector_load_idx %arg8[%add3A_107, %and3A_446] : memref<512x64xf32, #tpu.memory_space<vmem>>[vector<16xi32>, vector<16xi32>], vector<16xf32>,
        %add3A_448 = arith.addf %add3A_408, %gather3A_447 : vector<16xf32>
        %mul3A_449 = arith.mulf %gather3A_447, %gather3A_447 : vector<16xf32>
        %add3A_450 = arith.addf %add3A_410, %mul3A_449 : vector<16xf32>
        %add3A_451 = arith.constant 33 : i32
        %add3A_452 = vector.broadcast %add3A_451 : i32 to vector<16xi32>
        %add3A_453 = arith.addi %iota3A, %add3A_452 : vector<16xi32>
        %and3A_454 = arith.constant 63 : i32
        %and3A_455 = vector.broadcast %and3A_454 : i32 to vector<16xi32>
        %and3A_456 = arith.andi %add3A_453, %and3A_455 : vector<16xi32>
        %gather3A_457 = tpu.vector_load_idx %arg8[%add3A_107, %and3A_456] : memref<512x64xf32, #tpu.memory_space<vmem>>[vector<16xi32>, vector<16xi32>], vector<16xf32>,
        %add3A_458 = arith.addf %add3A_418, %gather3A_457 : vector<16xf32>
        %mul3A_459 = arith.mulf %gather3A_457, %gather3A_457 : vector<16xf32>
        %add3A_460 = arith.addf %add3A_420, %mul3A_459 : vector<16xf32>
        %add3A_461 = arith.constant 34 : i32
        %add3A_462 = vector.broadcast %add3A_461 : i32 to vector<16xi32>
        %add3A_463 = arith.addi %iota3A, %add3A_462 : vector<16xi32>
        %and3A_464 = arith.constant 63 : i32
        %and3A_465 = vector.broadcast %and3A_464 : i32 to vector<16xi32>
        %and3A_466 = arith.andi %add3A_463, %and3A_465 : vector<16xi32>
        %gather3A_467 = tpu.vector_load_idx %arg8[%add3A_107, %and3A_466] : memref<512x64xf32, #tpu.memory_space<vmem>>[vector<16xi32>, vector<16xi32>], vector<16xf32>,
        %add3A_468 = arith.addf %add3A_428, %gather3A_467 : vector<16xf32>
        %mul3A_469 = arith.mulf %gather3A_467, %gather3A_467 : vector<16xf32>
        %add3A_470 = arith.addf %add3A_430, %mul3A_469 : vector<16xf32>
        %add3A_471 = arith.constant 35 : i32
        %add3A_472 = vector.broadcast %add3A_471 : i32 to vector<16xi32>
        %add3A_473 = arith.addi %iota3A, %add3A_472 : vector<16xi32>
        %and3A_474 = arith.constant 63 : i32
        %and3A_475 = vector.broadcast %and3A_474 : i32 to vector<16xi32>
        %and3A_476 = arith.andi %add3A_473, %and3A_475 : vector<16xi32>
        %gather3A_477 = tpu.vector_load_idx %arg8[%add3A_107, %and3A_476] : memref<512x64xf32, #tpu.memory_space<vmem>>[vector<16xi32>, vector<16xi32>], vector<16xf32>,
        %add3A_478 = arith.addf %add3A_438, %gather3A_477 : vector<16xf32>
        %mul3A_479 = arith.mulf %gather3A_477, %gather3A_477 : vector<16xf32>
        %add3A_480 = arith.addf %add3A_440, %mul3A_479 : vector<16xf32>
        %add3A_481 = arith.constant 36 : i32
        %add3A_482 = vector.broadcast %add3A_481 : i32 to vector<16xi32>
        %add3A_483 = arith.addi %iota3A, %add3A_482 : vector<16xi32>
        %and3A_484 = arith.constant 63 : i32
        %and3A_485 = vector.broadcast %and3A_484 : i32 to vector<16xi32>
        %and3A_486 = arith.andi %add3A_483, %and3A_485 : vector<16xi32>
        %gather3A_487 = tpu.vector_load_idx %arg8[%add3A_107, %and3A_486] : memref<512x64xf32, #tpu.memory_space<vmem>>[vector<16xi32>, vector<16xi32>], vector<16xf32>,
        %add3A_488 = arith.addf %add3A_448, %gather3A_487 : vector<16xf32>
        %mul3A_489 = arith.mulf %gather3A_487, %gather3A_487 : vector<16xf32>
        %add3A_490 = arith.addf %add3A_450, %mul3A_489 : vector<16xf32>
        %add3A_491 = arith.constant 37 : i32
        %add3A_492 = vector.broadcast %add3A_491 : i32 to vector<16xi32>
        %add3A_493 = arith.addi %iota3A, %add3A_492 : vector<16xi32>
        %and3A_494 = arith.constant 63 : i32
        %and3A_495 = vector.broadcast %and3A_494 : i32 to vector<16xi32>
        %and3A_496 = arith.andi %add3A_493, %and3A_495 : vector<16xi32>
        %gather3A_497 = tpu.vector_load_idx %arg8[%add3A_107, %and3A_496] : memref<512x64xf32, #tpu.memory_space<vmem>>[vector<16xi32>, vector<16xi32>], vector<16xf32>,
        %add3A_498 = arith.addf %add3A_458, %gather3A_497 : vector<16xf32>
        %mul3A_499 = arith.mulf %gather3A_497, %gather3A_497 : vector<16xf32>
        %add3A_500 = arith.addf %add3A_460, %mul3A_499 : vector<16xf32>
        %add3A_501 = arith.constant 38 : i32
        %add3A_502 = vector.broadcast %add3A_501 : i32 to vector<16xi32>
        %add3A_503 = arith.addi %iota3A, %add3A_502 : vector<16xi32>
        %and3A_504 = arith.constant 63 : i32
        %and3A_505 = vector.broadcast %and3A_504 : i32 to vector<16xi32>
        %and3A_506 = arith.andi %add3A_503, %and3A_505 : vector<16xi32>
        %gather3A_507 = tpu.vector_load_idx %arg8[%add3A_107, %and3A_506] : memref<512x64xf32, #tpu.memory_space<vmem>>[vector<16xi32>, vector<16xi32>], vector<16xf32>,
        %add3A_508 = arith.addf %add3A_468, %gather3A_507 : vector<16xf32>
        %mul3A_509 = arith.mulf %gather3A_507, %gather3A_507 : vector<16xf32>
        %add3A_510 = arith.addf %add3A_470, %mul3A_509 : vector<16xf32>
        %add3A_511 = arith.constant 39 : i32
        %add3A_512 = vector.broadcast %add3A_511 : i32 to vector<16xi32>
        %add3A_513 = arith.addi %iota3A, %add3A_512 : vector<16xi32>
        %and3A_514 = arith.constant 63 : i32
        %and3A_515 = vector.broadcast %and3A_514 : i32 to vector<16xi32>
        %and3A_516 = arith.andi %add3A_513, %and3A_515 : vector<16xi32>
        %gather3A_517 = tpu.vector_load_idx %arg8[%add3A_107, %and3A_516] : memref<512x64xf32, #tpu.memory_space<vmem>>[vector<16xi32>, vector<16xi32>], vector<16xf32>,
        %add3A_518 = arith.addf %add3A_478, %gather3A_517 : vector<16xf32>
        %mul3A_519 = arith.mulf %gather3A_517, %gather3A_517 : vector<16xf32>
        %add3A_520 = arith.addf %add3A_480, %mul3A_519 : vector<16xf32>
        %add3A_521 = arith.constant 40 : i32
        %add3A_522 = vector.broadcast %add3A_521 : i32 to vector<16xi32>
        %add3A_523 = arith.addi %iota3A, %add3A_522 : vector<16xi32>
        %and3A_524 = arith.constant 63 : i32
        %and3A_525 = vector.broadcast %and3A_524 : i32 to vector<16xi32>
        %and3A_526 = arith.andi %add3A_523, %and3A_525 : vector<16xi32>
        %gather3A_527 = tpu.vector_load_idx %arg8[%add3A_107, %and3A_526] : memref<512x64xf32, #tpu.memory_space<vmem>>[vector<16xi32>, vector<16xi32>], vector<16xf32>,
        %add3A_528 = arith.addf %add3A_488, %gather3A_527 : vector<16xf32>
        %mul3A_529 = arith.mulf %gather3A_527, %gather3A_527 : vector<16xf32>
        %add3A_530 = arith.addf %add3A_490, %mul3A_529 : vector<16xf32>
        %add3A_531 = arith.constant 41 : i32
        %add3A_532 = vector.broadcast %add3A_531 : i32 to vector<16xi32>
        %add3A_533 = arith.addi %iota3A, %add3A_532 : vector<16xi32>
        %and3A_534 = arith.constant 63 : i32
        %and3A_535 = vector.broadcast %and3A_534 : i32 to vector<16xi32>
        %and3A_536 = arith.andi %add3A_533, %and3A_535 : vector<16xi32>
        %gather3A_537 = tpu.vector_load_idx %arg8[%add3A_107, %and3A_536] : memref<512x64xf32, #tpu.memory_space<vmem>>[vector<16xi32>, vector<16xi32>], vector<16xf32>,
        %add3A_538 = arith.addf %add3A_498, %gather3A_537 : vector<16xf32>
        %mul3A_539 = arith.mulf %gather3A_537, %gather3A_537 : vector<16xf32>
        %add3A_540 = arith.addf %add3A_500, %mul3A_539 : vector<16xf32>
        %add3A_541 = arith.constant 42 : i32
        %add3A_542 = vector.broadcast %add3A_541 : i32 to vector<16xi32>
        %add3A_543 = arith.addi %iota3A, %add3A_542 : vector<16xi32>
        %and3A_544 = arith.constant 63 : i32
        %and3A_545 = vector.broadcast %and3A_544 : i32 to vector<16xi32>
        %and3A_546 = arith.andi %add3A_543, %and3A_545 : vector<16xi32>
        %gather3A_547 = tpu.vector_load_idx %arg8[%add3A_107, %and3A_546] : memref<512x64xf32, #tpu.memory_space<vmem>>[vector<16xi32>, vector<16xi32>], vector<16xf32>,
        %add3A_548 = arith.addf %add3A_508, %gather3A_547 : vector<16xf32>
        %mul3A_549 = arith.mulf %gather3A_547, %gather3A_547 : vector<16xf32>
        %add3A_550 = arith.addf %add3A_510, %mul3A_549 : vector<16xf32>
        %add3A_551 = arith.constant 43 : i32
        %add3A_552 = vector.broadcast %add3A_551 : i32 to vector<16xi32>
        %add3A_553 = arith.addi %iota3A, %add3A_552 : vector<16xi32>
        %and3A_554 = arith.constant 63 : i32
        %and3A_555 = vector.broadcast %and3A_554 : i32 to vector<16xi32>
        %and3A_556 = arith.andi %add3A_553, %and3A_555 : vector<16xi32>
        %gather3A_557 = tpu.vector_load_idx %arg8[%add3A_107, %and3A_556] : memref<512x64xf32, #tpu.memory_space<vmem>>[vector<16xi32>, vector<16xi32>], vector<16xf32>,
        %add3A_558 = arith.addf %add3A_518, %gather3A_557 : vector<16xf32>
        %mul3A_559 = arith.mulf %gather3A_557, %gather3A_557 : vector<16xf32>
        %add3A_560 = arith.addf %add3A_520, %mul3A_559 : vector<16xf32>
        %add3A_561 = arith.constant 44 : i32
        %add3A_562 = vector.broadcast %add3A_561 : i32 to vector<16xi32>
        %add3A_563 = arith.addi %iota3A, %add3A_562 : vector<16xi32>
        %and3A_564 = arith.constant 63 : i32
        %and3A_565 = vector.broadcast %and3A_564 : i32 to vector<16xi32>
        %and3A_566 = arith.andi %add3A_563, %and3A_565 : vector<16xi32>
        %gather3A_567 = tpu.vector_load_idx %arg8[%add3A_107, %and3A_566] : memref<512x64xf32, #tpu.memory_space<vmem>>[vector<16xi32>, vector<16xi32>], vector<16xf32>,
        %add3A_568 = arith.addf %add3A_528, %gather3A_567 : vector<16xf32>
        %mul3A_569 = arith.mulf %gather3A_567, %gather3A_567 : vector<16xf32>
        %add3A_570 = arith.addf %add3A_530, %mul3A_569 : vector<16xf32>
        %add3A_571 = arith.constant 45 : i32
        %add3A_572 = vector.broadcast %add3A_571 : i32 to vector<16xi32>
        %add3A_573 = arith.addi %iota3A, %add3A_572 : vector<16xi32>
        %and3A_574 = arith.constant 63 : i32
        %and3A_575 = vector.broadcast %and3A_574 : i32 to vector<16xi32>
        %and3A_576 = arith.andi %add3A_573, %and3A_575 : vector<16xi32>
        %gather3A_577 = tpu.vector_load_idx %arg8[%add3A_107, %and3A_576] : memref<512x64xf32, #tpu.memory_space<vmem>>[vector<16xi32>, vector<16xi32>], vector<16xf32>,
        %add3A_578 = arith.addf %add3A_538, %gather3A_577 : vector<16xf32>
        %mul3A_579 = arith.mulf %gather3A_577, %gather3A_577 : vector<16xf32>
        %add3A_580 = arith.addf %add3A_540, %mul3A_579 : vector<16xf32>
        %add3A_581 = arith.constant 46 : i32
        %add3A_582 = vector.broadcast %add3A_581 : i32 to vector<16xi32>
        %add3A_583 = arith.addi %iota3A, %add3A_582 : vector<16xi32>
        %and3A_584 = arith.constant 63 : i32
        %and3A_585 = vector.broadcast %and3A_584 : i32 to vector<16xi32>
        %and3A_586 = arith.andi %add3A_583, %and3A_585 : vector<16xi32>
        %gather3A_587 = tpu.vector_load_idx %arg8[%add3A_107, %and3A_586] : memref<512x64xf32, #tpu.memory_space<vmem>>[vector<16xi32>, vector<16xi32>], vector<16xf32>,
        %add3A_588 = arith.addf %add3A_548, %gather3A_587 : vector<16xf32>
        %mul3A_589 = arith.mulf %gather3A_587, %gather3A_587 : vector<16xf32>
        %add3A_590 = arith.addf %add3A_550, %mul3A_589 : vector<16xf32>
        %add3A_591 = arith.constant 47 : i32
        %add3A_592 = vector.broadcast %add3A_591 : i32 to vector<16xi32>
        %add3A_593 = arith.addi %iota3A, %add3A_592 : vector<16xi32>
        %and3A_594 = arith.constant 63 : i32
        %and3A_595 = vector.broadcast %and3A_594 : i32 to vector<16xi32>
        %and3A_596 = arith.andi %add3A_593, %and3A_595 : vector<16xi32>
        %gather3A_597 = tpu.vector_load_idx %arg8[%add3A_107, %and3A_596] : memref<512x64xf32, #tpu.memory_space<vmem>>[vector<16xi32>, vector<16xi32>], vector<16xf32>,
        %add3A_598 = arith.addf %add3A_558, %gather3A_597 : vector<16xf32>
        %mul3A_599 = arith.mulf %gather3A_597, %gather3A_597 : vector<16xf32>
        %add3A_600 = arith.addf %add3A_560, %mul3A_599 : vector<16xf32>
        %add3A_601 = arith.constant 48 : i32
        %add3A_602 = vector.broadcast %add3A_601 : i32 to vector<16xi32>
        %add3A_603 = arith.addi %iota3A, %add3A_602 : vector<16xi32>
        %and3A_604 = arith.constant 63 : i32
        %and3A_605 = vector.broadcast %and3A_604 : i32 to vector<16xi32>
        %and3A_606 = arith.andi %add3A_603, %and3A_605 : vector<16xi32>
        %gather3A_607 = tpu.vector_load_idx %arg8[%add3A_107, %and3A_606] : memref<512x64xf32, #tpu.memory_space<vmem>>[vector<16xi32>, vector<16xi32>], vector<16xf32>,
        %add3A_608 = arith.addf %add3A_568, %gather3A_607 : vector<16xf32>
        %mul3A_609 = arith.mulf %gather3A_607, %gather3A_607 : vector<16xf32>
        %add3A_610 = arith.addf %add3A_570, %mul3A_609 : vector<16xf32>
        %add3A_611 = arith.constant 49 : i32
        %add3A_612 = vector.broadcast %add3A_611 : i32 to vector<16xi32>
        %add3A_613 = arith.addi %iota3A, %add3A_612 : vector<16xi32>
        %and3A_614 = arith.constant 63 : i32
        %and3A_615 = vector.broadcast %and3A_614 : i32 to vector<16xi32>
        %and3A_616 = arith.andi %add3A_613, %and3A_615 : vector<16xi32>
        %gather3A_617 = tpu.vector_load_idx %arg8[%add3A_107, %and3A_616] : memref<512x64xf32, #tpu.memory_space<vmem>>[vector<16xi32>, vector<16xi32>], vector<16xf32>,
        %add3A_618 = arith.addf %add3A_578, %gather3A_617 : vector<16xf32>
        %mul3A_619 = arith.mulf %gather3A_617, %gather3A_617 : vector<16xf32>
        %add3A_620 = arith.addf %add3A_580, %mul3A_619 : vector<16xf32>
        %add3A_621 = arith.constant 50 : i32
        %add3A_622 = vector.broadcast %add3A_621 : i32 to vector<16xi32>
        %add3A_623 = arith.addi %iota3A, %add3A_622 : vector<16xi32>
        %and3A_624 = arith.constant 63 : i32
        %and3A_625 = vector.broadcast %and3A_624 : i32 to vector<16xi32>
        %and3A_626 = arith.andi %add3A_623, %and3A_625 : vector<16xi32>
        %gather3A_627 = tpu.vector_load_idx %arg8[%add3A_107, %and3A_626] : memref<512x64xf32, #tpu.memory_space<vmem>>[vector<16xi32>, vector<16xi32>], vector<16xf32>,
        %add3A_628 = arith.addf %add3A_588, %gather3A_627 : vector<16xf32>
        %mul3A_629 = arith.mulf %gather3A_627, %gather3A_627 : vector<16xf32>
        %add3A_630 = arith.addf %add3A_590, %mul3A_629 : vector<16xf32>
        %add3A_631 = arith.constant 51 : i32
        %add3A_632 = vector.broadcast %add3A_631 : i32 to vector<16xi32>
        %add3A_633 = arith.addi %iota3A, %add3A_632 : vector<16xi32>
        %and3A_634 = arith.constant 63 : i32
        %and3A_635 = vector.broadcast %and3A_634 : i32 to vector<16xi32>
        %and3A_636 = arith.andi %add3A_633, %and3A_635 : vector<16xi32>
        %gather3A_637 = tpu.vector_load_idx %arg8[%add3A_107, %and3A_636] : memref<512x64xf32, #tpu.memory_space<vmem>>[vector<16xi32>, vector<16xi32>], vector<16xf32>,
        %add3A_638 = arith.addf %add3A_598, %gather3A_637 : vector<16xf32>
        %mul3A_639 = arith.mulf %gather3A_637, %gather3A_637 : vector<16xf32>
        %add3A_640 = arith.addf %add3A_600, %mul3A_639 : vector<16xf32>
        %add3A_641 = arith.constant 52 : i32
        %add3A_642 = vector.broadcast %add3A_641 : i32 to vector<16xi32>
        %add3A_643 = arith.addi %iota3A, %add3A_642 : vector<16xi32>
        %and3A_644 = arith.constant 63 : i32
        %and3A_645 = vector.broadcast %and3A_644 : i32 to vector<16xi32>
        %and3A_646 = arith.andi %add3A_643, %and3A_645 : vector<16xi32>
        %gather3A_647 = tpu.vector_load_idx %arg8[%add3A_107, %and3A_646] : memref<512x64xf32, #tpu.memory_space<vmem>>[vector<16xi32>, vector<16xi32>], vector<16xf32>,
        %add3A_648 = arith.addf %add3A_608, %gather3A_647 : vector<16xf32>
        %mul3A_649 = arith.mulf %gather3A_647, %gather3A_647 : vector<16xf32>
        %add3A_650 = arith.addf %add3A_610, %mul3A_649 : vector<16xf32>
        %add3A_651 = arith.constant 53 : i32
        %add3A_652 = vector.broadcast %add3A_651 : i32 to vector<16xi32>
        %add3A_653 = arith.addi %iota3A, %add3A_652 : vector<16xi32>
        %and3A_654 = arith.constant 63 : i32
        %and3A_655 = vector.broadcast %and3A_654 : i32 to vector<16xi32>
        %and3A_656 = arith.andi %add3A_653, %and3A_655 : vector<16xi32>
        %gather3A_657 = tpu.vector_load_idx %arg8[%add3A_107, %and3A_656] : memref<512x64xf32, #tpu.memory_space<vmem>>[vector<16xi32>, vector<16xi32>], vector<16xf32>,
        %add3A_658 = arith.addf %add3A_618, %gather3A_657 : vector<16xf32>
        %mul3A_659 = arith.mulf %gather3A_657, %gather3A_657 : vector<16xf32>
        %add3A_660 = arith.addf %add3A_620, %mul3A_659 : vector<16xf32>
        %add3A_661 = arith.constant 54 : i32
        %add3A_662 = vector.broadcast %add3A_661 : i32 to vector<16xi32>
        %add3A_663 = arith.addi %iota3A, %add3A_662 : vector<16xi32>
        %and3A_664 = arith.constant 63 : i32
        %and3A_665 = vector.broadcast %and3A_664 : i32 to vector<16xi32>
        %and3A_666 = arith.andi %add3A_663, %and3A_665 : vector<16xi32>
        %gather3A_667 = tpu.vector_load_idx %arg8[%add3A_107, %and3A_666] : memref<512x64xf32, #tpu.memory_space<vmem>>[vector<16xi32>, vector<16xi32>], vector<16xf32>,
        %add3A_668 = arith.addf %add3A_628, %gather3A_667 : vector<16xf32>
        %mul3A_669 = arith.mulf %gather3A_667, %gather3A_667 : vector<16xf32>
        %add3A_670 = arith.addf %add3A_630, %mul3A_669 : vector<16xf32>
        %add3A_671 = arith.constant 55 : i32
        %add3A_672 = vector.broadcast %add3A_671 : i32 to vector<16xi32>
        %add3A_673 = arith.addi %iota3A, %add3A_672 : vector<16xi32>
        %and3A_674 = arith.constant 63 : i32
        %and3A_675 = vector.broadcast %and3A_674 : i32 to vector<16xi32>
        %and3A_676 = arith.andi %add3A_673, %and3A_675 : vector<16xi32>
        %gather3A_677 = tpu.vector_load_idx %arg8[%add3A_107, %and3A_676] : memref<512x64xf32, #tpu.memory_space<vmem>>[vector<16xi32>, vector<16xi32>], vector<16xf32>,
        %add3A_678 = arith.addf %add3A_638, %gather3A_677 : vector<16xf32>
        %mul3A_679 = arith.mulf %gather3A_677, %gather3A_677 : vector<16xf32>
        %add3A_680 = arith.addf %add3A_640, %mul3A_679 : vector<16xf32>
        %add3A_681 = arith.constant 56 : i32
        %add3A_682 = vector.broadcast %add3A_681 : i32 to vector<16xi32>
        %add3A_683 = arith.addi %iota3A, %add3A_682 : vector<16xi32>
        %and3A_684 = arith.constant 63 : i32
        %and3A_685 = vector.broadcast %and3A_684 : i32 to vector<16xi32>
        %and3A_686 = arith.andi %add3A_683, %and3A_685 : vector<16xi32>
        %gather3A_687 = tpu.vector_load_idx %arg8[%add3A_107, %and3A_686] : memref<512x64xf32, #tpu.memory_space<vmem>>[vector<16xi32>, vector<16xi32>], vector<16xf32>,
        %add3A_688 = arith.addf %add3A_648, %gather3A_687 : vector<16xf32>
        %mul3A_689 = arith.mulf %gather3A_687, %gather3A_687 : vector<16xf32>
        %add3A_690 = arith.addf %add3A_650, %mul3A_689 : vector<16xf32>
        %add3A_691 = arith.constant 57 : i32
        %add3A_692 = vector.broadcast %add3A_691 : i32 to vector<16xi32>
        %add3A_693 = arith.addi %iota3A, %add3A_692 : vector<16xi32>
        %and3A_694 = arith.constant 63 : i32
        %and3A_695 = vector.broadcast %and3A_694 : i32 to vector<16xi32>
        %and3A_696 = arith.andi %add3A_693, %and3A_695 : vector<16xi32>
        %gather3A_697 = tpu.vector_load_idx %arg8[%add3A_107, %and3A_696] : memref<512x64xf32, #tpu.memory_space<vmem>>[vector<16xi32>, vector<16xi32>], vector<16xf32>,
        %add3A_698 = arith.addf %add3A_658, %gather3A_697 : vector<16xf32>
        %mul3A_699 = arith.mulf %gather3A_697, %gather3A_697 : vector<16xf32>
        %add3A_700 = arith.addf %add3A_660, %mul3A_699 : vector<16xf32>
        %add3A_701 = arith.constant 58 : i32
        %add3A_702 = vector.broadcast %add3A_701 : i32 to vector<16xi32>
        %add3A_703 = arith.addi %iota3A, %add3A_702 : vector<16xi32>
        %and3A_704 = arith.constant 63 : i32
        %and3A_705 = vector.broadcast %and3A_704 : i32 to vector<16xi32>
        %and3A_706 = arith.andi %add3A_703, %and3A_705 : vector<16xi32>
        %gather3A_707 = tpu.vector_load_idx %arg8[%add3A_107, %and3A_706] : memref<512x64xf32, #tpu.memory_space<vmem>>[vector<16xi32>, vector<16xi32>], vector<16xf32>,
        %add3A_708 = arith.addf %add3A_668, %gather3A_707 : vector<16xf32>
        %mul3A_709 = arith.mulf %gather3A_707, %gather3A_707 : vector<16xf32>
        %add3A_710 = arith.addf %add3A_670, %mul3A_709 : vector<16xf32>
        %add3A_711 = arith.constant 59 : i32
        %add3A_712 = vector.broadcast %add3A_711 : i32 to vector<16xi32>
        %add3A_713 = arith.addi %iota3A, %add3A_712 : vector<16xi32>
        %and3A_714 = arith.constant 63 : i32
        %and3A_715 = vector.broadcast %and3A_714 : i32 to vector<16xi32>
        %and3A_716 = arith.andi %add3A_713, %and3A_715 : vector<16xi32>
        %gather3A_717 = tpu.vector_load_idx %arg8[%add3A_107, %and3A_716] : memref<512x64xf32, #tpu.memory_space<vmem>>[vector<16xi32>, vector<16xi32>], vector<16xf32>,
        %add3A_718 = arith.addf %add3A_678, %gather3A_717 : vector<16xf32>
        %mul3A_719 = arith.mulf %gather3A_717, %gather3A_717 : vector<16xf32>
        %add3A_720 = arith.addf %add3A_680, %mul3A_719 : vector<16xf32>
        %add3A_721 = arith.constant 60 : i32
        %add3A_722 = vector.broadcast %add3A_721 : i32 to vector<16xi32>
        %add3A_723 = arith.addi %iota3A, %add3A_722 : vector<16xi32>
        %and3A_724 = arith.constant 63 : i32
        %and3A_725 = vector.broadcast %and3A_724 : i32 to vector<16xi32>
        %and3A_726 = arith.andi %add3A_723, %and3A_725 : vector<16xi32>
        %gather3A_727 = tpu.vector_load_idx %arg8[%add3A_107, %and3A_726] : memref<512x64xf32, #tpu.memory_space<vmem>>[vector<16xi32>, vector<16xi32>], vector<16xf32>,
        %add3A_728 = arith.addf %add3A_688, %gather3A_727 : vector<16xf32>
        %mul3A_729 = arith.mulf %gather3A_727, %gather3A_727 : vector<16xf32>
        %add3A_730 = arith.addf %add3A_690, %mul3A_729 : vector<16xf32>
        %add3A_731 = arith.constant 61 : i32
        %add3A_732 = vector.broadcast %add3A_731 : i32 to vector<16xi32>
        %add3A_733 = arith.addi %iota3A, %add3A_732 : vector<16xi32>
        %and3A_734 = arith.constant 63 : i32
        %and3A_735 = vector.broadcast %and3A_734 : i32 to vector<16xi32>
        %and3A_736 = arith.andi %add3A_733, %and3A_735 : vector<16xi32>
        %gather3A_737 = tpu.vector_load_idx %arg8[%add3A_107, %and3A_736] : memref<512x64xf32, #tpu.memory_space<vmem>>[vector<16xi32>, vector<16xi32>], vector<16xf32>,
        %add3A_738 = arith.addf %add3A_698, %gather3A_737 : vector<16xf32>
        %mul3A_739 = arith.mulf %gather3A_737, %gather3A_737 : vector<16xf32>
        %add3A_740 = arith.addf %add3A_700, %mul3A_739 : vector<16xf32>
        %add3A_741 = arith.constant 62 : i32
        %add3A_742 = vector.broadcast %add3A_741 : i32 to vector<16xi32>
        %add3A_743 = arith.addi %iota3A, %add3A_742 : vector<16xi32>
        %and3A_744 = arith.constant 63 : i32
        %and3A_745 = vector.broadcast %and3A_744 : i32 to vector<16xi32>
        %and3A_746 = arith.andi %add3A_743, %and3A_745 : vector<16xi32>
        %gather3A_747 = tpu.vector_load_idx %arg8[%add3A_107, %and3A_746] : memref<512x64xf32, #tpu.memory_space<vmem>>[vector<16xi32>, vector<16xi32>], vector<16xf32>,
        %add3A_748 = arith.addf %add3A_708, %gather3A_747 : vector<16xf32>
        %mul3A_749 = arith.mulf %gather3A_747, %gather3A_747 : vector<16xf32>
        %add3A_750 = arith.addf %add3A_710, %mul3A_749 : vector<16xf32>
        %add3A_751 = arith.constant 63 : i32
        %add3A_752 = vector.broadcast %add3A_751 : i32 to vector<16xi32>
        %add3A_753 = arith.addi %iota3A, %add3A_752 : vector<16xi32>
        %and3A_754 = arith.constant 63 : i32
        %and3A_755 = vector.broadcast %and3A_754 : i32 to vector<16xi32>
        %and3A_756 = arith.andi %add3A_753, %and3A_755 : vector<16xi32>
        %gather3A_757 = tpu.vector_load_idx %arg8[%add3A_107, %and3A_756] : memref<512x64xf32, #tpu.memory_space<vmem>>[vector<16xi32>, vector<16xi32>], vector<16xf32>,
        %add3A_758 = arith.addf %add3A_718, %gather3A_757 : vector<16xf32>
        %mul3A_759 = arith.mulf %gather3A_757, %gather3A_757 : vector<16xf32>
        %add3A_760 = arith.addf %add3A_720, %mul3A_759 : vector<16xf32>
        %add3A_761 = arith.addf %add3A_728, %add3A_738 : vector<16xf32>
        %add3A_762 = arith.addf %add3A_748, %add3A_758 : vector<16xf32>
        %add3A_763 = arith.addf %add3A_761, %add3A_762 : vector<16xf32>
        %add3A_764 = arith.addf %add3A_730, %add3A_740 : vector<16xf32>
        %add3A_765 = arith.addf %add3A_750, %add3A_760 : vector<16xf32>
        %add3A_766 = arith.addf %add3A_764, %add3A_765 : vector<16xf32>
        %mul3A_767 = arith.constant 1.562500e-02 : f32
        %mul3A_768 = vector.broadcast %mul3A_767 : f32 to vector<16xf32>
        %mul3A_769 = arith.mulf %add3A_763, %mul3A_768 : vector<16xf32>
        %mul3A_770 = arith.constant 1.562500e-02 : f32
        %mul3A_771 = vector.broadcast %mul3A_770 : f32 to vector<16xf32>
        %mul3A_772 = arith.mulf %add3A_766, %mul3A_771 : vector<16xf32>
        %mul3A_773 = arith.mulf %mul3A_769, %mul3A_769 : vector<16xf32>
        %sub3A = arith.subf %mul3A_772, %mul3A_773 : vector<16xf32>
        %max3A = arith.constant 0.000000e+00 : f32
        %max3A_774 = vector.broadcast %max3A : f32 to vector<16xf32>
        %max3A_775 = arith.maximumf %sub3A, %max3A_774 : vector<16xf32>
        %add3A_776 = arith.constant 9.99999974E-6 : f32
        %add3A_777 = vector.broadcast %add3A_776 : f32 to vector<16xf32>
        %add3A_778 = arith.addf %max3A_775, %add3A_777 : vector<16xf32>
        %bitcast3A = vector.bitcast %add3A_778 : vector<16xf32> to vector<16xi32>
        %shift_right_arithmetic3A = arith.constant 1 : i32
        %shift_right_arithmetic3A_779 = vector.broadcast %shift_right_arithmetic3A : i32 to vector<16xi32>
        %shift_right_arithmetic3A_780 = arith.shrsi %bitcast3A, %shift_right_arithmetic3A_779 : vector<16xi32>
        %sub3A_781 = arith.constant 1597463007 : i32
        %sub3A_782 = vector.broadcast %sub3A_781 : i32 to vector<16xi32>
        %sub3A_783 = arith.subi %sub3A_782, %shift_right_arithmetic3A_780 : vector<16xi32>
        %bitcast3A_784 = vector.bitcast %sub3A_783 : vector<16xi32> to vector<16xf32>
        %mul3A_785 = arith.constant 5.000000e-01 : f32
        %mul3A_786 = vector.broadcast %mul3A_785 : f32 to vector<16xf32>
        %mul3A_787 = arith.mulf %mul3A_786, %add3A_778 : vector<16xf32>
        %mul3A_788 = arith.mulf %mul3A_787, %bitcast3A_784 : vector<16xf32>
        %mul3A_789 = arith.mulf %mul3A_788, %bitcast3A_784 : vector<16xf32>
        %sub3A_790 = arith.constant 1.500000e+00 : f32
        %sub3A_791 = vector.broadcast %sub3A_790 : f32 to vector<16xf32>
        %sub3A_792 = arith.subf %sub3A_791, %mul3A_789 : vector<16xf32>
        %mul3A_793 = arith.mulf %bitcast3A_784, %sub3A_792 : vector<16xf32>
        %mul3A_794 = arith.constant 5.000000e-01 : f32
        %mul3A_795 = vector.broadcast %mul3A_794 : f32 to vector<16xf32>
        %mul3A_796 = arith.mulf %mul3A_795, %add3A_778 : vector<16xf32>
        %mul3A_797 = arith.mulf %mul3A_796, %mul3A_793 : vector<16xf32>
        %mul3A_798 = arith.mulf %mul3A_797, %mul3A_793 : vector<16xf32>
        %sub3A_799 = arith.constant 1.500000e+00 : f32
        %sub3A_800 = vector.broadcast %sub3A_799 : f32 to vector<16xf32>
        %sub3A_801 = arith.subf %sub3A_800, %mul3A_798 : vector<16xf32>
        %mul3A_802 = arith.mulf %mul3A_793, %sub3A_801 : vector<16xf32>
        %mul3A_803 = arith.constant 5.000000e-01 : f32
        %mul3A_804 = vector.broadcast %mul3A_803 : f32 to vector<16xf32>
        %mul3A_805 = arith.mulf %mul3A_804, %add3A_778 : vector<16xf32>
        %mul3A_806 = arith.mulf %mul3A_805, %mul3A_802 : vector<16xf32>
        %mul3A_807 = arith.mulf %mul3A_806, %mul3A_802 : vector<16xf32>
        %sub3A_808 = arith.constant 1.500000e+00 : f32
        %sub3A_809 = vector.broadcast %sub3A_808 : f32 to vector<16xf32>
        %sub3A_810 = arith.subf %sub3A_809, %mul3A_807 : vector<16xf32>
        %mul3A_811 = arith.mulf %mul3A_802, %sub3A_810 : vector<16xf32>
        %mul3A_812 = arith.constant 5.000000e-01 : f32
        %mul3A_813 = vector.broadcast %mul3A_812 : f32 to vector<16xf32>
        %mul3A_814 = arith.mulf %mul3A_813, %add3A_778 : vector<16xf32>
        %mul3A_815 = arith.mulf %mul3A_814, %mul3A_811 : vector<16xf32>
        %mul3A_816 = arith.mulf %mul3A_815, %mul3A_811 : vector<16xf32>
        %sub3A_817 = arith.constant 1.500000e+00 : f32
        %sub3A_818 = vector.broadcast %sub3A_817 : f32 to vector<16xf32>
        %sub3A_819 = arith.subf %sub3A_818, %mul3A_816 : vector<16xf32>
        %mul3A_820 = arith.mulf %mul3A_811, %sub3A_819 : vector<16xf32>
        %add3A_821 = arith.constant 0 : i32
        %add3A_822 = vector.broadcast %add3A_821 : i32 to vector<16xi32>
        %add3A_823 = arith.addi %iota3A, %add3A_822 : vector<16xi32>
        %and3A_824 = arith.constant 63 : i32
        %and3A_825 = vector.broadcast %and3A_824 : i32 to vector<16xi32>
        %and3A_826 = arith.andi %add3A_823, %and3A_825 : vector<16xi32>
        %gather3A_827 = tpu.vector_load_idx %arg8[%add3A_107, %and3A_826] : memref<512x64xf32, #tpu.memory_space<vmem>>[vector<16xi32>, vector<16xi32>], vector<16xf32>,
        %sub3A_828 = arith.subf %gather3A_827, %mul3A_769 : vector<16xf32>
        %mul3A_829 = arith.mulf %sub3A_828, %mul3A_820 : vector<16xf32>
        tpu.vector_store_idx %arg8[%add3A_107, %and3A_826], %mul3A_829 : memref<512x64xf32, #tpu.memory_space<vmem>>[vector<16xi32>, vector<16xi32>], vector<16xf32>,
        %add3A_830 = arith.constant 1 : i32
        %add3A_831 = vector.broadcast %add3A_830 : i32 to vector<16xi32>
        %add3A_832 = arith.addi %iota3A, %add3A_831 : vector<16xi32>
        %and3A_833 = arith.constant 63 : i32
        %and3A_834 = vector.broadcast %and3A_833 : i32 to vector<16xi32>
        %and3A_835 = arith.andi %add3A_832, %and3A_834 : vector<16xi32>
        %gather3A_836 = tpu.vector_load_idx %arg8[%add3A_107, %and3A_835] : memref<512x64xf32, #tpu.memory_space<vmem>>[vector<16xi32>, vector<16xi32>], vector<16xf32>,
        %sub3A_837 = arith.subf %gather3A_836, %mul3A_769 : vector<16xf32>
        %mul3A_838 = arith.mulf %sub3A_837, %mul3A_820 : vector<16xf32>
        tpu.vector_store_idx %arg8[%add3A_107, %and3A_835], %mul3A_838 : memref<512x64xf32, #tpu.memory_space<vmem>>[vector<16xi32>, vector<16xi32>], vector<16xf32>,
        %add3A_839 = arith.constant 2 : i32
        %add3A_840 = vector.broadcast %add3A_839 : i32 to vector<16xi32>
        %add3A_841 = arith.addi %iota3A, %add3A_840 : vector<16xi32>
        %and3A_842 = arith.constant 63 : i32
        %and3A_843 = vector.broadcast %and3A_842 : i32 to vector<16xi32>
        %and3A_844 = arith.andi %add3A_841, %and3A_843 : vector<16xi32>
        %gather3A_845 = tpu.vector_load_idx %arg8[%add3A_107, %and3A_844] : memref<512x64xf32, #tpu.memory_space<vmem>>[vector<16xi32>, vector<16xi32>], vector<16xf32>,
        %sub3A_846 = arith.subf %gather3A_845, %mul3A_769 : vector<16xf32>
        %mul3A_847 = arith.mulf %sub3A_846, %mul3A_820 : vector<16xf32>
        tpu.vector_store_idx %arg8[%add3A_107, %and3A_844], %mul3A_847 : memref<512x64xf32, #tpu.memory_space<vmem>>[vector<16xi32>, vector<16xi32>], vector<16xf32>,
        %add3A_848 = arith.constant 3 : i32
        %add3A_849 = vector.broadcast %add3A_848 : i32 to vector<16xi32>
        %add3A_850 = arith.addi %iota3A, %add3A_849 : vector<16xi32>
        %and3A_851 = arith.constant 63 : i32
        %and3A_852 = vector.broadcast %and3A_851 : i32 to vector<16xi32>
        %and3A_853 = arith.andi %add3A_850, %and3A_852 : vector<16xi32>
        %gather3A_854 = tpu.vector_load_idx %arg8[%add3A_107, %and3A_853] : memref<512x64xf32, #tpu.memory_space<vmem>>[vector<16xi32>, vector<16xi32>], vector<16xf32>,
        %sub3A_855 = arith.subf %gather3A_854, %mul3A_769 : vector<16xf32>
        %mul3A_856 = arith.mulf %sub3A_855, %mul3A_820 : vector<16xf32>
        tpu.vector_store_idx %arg8[%add3A_107, %and3A_853], %mul3A_856 : memref<512x64xf32, #tpu.memory_space<vmem>>[vector<16xi32>, vector<16xi32>], vector<16xf32>,
        %add3A_857 = arith.constant 4 : i32
        %add3A_858 = vector.broadcast %add3A_857 : i32 to vector<16xi32>
        %add3A_859 = arith.addi %iota3A, %add3A_858 : vector<16xi32>
        %and3A_860 = arith.constant 63 : i32
        %and3A_861 = vector.broadcast %and3A_860 : i32 to vector<16xi32>
        %and3A_862 = arith.andi %add3A_859, %and3A_861 : vector<16xi32>
        %gather3A_863 = tpu.vector_load_idx %arg8[%add3A_107, %and3A_862] : memref<512x64xf32, #tpu.memory_space<vmem>>[vector<16xi32>, vector<16xi32>], vector<16xf32>,
        %sub3A_864 = arith.subf %gather3A_863, %mul3A_769 : vector<16xf32>
        %mul3A_865 = arith.mulf %sub3A_864, %mul3A_820 : vector<16xf32>
        tpu.vector_store_idx %arg8[%add3A_107, %and3A_862], %mul3A_865 : memref<512x64xf32, #tpu.memory_space<vmem>>[vector<16xi32>, vector<16xi32>], vector<16xf32>,
        %add3A_866 = arith.constant 5 : i32
        %add3A_867 = vector.broadcast %add3A_866 : i32 to vector<16xi32>
        %add3A_868 = arith.addi %iota3A, %add3A_867 : vector<16xi32>
        %and3A_869 = arith.constant 63 : i32
        %and3A_870 = vector.broadcast %and3A_869 : i32 to vector<16xi32>
        %and3A_871 = arith.andi %add3A_868, %and3A_870 : vector<16xi32>
        %gather3A_872 = tpu.vector_load_idx %arg8[%add3A_107, %and3A_871] : memref<512x64xf32, #tpu.memory_space<vmem>>[vector<16xi32>, vector<16xi32>], vector<16xf32>,
        %sub3A_873 = arith.subf %gather3A_872, %mul3A_769 : vector<16xf32>
        %mul3A_874 = arith.mulf %sub3A_873, %mul3A_820 : vector<16xf32>
        tpu.vector_store_idx %arg8[%add3A_107, %and3A_871], %mul3A_874 : memref<512x64xf32, #tpu.memory_space<vmem>>[vector<16xi32>, vector<16xi32>], vector<16xf32>,
        %add3A_875 = arith.constant 6 : i32
        %add3A_876 = vector.broadcast %add3A_875 : i32 to vector<16xi32>
        %add3A_877 = arith.addi %iota3A, %add3A_876 : vector<16xi32>
        %and3A_878 = arith.constant 63 : i32
        %and3A_879 = vector.broadcast %and3A_878 : i32 to vector<16xi32>
        %and3A_880 = arith.andi %add3A_877, %and3A_879 : vector<16xi32>
        %gather3A_881 = tpu.vector_load_idx %arg8[%add3A_107, %and3A_880] : memref<512x64xf32, #tpu.memory_space<vmem>>[vector<16xi32>, vector<16xi32>], vector<16xf32>,
        %sub3A_882 = arith.subf %gather3A_881, %mul3A_769 : vector<16xf32>
        %mul3A_883 = arith.mulf %sub3A_882, %mul3A_820 : vector<16xf32>
        tpu.vector_store_idx %arg8[%add3A_107, %and3A_880], %mul3A_883 : memref<512x64xf32, #tpu.memory_space<vmem>>[vector<16xi32>, vector<16xi32>], vector<16xf32>,
        %add3A_884 = arith.constant 7 : i32
        %add3A_885 = vector.broadcast %add3A_884 : i32 to vector<16xi32>
        %add3A_886 = arith.addi %iota3A, %add3A_885 : vector<16xi32>
        %and3A_887 = arith.constant 63 : i32
        %and3A_888 = vector.broadcast %and3A_887 : i32 to vector<16xi32>
        %and3A_889 = arith.andi %add3A_886, %and3A_888 : vector<16xi32>
        %gather3A_890 = tpu.vector_load_idx %arg8[%add3A_107, %and3A_889] : memref<512x64xf32, #tpu.memory_space<vmem>>[vector<16xi32>, vector<16xi32>], vector<16xf32>,
        %sub3A_891 = arith.subf %gather3A_890, %mul3A_769 : vector<16xf32>
        %mul3A_892 = arith.mulf %sub3A_891, %mul3A_820 : vector<16xf32>
        tpu.vector_store_idx %arg8[%add3A_107, %and3A_889], %mul3A_892 : memref<512x64xf32, #tpu.memory_space<vmem>>[vector<16xi32>, vector<16xi32>], vector<16xf32>,
        %add3A_893 = arith.constant 8 : i32
        %add3A_894 = vector.broadcast %add3A_893 : i32 to vector<16xi32>
        %add3A_895 = arith.addi %iota3A, %add3A_894 : vector<16xi32>
        %and3A_896 = arith.constant 63 : i32
        %and3A_897 = vector.broadcast %and3A_896 : i32 to vector<16xi32>
        %and3A_898 = arith.andi %add3A_895, %and3A_897 : vector<16xi32>
        %gather3A_899 = tpu.vector_load_idx %arg8[%add3A_107, %and3A_898] : memref<512x64xf32, #tpu.memory_space<vmem>>[vector<16xi32>, vector<16xi32>], vector<16xf32>,
        %sub3A_900 = arith.subf %gather3A_899, %mul3A_769 : vector<16xf32>
        %mul3A_901 = arith.mulf %sub3A_900, %mul3A_820 : vector<16xf32>
        tpu.vector_store_idx %arg8[%add3A_107, %and3A_898], %mul3A_901 : memref<512x64xf32, #tpu.memory_space<vmem>>[vector<16xi32>, vector<16xi32>], vector<16xf32>,
        %add3A_902 = arith.constant 9 : i32
        %add3A_903 = vector.broadcast %add3A_902 : i32 to vector<16xi32>
        %add3A_904 = arith.addi %iota3A, %add3A_903 : vector<16xi32>
        %and3A_905 = arith.constant 63 : i32
        %and3A_906 = vector.broadcast %and3A_905 : i32 to vector<16xi32>
        %and3A_907 = arith.andi %add3A_904, %and3A_906 : vector<16xi32>
        %gather3A_908 = tpu.vector_load_idx %arg8[%add3A_107, %and3A_907] : memref<512x64xf32, #tpu.memory_space<vmem>>[vector<16xi32>, vector<16xi32>], vector<16xf32>,
        %sub3A_909 = arith.subf %gather3A_908, %mul3A_769 : vector<16xf32>
        %mul3A_910 = arith.mulf %sub3A_909, %mul3A_820 : vector<16xf32>
        tpu.vector_store_idx %arg8[%add3A_107, %and3A_907], %mul3A_910 : memref<512x64xf32, #tpu.memory_space<vmem>>[vector<16xi32>, vector<16xi32>], vector<16xf32>,
        %add3A_911 = arith.constant 10 : i32
        %add3A_912 = vector.broadcast %add3A_911 : i32 to vector<16xi32>
        %add3A_913 = arith.addi %iota3A, %add3A_912 : vector<16xi32>
        %and3A_914 = arith.constant 63 : i32
        %and3A_915 = vector.broadcast %and3A_914 : i32 to vector<16xi32>
        %and3A_916 = arith.andi %add3A_913, %and3A_915 : vector<16xi32>
        %gather3A_917 = tpu.vector_load_idx %arg8[%add3A_107, %and3A_916] : memref<512x64xf32, #tpu.memory_space<vmem>>[vector<16xi32>, vector<16xi32>], vector<16xf32>,
        %sub3A_918 = arith.subf %gather3A_917, %mul3A_769 : vector<16xf32>
        %mul3A_919 = arith.mulf %sub3A_918, %mul3A_820 : vector<16xf32>
        tpu.vector_store_idx %arg8[%add3A_107, %and3A_916], %mul3A_919 : memref<512x64xf32, #tpu.memory_space<vmem>>[vector<16xi32>, vector<16xi32>], vector<16xf32>,
        %add3A_920 = arith.constant 11 : i32
        %add3A_921 = vector.broadcast %add3A_920 : i32 to vector<16xi32>
        %add3A_922 = arith.addi %iota3A, %add3A_921 : vector<16xi32>
        %and3A_923 = arith.constant 63 : i32
        %and3A_924 = vector.broadcast %and3A_923 : i32 to vector<16xi32>
        %and3A_925 = arith.andi %add3A_922, %and3A_924 : vector<16xi32>
        %gather3A_926 = tpu.vector_load_idx %arg8[%add3A_107, %and3A_925] : memref<512x64xf32, #tpu.memory_space<vmem>>[vector<16xi32>, vector<16xi32>], vector<16xf32>,
        %sub3A_927 = arith.subf %gather3A_926, %mul3A_769 : vector<16xf32>
        %mul3A_928 = arith.mulf %sub3A_927, %mul3A_820 : vector<16xf32>
        tpu.vector_store_idx %arg8[%add3A_107, %and3A_925], %mul3A_928 : memref<512x64xf32, #tpu.memory_space<vmem>>[vector<16xi32>, vector<16xi32>], vector<16xf32>,
        %add3A_929 = arith.constant 12 : i32
        %add3A_930 = vector.broadcast %add3A_929 : i32 to vector<16xi32>
        %add3A_931 = arith.addi %iota3A, %add3A_930 : vector<16xi32>
        %and3A_932 = arith.constant 63 : i32
        %and3A_933 = vector.broadcast %and3A_932 : i32 to vector<16xi32>
        %and3A_934 = arith.andi %add3A_931, %and3A_933 : vector<16xi32>
        %gather3A_935 = tpu.vector_load_idx %arg8[%add3A_107, %and3A_934] : memref<512x64xf32, #tpu.memory_space<vmem>>[vector<16xi32>, vector<16xi32>], vector<16xf32>,
        %sub3A_936 = arith.subf %gather3A_935, %mul3A_769 : vector<16xf32>
        %mul3A_937 = arith.mulf %sub3A_936, %mul3A_820 : vector<16xf32>
        tpu.vector_store_idx %arg8[%add3A_107, %and3A_934], %mul3A_937 : memref<512x64xf32, #tpu.memory_space<vmem>>[vector<16xi32>, vector<16xi32>], vector<16xf32>,
        %add3A_938 = arith.constant 13 : i32
        %add3A_939 = vector.broadcast %add3A_938 : i32 to vector<16xi32>
        %add3A_940 = arith.addi %iota3A, %add3A_939 : vector<16xi32>
        %and3A_941 = arith.constant 63 : i32
        %and3A_942 = vector.broadcast %and3A_941 : i32 to vector<16xi32>
        %and3A_943 = arith.andi %add3A_940, %and3A_942 : vector<16xi32>
        %gather3A_944 = tpu.vector_load_idx %arg8[%add3A_107, %and3A_943] : memref<512x64xf32, #tpu.memory_space<vmem>>[vector<16xi32>, vector<16xi32>], vector<16xf32>,
        %sub3A_945 = arith.subf %gather3A_944, %mul3A_769 : vector<16xf32>
        %mul3A_946 = arith.mulf %sub3A_945, %mul3A_820 : vector<16xf32>
        tpu.vector_store_idx %arg8[%add3A_107, %and3A_943], %mul3A_946 : memref<512x64xf32, #tpu.memory_space<vmem>>[vector<16xi32>, vector<16xi32>], vector<16xf32>,
        %add3A_947 = arith.constant 14 : i32
        %add3A_948 = vector.broadcast %add3A_947 : i32 to vector<16xi32>
        %add3A_949 = arith.addi %iota3A, %add3A_948 : vector<16xi32>
        %and3A_950 = arith.constant 63 : i32
        %and3A_951 = vector.broadcast %and3A_950 : i32 to vector<16xi32>
        %and3A_952 = arith.andi %add3A_949, %and3A_951 : vector<16xi32>
        %gather3A_953 = tpu.vector_load_idx %arg8[%add3A_107, %and3A_952] : memref<512x64xf32, #tpu.memory_space<vmem>>[vector<16xi32>, vector<16xi32>], vector<16xf32>,
        %sub3A_954 = arith.subf %gather3A_953, %mul3A_769 : vector<16xf32>
        %mul3A_955 = arith.mulf %sub3A_954, %mul3A_820 : vector<16xf32>
        tpu.vector_store_idx %arg8[%add3A_107, %and3A_952], %mul3A_955 : memref<512x64xf32, #tpu.memory_space<vmem>>[vector<16xi32>, vector<16xi32>], vector<16xf32>,
        %add3A_956 = arith.constant 15 : i32
        %add3A_957 = vector.broadcast %add3A_956 : i32 to vector<16xi32>
        %add3A_958 = arith.addi %iota3A, %add3A_957 : vector<16xi32>
        %and3A_959 = arith.constant 63 : i32
        %and3A_960 = vector.broadcast %and3A_959 : i32 to vector<16xi32>
        %and3A_961 = arith.andi %add3A_958, %and3A_960 : vector<16xi32>
        %gather3A_962 = tpu.vector_load_idx %arg8[%add3A_107, %and3A_961] : memref<512x64xf32, #tpu.memory_space<vmem>>[vector<16xi32>, vector<16xi32>], vector<16xf32>,
        %sub3A_963 = arith.subf %gather3A_962, %mul3A_769 : vector<16xf32>
        %mul3A_964 = arith.mulf %sub3A_963, %mul3A_820 : vector<16xf32>
        tpu.vector_store_idx %arg8[%add3A_107, %and3A_961], %mul3A_964 : memref<512x64xf32, #tpu.memory_space<vmem>>[vector<16xi32>, vector<16xi32>], vector<16xf32>,
        %add3A_965 = arith.constant 16 : i32
        %add3A_966 = vector.broadcast %add3A_965 : i32 to vector<16xi32>
        %add3A_967 = arith.addi %iota3A, %add3A_966 : vector<16xi32>
        %and3A_968 = arith.constant 63 : i32
        %and3A_969 = vector.broadcast %and3A_968 : i32 to vector<16xi32>
        %and3A_970 = arith.andi %add3A_967, %and3A_969 : vector<16xi32>
        %gather3A_971 = tpu.vector_load_idx %arg8[%add3A_107, %and3A_970] : memref<512x64xf32, #tpu.memory_space<vmem>>[vector<16xi32>, vector<16xi32>], vector<16xf32>,
        %sub3A_972 = arith.subf %gather3A_971, %mul3A_769 : vector<16xf32>
        %mul3A_973 = arith.mulf %sub3A_972, %mul3A_820 : vector<16xf32>
        tpu.vector_store_idx %arg8[%add3A_107, %and3A_970], %mul3A_973 : memref<512x64xf32, #tpu.memory_space<vmem>>[vector<16xi32>, vector<16xi32>], vector<16xf32>,
        %add3A_974 = arith.constant 17 : i32
        %add3A_975 = vector.broadcast %add3A_974 : i32 to vector<16xi32>
        %add3A_976 = arith.addi %iota3A, %add3A_975 : vector<16xi32>
        %and3A_977 = arith.constant 63 : i32
        %and3A_978 = vector.broadcast %and3A_977 : i32 to vector<16xi32>
        %and3A_979 = arith.andi %add3A_976, %and3A_978 : vector<16xi32>
        %gather3A_980 = tpu.vector_load_idx %arg8[%add3A_107, %and3A_979] : memref<512x64xf32, #tpu.memory_space<vmem>>[vector<16xi32>, vector<16xi32>], vector<16xf32>,
        %sub3A_981 = arith.subf %gather3A_980, %mul3A_769 : vector<16xf32>
        %mul3A_982 = arith.mulf %sub3A_981, %mul3A_820 : vector<16xf32>
        tpu.vector_store_idx %arg8[%add3A_107, %and3A_979], %mul3A_982 : memref<512x64xf32, #tpu.memory_space<vmem>>[vector<16xi32>, vector<16xi32>], vector<16xf32>,
        %add3A_983 = arith.constant 18 : i32
        %add3A_984 = vector.broadcast %add3A_983 : i32 to vector<16xi32>
        %add3A_985 = arith.addi %iota3A, %add3A_984 : vector<16xi32>
        %and3A_986 = arith.constant 63 : i32
        %and3A_987 = vector.broadcast %and3A_986 : i32 to vector<16xi32>
        %and3A_988 = arith.andi %add3A_985, %and3A_987 : vector<16xi32>
        %gather3A_989 = tpu.vector_load_idx %arg8[%add3A_107, %and3A_988] : memref<512x64xf32, #tpu.memory_space<vmem>>[vector<16xi32>, vector<16xi32>], vector<16xf32>,
        %sub3A_990 = arith.subf %gather3A_989, %mul3A_769 : vector<16xf32>
        %mul3A_991 = arith.mulf %sub3A_990, %mul3A_820 : vector<16xf32>
        tpu.vector_store_idx %arg8[%add3A_107, %and3A_988], %mul3A_991 : memref<512x64xf32, #tpu.memory_space<vmem>>[vector<16xi32>, vector<16xi32>], vector<16xf32>,
        %add3A_992 = arith.constant 19 : i32
        %add3A_993 = vector.broadcast %add3A_992 : i32 to vector<16xi32>
        %add3A_994 = arith.addi %iota3A, %add3A_993 : vector<16xi32>
        %and3A_995 = arith.constant 63 : i32
        %and3A_996 = vector.broadcast %and3A_995 : i32 to vector<16xi32>
        %and3A_997 = arith.andi %add3A_994, %and3A_996 : vector<16xi32>
        %gather3A_998 = tpu.vector_load_idx %arg8[%add3A_107, %and3A_997] : memref<512x64xf32, #tpu.memory_space<vmem>>[vector<16xi32>, vector<16xi32>], vector<16xf32>,
        %sub3A_999 = arith.subf %gather3A_998, %mul3A_769 : vector<16xf32>
        %mul3A_1000 = arith.mulf %sub3A_999, %mul3A_820 : vector<16xf32>
        tpu.vector_store_idx %arg8[%add3A_107, %and3A_997], %mul3A_1000 : memref<512x64xf32, #tpu.memory_space<vmem>>[vector<16xi32>, vector<16xi32>], vector<16xf32>,
        %add3A_1001 = arith.constant 20 : i32
        %add3A_1002 = vector.broadcast %add3A_1001 : i32 to vector<16xi32>
        %add3A_1003 = arith.addi %iota3A, %add3A_1002 : vector<16xi32>
        %and3A_1004 = arith.constant 63 : i32
        %and3A_1005 = vector.broadcast %and3A_1004 : i32 to vector<16xi32>
        %and3A_1006 = arith.andi %add3A_1003, %and3A_1005 : vector<16xi32>
        %gather3A_1007 = tpu.vector_load_idx %arg8[%add3A_107, %and3A_1006] : memref<512x64xf32, #tpu.memory_space<vmem>>[vector<16xi32>, vector<16xi32>], vector<16xf32>,
        %sub3A_1008 = arith.subf %gather3A_1007, %mul3A_769 : vector<16xf32>
        %mul3A_1009 = arith.mulf %sub3A_1008, %mul3A_820 : vector<16xf32>
        tpu.vector_store_idx %arg8[%add3A_107, %and3A_1006], %mul3A_1009 : memref<512x64xf32, #tpu.memory_space<vmem>>[vector<16xi32>, vector<16xi32>], vector<16xf32>,
        %add3A_1010 = arith.constant 21 : i32
        %add3A_1011 = vector.broadcast %add3A_1010 : i32 to vector<16xi32>
        %add3A_1012 = arith.addi %iota3A, %add3A_1011 : vector<16xi32>
        %and3A_1013 = arith.constant 63 : i32
        %and3A_1014 = vector.broadcast %and3A_1013 : i32 to vector<16xi32>
        %and3A_1015 = arith.andi %add3A_1012, %and3A_1014 : vector<16xi32>
        %gather3A_1016 = tpu.vector_load_idx %arg8[%add3A_107, %and3A_1015] : memref<512x64xf32, #tpu.memory_space<vmem>>[vector<16xi32>, vector<16xi32>], vector<16xf32>,
        %sub3A_1017 = arith.subf %gather3A_1016, %mul3A_769 : vector<16xf32>
        %mul3A_1018 = arith.mulf %sub3A_1017, %mul3A_820 : vector<16xf32>
        tpu.vector_store_idx %arg8[%add3A_107, %and3A_1015], %mul3A_1018 : memref<512x64xf32, #tpu.memory_space<vmem>>[vector<16xi32>, vector<16xi32>], vector<16xf32>,
        %add3A_1019 = arith.constant 22 : i32
        %add3A_1020 = vector.broadcast %add3A_1019 : i32 to vector<16xi32>
        %add3A_1021 = arith.addi %iota3A, %add3A_1020 : vector<16xi32>
        %and3A_1022 = arith.constant 63 : i32
        %and3A_1023 = vector.broadcast %and3A_1022 : i32 to vector<16xi32>
        %and3A_1024 = arith.andi %add3A_1021, %and3A_1023 : vector<16xi32>
        %gather3A_1025 = tpu.vector_load_idx %arg8[%add3A_107, %and3A_1024] : memref<512x64xf32, #tpu.memory_space<vmem>>[vector<16xi32>, vector<16xi32>], vector<16xf32>,
        %sub3A_1026 = arith.subf %gather3A_1025, %mul3A_769 : vector<16xf32>
        %mul3A_1027 = arith.mulf %sub3A_1026, %mul3A_820 : vector<16xf32>
        tpu.vector_store_idx %arg8[%add3A_107, %and3A_1024], %mul3A_1027 : memref<512x64xf32, #tpu.memory_space<vmem>>[vector<16xi32>, vector<16xi32>], vector<16xf32>,
        %add3A_1028 = arith.constant 23 : i32
        %add3A_1029 = vector.broadcast %add3A_1028 : i32 to vector<16xi32>
        %add3A_1030 = arith.addi %iota3A, %add3A_1029 : vector<16xi32>
        %and3A_1031 = arith.constant 63 : i32
        %and3A_1032 = vector.broadcast %and3A_1031 : i32 to vector<16xi32>
        %and3A_1033 = arith.andi %add3A_1030, %and3A_1032 : vector<16xi32>
        %gather3A_1034 = tpu.vector_load_idx %arg8[%add3A_107, %and3A_1033] : memref<512x64xf32, #tpu.memory_space<vmem>>[vector<16xi32>, vector<16xi32>], vector<16xf32>,
        %sub3A_1035 = arith.subf %gather3A_1034, %mul3A_769 : vector<16xf32>
        %mul3A_1036 = arith.mulf %sub3A_1035, %mul3A_820 : vector<16xf32>
        tpu.vector_store_idx %arg8[%add3A_107, %and3A_1033], %mul3A_1036 : memref<512x64xf32, #tpu.memory_space<vmem>>[vector<16xi32>, vector<16xi32>], vector<16xf32>,
        %add3A_1037 = arith.constant 24 : i32
        %add3A_1038 = vector.broadcast %add3A_1037 : i32 to vector<16xi32>
        %add3A_1039 = arith.addi %iota3A, %add3A_1038 : vector<16xi32>
        %and3A_1040 = arith.constant 63 : i32
        %and3A_1041 = vector.broadcast %and3A_1040 : i32 to vector<16xi32>
        %and3A_1042 = arith.andi %add3A_1039, %and3A_1041 : vector<16xi32>
        %gather3A_1043 = tpu.vector_load_idx %arg8[%add3A_107, %and3A_1042] : memref<512x64xf32, #tpu.memory_space<vmem>>[vector<16xi32>, vector<16xi32>], vector<16xf32>,
        %sub3A_1044 = arith.subf %gather3A_1043, %mul3A_769 : vector<16xf32>
        %mul3A_1045 = arith.mulf %sub3A_1044, %mul3A_820 : vector<16xf32>
        tpu.vector_store_idx %arg8[%add3A_107, %and3A_1042], %mul3A_1045 : memref<512x64xf32, #tpu.memory_space<vmem>>[vector<16xi32>, vector<16xi32>], vector<16xf32>,
        %add3A_1046 = arith.constant 25 : i32
        %add3A_1047 = vector.broadcast %add3A_1046 : i32 to vector<16xi32>
        %add3A_1048 = arith.addi %iota3A, %add3A_1047 : vector<16xi32>
        %and3A_1049 = arith.constant 63 : i32
        %and3A_1050 = vector.broadcast %and3A_1049 : i32 to vector<16xi32>
        %and3A_1051 = arith.andi %add3A_1048, %and3A_1050 : vector<16xi32>
        %gather3A_1052 = tpu.vector_load_idx %arg8[%add3A_107, %and3A_1051] : memref<512x64xf32, #tpu.memory_space<vmem>>[vector<16xi32>, vector<16xi32>], vector<16xf32>,
        %sub3A_1053 = arith.subf %gather3A_1052, %mul3A_769 : vector<16xf32>
        %mul3A_1054 = arith.mulf %sub3A_1053, %mul3A_820 : vector<16xf32>
        tpu.vector_store_idx %arg8[%add3A_107, %and3A_1051], %mul3A_1054 : memref<512x64xf32, #tpu.memory_space<vmem>>[vector<16xi32>, vector<16xi32>], vector<16xf32>,
        %add3A_1055 = arith.constant 26 : i32
        %add3A_1056 = vector.broadcast %add3A_1055 : i32 to vector<16xi32>
        %add3A_1057 = arith.addi %iota3A, %add3A_1056 : vector<16xi32>
        %and3A_1058 = arith.constant 63 : i32
        %and3A_1059 = vector.broadcast %and3A_1058 : i32 to vector<16xi32>
        %and3A_1060 = arith.andi %add3A_1057, %and3A_1059 : vector<16xi32>
        %gather3A_1061 = tpu.vector_load_idx %arg8[%add3A_107, %and3A_1060] : memref<512x64xf32, #tpu.memory_space<vmem>>[vector<16xi32>, vector<16xi32>], vector<16xf32>,
        %sub3A_1062 = arith.subf %gather3A_1061, %mul3A_769 : vector<16xf32>
        %mul3A_1063 = arith.mulf %sub3A_1062, %mul3A_820 : vector<16xf32>
        tpu.vector_store_idx %arg8[%add3A_107, %and3A_1060], %mul3A_1063 : memref<512x64xf32, #tpu.memory_space<vmem>>[vector<16xi32>, vector<16xi32>], vector<16xf32>,
        %add3A_1064 = arith.constant 27 : i32
        %add3A_1065 = vector.broadcast %add3A_1064 : i32 to vector<16xi32>
        %add3A_1066 = arith.addi %iota3A, %add3A_1065 : vector<16xi32>
        %and3A_1067 = arith.constant 63 : i32
        %and3A_1068 = vector.broadcast %and3A_1067 : i32 to vector<16xi32>
        %and3A_1069 = arith.andi %add3A_1066, %and3A_1068 : vector<16xi32>
        %gather3A_1070 = tpu.vector_load_idx %arg8[%add3A_107, %and3A_1069] : memref<512x64xf32, #tpu.memory_space<vmem>>[vector<16xi32>, vector<16xi32>], vector<16xf32>,
        %sub3A_1071 = arith.subf %gather3A_1070, %mul3A_769 : vector<16xf32>
        %mul3A_1072 = arith.mulf %sub3A_1071, %mul3A_820 : vector<16xf32>
        tpu.vector_store_idx %arg8[%add3A_107, %and3A_1069], %mul3A_1072 : memref<512x64xf32, #tpu.memory_space<vmem>>[vector<16xi32>, vector<16xi32>], vector<16xf32>,
        %add3A_1073 = arith.constant 28 : i32
        %add3A_1074 = vector.broadcast %add3A_1073 : i32 to vector<16xi32>
        %add3A_1075 = arith.addi %iota3A, %add3A_1074 : vector<16xi32>
        %and3A_1076 = arith.constant 63 : i32
        %and3A_1077 = vector.broadcast %and3A_1076 : i32 to vector<16xi32>
        %and3A_1078 = arith.andi %add3A_1075, %and3A_1077 : vector<16xi32>
        %gather3A_1079 = tpu.vector_load_idx %arg8[%add3A_107, %and3A_1078] : memref<512x64xf32, #tpu.memory_space<vmem>>[vector<16xi32>, vector<16xi32>], vector<16xf32>,
        %sub3A_1080 = arith.subf %gather3A_1079, %mul3A_769 : vector<16xf32>
        %mul3A_1081 = arith.mulf %sub3A_1080, %mul3A_820 : vector<16xf32>
        tpu.vector_store_idx %arg8[%add3A_107, %and3A_1078], %mul3A_1081 : memref<512x64xf32, #tpu.memory_space<vmem>>[vector<16xi32>, vector<16xi32>], vector<16xf32>,
        %add3A_1082 = arith.constant 29 : i32
        %add3A_1083 = vector.broadcast %add3A_1082 : i32 to vector<16xi32>
        %add3A_1084 = arith.addi %iota3A, %add3A_1083 : vector<16xi32>
        %and3A_1085 = arith.constant 63 : i32
        %and3A_1086 = vector.broadcast %and3A_1085 : i32 to vector<16xi32>
        %and3A_1087 = arith.andi %add3A_1084, %and3A_1086 : vector<16xi32>
        %gather3A_1088 = tpu.vector_load_idx %arg8[%add3A_107, %and3A_1087] : memref<512x64xf32, #tpu.memory_space<vmem>>[vector<16xi32>, vector<16xi32>], vector<16xf32>,
        %sub3A_1089 = arith.subf %gather3A_1088, %mul3A_769 : vector<16xf32>
        %mul3A_1090 = arith.mulf %sub3A_1089, %mul3A_820 : vector<16xf32>
        tpu.vector_store_idx %arg8[%add3A_107, %and3A_1087], %mul3A_1090 : memref<512x64xf32, #tpu.memory_space<vmem>>[vector<16xi32>, vector<16xi32>], vector<16xf32>,
        %add3A_1091 = arith.constant 30 : i32
        %add3A_1092 = vector.broadcast %add3A_1091 : i32 to vector<16xi32>
        %add3A_1093 = arith.addi %iota3A, %add3A_1092 : vector<16xi32>
        %and3A_1094 = arith.constant 63 : i32
        %and3A_1095 = vector.broadcast %and3A_1094 : i32 to vector<16xi32>
        %and3A_1096 = arith.andi %add3A_1093, %and3A_1095 : vector<16xi32>
        %gather3A_1097 = tpu.vector_load_idx %arg8[%add3A_107, %and3A_1096] : memref<512x64xf32, #tpu.memory_space<vmem>>[vector<16xi32>, vector<16xi32>], vector<16xf32>,
        %sub3A_1098 = arith.subf %gather3A_1097, %mul3A_769 : vector<16xf32>
        %mul3A_1099 = arith.mulf %sub3A_1098, %mul3A_820 : vector<16xf32>
        tpu.vector_store_idx %arg8[%add3A_107, %and3A_1096], %mul3A_1099 : memref<512x64xf32, #tpu.memory_space<vmem>>[vector<16xi32>, vector<16xi32>], vector<16xf32>,
        %add3A_1100 = arith.constant 31 : i32
        %add3A_1101 = vector.broadcast %add3A_1100 : i32 to vector<16xi32>
        %add3A_1102 = arith.addi %iota3A, %add3A_1101 : vector<16xi32>
        %and3A_1103 = arith.constant 63 : i32
        %and3A_1104 = vector.broadcast %and3A_1103 : i32 to vector<16xi32>
        %and3A_1105 = arith.andi %add3A_1102, %and3A_1104 : vector<16xi32>
        %gather3A_1106 = tpu.vector_load_idx %arg8[%add3A_107, %and3A_1105] : memref<512x64xf32, #tpu.memory_space<vmem>>[vector<16xi32>, vector<16xi32>], vector<16xf32>,
        %sub3A_1107 = arith.subf %gather3A_1106, %mul3A_769 : vector<16xf32>
        %mul3A_1108 = arith.mulf %sub3A_1107, %mul3A_820 : vector<16xf32>
        tpu.vector_store_idx %arg8[%add3A_107, %and3A_1105], %mul3A_1108 : memref<512x64xf32, #tpu.memory_space<vmem>>[vector<16xi32>, vector<16xi32>], vector<16xf32>,
        %add3A_1109 = arith.constant 32 : i32
        %add3A_1110 = vector.broadcast %add3A_1109 : i32 to vector<16xi32>
        %add3A_1111 = arith.addi %iota3A, %add3A_1110 : vector<16xi32>
        %and3A_1112 = arith.constant 63 : i32
        %and3A_1113 = vector.broadcast %and3A_1112 : i32 to vector<16xi32>
        %and3A_1114 = arith.andi %add3A_1111, %and3A_1113 : vector<16xi32>
        %gather3A_1115 = tpu.vector_load_idx %arg8[%add3A_107, %and3A_1114] : memref<512x64xf32, #tpu.memory_space<vmem>>[vector<16xi32>, vector<16xi32>], vector<16xf32>,
        %sub3A_1116 = arith.subf %gather3A_1115, %mul3A_769 : vector<16xf32>
        %mul3A_1117 = arith.mulf %sub3A_1116, %mul3A_820 : vector<16xf32>
        tpu.vector_store_idx %arg8[%add3A_107, %and3A_1114], %mul3A_1117 : memref<512x64xf32, #tpu.memory_space<vmem>>[vector<16xi32>, vector<16xi32>], vector<16xf32>,
        %add3A_1118 = arith.constant 33 : i32
        %add3A_1119 = vector.broadcast %add3A_1118 : i32 to vector<16xi32>
        %add3A_1120 = arith.addi %iota3A, %add3A_1119 : vector<16xi32>
        %and3A_1121 = arith.constant 63 : i32
        %and3A_1122 = vector.broadcast %and3A_1121 : i32 to vector<16xi32>
        %and3A_1123 = arith.andi %add3A_1120, %and3A_1122 : vector<16xi32>
        %gather3A_1124 = tpu.vector_load_idx %arg8[%add3A_107, %and3A_1123] : memref<512x64xf32, #tpu.memory_space<vmem>>[vector<16xi32>, vector<16xi32>], vector<16xf32>,
        %sub3A_1125 = arith.subf %gather3A_1124, %mul3A_769 : vector<16xf32>
        %mul3A_1126 = arith.mulf %sub3A_1125, %mul3A_820 : vector<16xf32>
        tpu.vector_store_idx %arg8[%add3A_107, %and3A_1123], %mul3A_1126 : memref<512x64xf32, #tpu.memory_space<vmem>>[vector<16xi32>, vector<16xi32>], vector<16xf32>,
        %add3A_1127 = arith.constant 34 : i32
        %add3A_1128 = vector.broadcast %add3A_1127 : i32 to vector<16xi32>
        %add3A_1129 = arith.addi %iota3A, %add3A_1128 : vector<16xi32>
        %and3A_1130 = arith.constant 63 : i32
        %and3A_1131 = vector.broadcast %and3A_1130 : i32 to vector<16xi32>
        %and3A_1132 = arith.andi %add3A_1129, %and3A_1131 : vector<16xi32>
        %gather3A_1133 = tpu.vector_load_idx %arg8[%add3A_107, %and3A_1132] : memref<512x64xf32, #tpu.memory_space<vmem>>[vector<16xi32>, vector<16xi32>], vector<16xf32>,
        %sub3A_1134 = arith.subf %gather3A_1133, %mul3A_769 : vector<16xf32>
        %mul3A_1135 = arith.mulf %sub3A_1134, %mul3A_820 : vector<16xf32>
        tpu.vector_store_idx %arg8[%add3A_107, %and3A_1132], %mul3A_1135 : memref<512x64xf32, #tpu.memory_space<vmem>>[vector<16xi32>, vector<16xi32>], vector<16xf32>,
        %add3A_1136 = arith.constant 35 : i32
        %add3A_1137 = vector.broadcast %add3A_1136 : i32 to vector<16xi32>
        %add3A_1138 = arith.addi %iota3A, %add3A_1137 : vector<16xi32>
        %and3A_1139 = arith.constant 63 : i32
        %and3A_1140 = vector.broadcast %and3A_1139 : i32 to vector<16xi32>
        %and3A_1141 = arith.andi %add3A_1138, %and3A_1140 : vector<16xi32>
        %gather3A_1142 = tpu.vector_load_idx %arg8[%add3A_107, %and3A_1141] : memref<512x64xf32, #tpu.memory_space<vmem>>[vector<16xi32>, vector<16xi32>], vector<16xf32>,
        %sub3A_1143 = arith.subf %gather3A_1142, %mul3A_769 : vector<16xf32>
        %mul3A_1144 = arith.mulf %sub3A_1143, %mul3A_820 : vector<16xf32>
        tpu.vector_store_idx %arg8[%add3A_107, %and3A_1141], %mul3A_1144 : memref<512x64xf32, #tpu.memory_space<vmem>>[vector<16xi32>, vector<16xi32>], vector<16xf32>,
        %add3A_1145 = arith.constant 36 : i32
        %add3A_1146 = vector.broadcast %add3A_1145 : i32 to vector<16xi32>
        %add3A_1147 = arith.addi %iota3A, %add3A_1146 : vector<16xi32>
        %and3A_1148 = arith.constant 63 : i32
        %and3A_1149 = vector.broadcast %and3A_1148 : i32 to vector<16xi32>
        %and3A_1150 = arith.andi %add3A_1147, %and3A_1149 : vector<16xi32>
        %gather3A_1151 = tpu.vector_load_idx %arg8[%add3A_107, %and3A_1150] : memref<512x64xf32, #tpu.memory_space<vmem>>[vector<16xi32>, vector<16xi32>], vector<16xf32>,
        %sub3A_1152 = arith.subf %gather3A_1151, %mul3A_769 : vector<16xf32>
        %mul3A_1153 = arith.mulf %sub3A_1152, %mul3A_820 : vector<16xf32>
        tpu.vector_store_idx %arg8[%add3A_107, %and3A_1150], %mul3A_1153 : memref<512x64xf32, #tpu.memory_space<vmem>>[vector<16xi32>, vector<16xi32>], vector<16xf32>,
        %add3A_1154 = arith.constant 37 : i32
        %add3A_1155 = vector.broadcast %add3A_1154 : i32 to vector<16xi32>
        %add3A_1156 = arith.addi %iota3A, %add3A_1155 : vector<16xi32>
        %and3A_1157 = arith.constant 63 : i32
        %and3A_1158 = vector.broadcast %and3A_1157 : i32 to vector<16xi32>
        %and3A_1159 = arith.andi %add3A_1156, %and3A_1158 : vector<16xi32>
        %gather3A_1160 = tpu.vector_load_idx %arg8[%add3A_107, %and3A_1159] : memref<512x64xf32, #tpu.memory_space<vmem>>[vector<16xi32>, vector<16xi32>], vector<16xf32>,
        %sub3A_1161 = arith.subf %gather3A_1160, %mul3A_769 : vector<16xf32>
        %mul3A_1162 = arith.mulf %sub3A_1161, %mul3A_820 : vector<16xf32>
        tpu.vector_store_idx %arg8[%add3A_107, %and3A_1159], %mul3A_1162 : memref<512x64xf32, #tpu.memory_space<vmem>>[vector<16xi32>, vector<16xi32>], vector<16xf32>,
        %add3A_1163 = arith.constant 38 : i32
        %add3A_1164 = vector.broadcast %add3A_1163 : i32 to vector<16xi32>
        %add3A_1165 = arith.addi %iota3A, %add3A_1164 : vector<16xi32>
        %and3A_1166 = arith.constant 63 : i32
        %and3A_1167 = vector.broadcast %and3A_1166 : i32 to vector<16xi32>
        %and3A_1168 = arith.andi %add3A_1165, %and3A_1167 : vector<16xi32>
        %gather3A_1169 = tpu.vector_load_idx %arg8[%add3A_107, %and3A_1168] : memref<512x64xf32, #tpu.memory_space<vmem>>[vector<16xi32>, vector<16xi32>], vector<16xf32>,
        %sub3A_1170 = arith.subf %gather3A_1169, %mul3A_769 : vector<16xf32>
        %mul3A_1171 = arith.mulf %sub3A_1170, %mul3A_820 : vector<16xf32>
        tpu.vector_store_idx %arg8[%add3A_107, %and3A_1168], %mul3A_1171 : memref<512x64xf32, #tpu.memory_space<vmem>>[vector<16xi32>, vector<16xi32>], vector<16xf32>,
        %add3A_1172 = arith.constant 39 : i32
        %add3A_1173 = vector.broadcast %add3A_1172 : i32 to vector<16xi32>
        %add3A_1174 = arith.addi %iota3A, %add3A_1173 : vector<16xi32>
        %and3A_1175 = arith.constant 63 : i32
        %and3A_1176 = vector.broadcast %and3A_1175 : i32 to vector<16xi32>
        %and3A_1177 = arith.andi %add3A_1174, %and3A_1176 : vector<16xi32>
        %gather3A_1178 = tpu.vector_load_idx %arg8[%add3A_107, %and3A_1177] : memref<512x64xf32, #tpu.memory_space<vmem>>[vector<16xi32>, vector<16xi32>], vector<16xf32>,
        %sub3A_1179 = arith.subf %gather3A_1178, %mul3A_769 : vector<16xf32>
        %mul3A_1180 = arith.mulf %sub3A_1179, %mul3A_820 : vector<16xf32>
        tpu.vector_store_idx %arg8[%add3A_107, %and3A_1177], %mul3A_1180 : memref<512x64xf32, #tpu.memory_space<vmem>>[vector<16xi32>, vector<16xi32>], vector<16xf32>,
        %add3A_1181 = arith.constant 40 : i32
        %add3A_1182 = vector.broadcast %add3A_1181 : i32 to vector<16xi32>
        %add3A_1183 = arith.addi %iota3A, %add3A_1182 : vector<16xi32>
        %and3A_1184 = arith.constant 63 : i32
        %and3A_1185 = vector.broadcast %and3A_1184 : i32 to vector<16xi32>
        %and3A_1186 = arith.andi %add3A_1183, %and3A_1185 : vector<16xi32>
        %gather3A_1187 = tpu.vector_load_idx %arg8[%add3A_107, %and3A_1186] : memref<512x64xf32, #tpu.memory_space<vmem>>[vector<16xi32>, vector<16xi32>], vector<16xf32>,
        %sub3A_1188 = arith.subf %gather3A_1187, %mul3A_769 : vector<16xf32>
        %mul3A_1189 = arith.mulf %sub3A_1188, %mul3A_820 : vector<16xf32>
        tpu.vector_store_idx %arg8[%add3A_107, %and3A_1186], %mul3A_1189 : memref<512x64xf32, #tpu.memory_space<vmem>>[vector<16xi32>, vector<16xi32>], vector<16xf32>,
        %add3A_1190 = arith.constant 41 : i32
        %add3A_1191 = vector.broadcast %add3A_1190 : i32 to vector<16xi32>
        %add3A_1192 = arith.addi %iota3A, %add3A_1191 : vector<16xi32>
        %and3A_1193 = arith.constant 63 : i32
        %and3A_1194 = vector.broadcast %and3A_1193 : i32 to vector<16xi32>
        %and3A_1195 = arith.andi %add3A_1192, %and3A_1194 : vector<16xi32>
        %gather3A_1196 = tpu.vector_load_idx %arg8[%add3A_107, %and3A_1195] : memref<512x64xf32, #tpu.memory_space<vmem>>[vector<16xi32>, vector<16xi32>], vector<16xf32>,
        %sub3A_1197 = arith.subf %gather3A_1196, %mul3A_769 : vector<16xf32>
        %mul3A_1198 = arith.mulf %sub3A_1197, %mul3A_820 : vector<16xf32>
        tpu.vector_store_idx %arg8[%add3A_107, %and3A_1195], %mul3A_1198 : memref<512x64xf32, #tpu.memory_space<vmem>>[vector<16xi32>, vector<16xi32>], vector<16xf32>,
        %add3A_1199 = arith.constant 42 : i32
        %add3A_1200 = vector.broadcast %add3A_1199 : i32 to vector<16xi32>
        %add3A_1201 = arith.addi %iota3A, %add3A_1200 : vector<16xi32>
        %and3A_1202 = arith.constant 63 : i32
        %and3A_1203 = vector.broadcast %and3A_1202 : i32 to vector<16xi32>
        %and3A_1204 = arith.andi %add3A_1201, %and3A_1203 : vector<16xi32>
        %gather3A_1205 = tpu.vector_load_idx %arg8[%add3A_107, %and3A_1204] : memref<512x64xf32, #tpu.memory_space<vmem>>[vector<16xi32>, vector<16xi32>], vector<16xf32>,
        %sub3A_1206 = arith.subf %gather3A_1205, %mul3A_769 : vector<16xf32>
        %mul3A_1207 = arith.mulf %sub3A_1206, %mul3A_820 : vector<16xf32>
        tpu.vector_store_idx %arg8[%add3A_107, %and3A_1204], %mul3A_1207 : memref<512x64xf32, #tpu.memory_space<vmem>>[vector<16xi32>, vector<16xi32>], vector<16xf32>,
        %add3A_1208 = arith.constant 43 : i32
        %add3A_1209 = vector.broadcast %add3A_1208 : i32 to vector<16xi32>
        %add3A_1210 = arith.addi %iota3A, %add3A_1209 : vector<16xi32>
        %and3A_1211 = arith.constant 63 : i32
        %and3A_1212 = vector.broadcast %and3A_1211 : i32 to vector<16xi32>
        %and3A_1213 = arith.andi %add3A_1210, %and3A_1212 : vector<16xi32>
        %gather3A_1214 = tpu.vector_load_idx %arg8[%add3A_107, %and3A_1213] : memref<512x64xf32, #tpu.memory_space<vmem>>[vector<16xi32>, vector<16xi32>], vector<16xf32>,
        %sub3A_1215 = arith.subf %gather3A_1214, %mul3A_769 : vector<16xf32>
        %mul3A_1216 = arith.mulf %sub3A_1215, %mul3A_820 : vector<16xf32>
        tpu.vector_store_idx %arg8[%add3A_107, %and3A_1213], %mul3A_1216 : memref<512x64xf32, #tpu.memory_space<vmem>>[vector<16xi32>, vector<16xi32>], vector<16xf32>,
        %add3A_1217 = arith.constant 44 : i32
        %add3A_1218 = vector.broadcast %add3A_1217 : i32 to vector<16xi32>
        %add3A_1219 = arith.addi %iota3A, %add3A_1218 : vector<16xi32>
        %and3A_1220 = arith.constant 63 : i32
        %and3A_1221 = vector.broadcast %and3A_1220 : i32 to vector<16xi32>
        %and3A_1222 = arith.andi %add3A_1219, %and3A_1221 : vector<16xi32>
        %gather3A_1223 = tpu.vector_load_idx %arg8[%add3A_107, %and3A_1222] : memref<512x64xf32, #tpu.memory_space<vmem>>[vector<16xi32>, vector<16xi32>], vector<16xf32>,
        %sub3A_1224 = arith.subf %gather3A_1223, %mul3A_769 : vector<16xf32>
        %mul3A_1225 = arith.mulf %sub3A_1224, %mul3A_820 : vector<16xf32>
        tpu.vector_store_idx %arg8[%add3A_107, %and3A_1222], %mul3A_1225 : memref<512x64xf32, #tpu.memory_space<vmem>>[vector<16xi32>, vector<16xi32>], vector<16xf32>,
        %add3A_1226 = arith.constant 45 : i32
        %add3A_1227 = vector.broadcast %add3A_1226 : i32 to vector<16xi32>
        %add3A_1228 = arith.addi %iota3A, %add3A_1227 : vector<16xi32>
        %and3A_1229 = arith.constant 63 : i32
        %and3A_1230 = vector.broadcast %and3A_1229 : i32 to vector<16xi32>
        %and3A_1231 = arith.andi %add3A_1228, %and3A_1230 : vector<16xi32>
        %gather3A_1232 = tpu.vector_load_idx %arg8[%add3A_107, %and3A_1231] : memref<512x64xf32, #tpu.memory_space<vmem>>[vector<16xi32>, vector<16xi32>], vector<16xf32>,
        %sub3A_1233 = arith.subf %gather3A_1232, %mul3A_769 : vector<16xf32>
        %mul3A_1234 = arith.mulf %sub3A_1233, %mul3A_820 : vector<16xf32>
        tpu.vector_store_idx %arg8[%add3A_107, %and3A_1231], %mul3A_1234 : memref<512x64xf32, #tpu.memory_space<vmem>>[vector<16xi32>, vector<16xi32>], vector<16xf32>,
        %add3A_1235 = arith.constant 46 : i32
        %add3A_1236 = vector.broadcast %add3A_1235 : i32 to vector<16xi32>
        %add3A_1237 = arith.addi %iota3A, %add3A_1236 : vector<16xi32>
        %and3A_1238 = arith.constant 63 : i32
        %and3A_1239 = vector.broadcast %and3A_1238 : i32 to vector<16xi32>
        %and3A_1240 = arith.andi %add3A_1237, %and3A_1239 : vector<16xi32>
        %gather3A_1241 = tpu.vector_load_idx %arg8[%add3A_107, %and3A_1240] : memref<512x64xf32, #tpu.memory_space<vmem>>[vector<16xi32>, vector<16xi32>], vector<16xf32>,
        %sub3A_1242 = arith.subf %gather3A_1241, %mul3A_769 : vector<16xf32>
        %mul3A_1243 = arith.mulf %sub3A_1242, %mul3A_820 : vector<16xf32>
        tpu.vector_store_idx %arg8[%add3A_107, %and3A_1240], %mul3A_1243 : memref<512x64xf32, #tpu.memory_space<vmem>>[vector<16xi32>, vector<16xi32>], vector<16xf32>,
        %add3A_1244 = arith.constant 47 : i32
        %add3A_1245 = vector.broadcast %add3A_1244 : i32 to vector<16xi32>
        %add3A_1246 = arith.addi %iota3A, %add3A_1245 : vector<16xi32>
        %and3A_1247 = arith.constant 63 : i32
        %and3A_1248 = vector.broadcast %and3A_1247 : i32 to vector<16xi32>
        %and3A_1249 = arith.andi %add3A_1246, %and3A_1248 : vector<16xi32>
        %gather3A_1250 = tpu.vector_load_idx %arg8[%add3A_107, %and3A_1249] : memref<512x64xf32, #tpu.memory_space<vmem>>[vector<16xi32>, vector<16xi32>], vector<16xf32>,
        %sub3A_1251 = arith.subf %gather3A_1250, %mul3A_769 : vector<16xf32>
        %mul3A_1252 = arith.mulf %sub3A_1251, %mul3A_820 : vector<16xf32>
        tpu.vector_store_idx %arg8[%add3A_107, %and3A_1249], %mul3A_1252 : memref<512x64xf32, #tpu.memory_space<vmem>>[vector<16xi32>, vector<16xi32>], vector<16xf32>,
        %add3A_1253 = arith.constant 48 : i32
        %add3A_1254 = vector.broadcast %add3A_1253 : i32 to vector<16xi32>
        %add3A_1255 = arith.addi %iota3A, %add3A_1254 : vector<16xi32>
        %and3A_1256 = arith.constant 63 : i32
        %and3A_1257 = vector.broadcast %and3A_1256 : i32 to vector<16xi32>
        %and3A_1258 = arith.andi %add3A_1255, %and3A_1257 : vector<16xi32>
        %gather3A_1259 = tpu.vector_load_idx %arg8[%add3A_107, %and3A_1258] : memref<512x64xf32, #tpu.memory_space<vmem>>[vector<16xi32>, vector<16xi32>], vector<16xf32>,
        %sub3A_1260 = arith.subf %gather3A_1259, %mul3A_769 : vector<16xf32>
        %mul3A_1261 = arith.mulf %sub3A_1260, %mul3A_820 : vector<16xf32>
        tpu.vector_store_idx %arg8[%add3A_107, %and3A_1258], %mul3A_1261 : memref<512x64xf32, #tpu.memory_space<vmem>>[vector<16xi32>, vector<16xi32>], vector<16xf32>,
        %add3A_1262 = arith.constant 49 : i32
        %add3A_1263 = vector.broadcast %add3A_1262 : i32 to vector<16xi32>
        %add3A_1264 = arith.addi %iota3A, %add3A_1263 : vector<16xi32>
        %and3A_1265 = arith.constant 63 : i32
        %and3A_1266 = vector.broadcast %and3A_1265 : i32 to vector<16xi32>
        %and3A_1267 = arith.andi %add3A_1264, %and3A_1266 : vector<16xi32>
        %gather3A_1268 = tpu.vector_load_idx %arg8[%add3A_107, %and3A_1267] : memref<512x64xf32, #tpu.memory_space<vmem>>[vector<16xi32>, vector<16xi32>], vector<16xf32>,
        %sub3A_1269 = arith.subf %gather3A_1268, %mul3A_769 : vector<16xf32>
        %mul3A_1270 = arith.mulf %sub3A_1269, %mul3A_820 : vector<16xf32>
        tpu.vector_store_idx %arg8[%add3A_107, %and3A_1267], %mul3A_1270 : memref<512x64xf32, #tpu.memory_space<vmem>>[vector<16xi32>, vector<16xi32>], vector<16xf32>,
        %add3A_1271 = arith.constant 50 : i32
        %add3A_1272 = vector.broadcast %add3A_1271 : i32 to vector<16xi32>
        %add3A_1273 = arith.addi %iota3A, %add3A_1272 : vector<16xi32>
        %and3A_1274 = arith.constant 63 : i32
        %and3A_1275 = vector.broadcast %and3A_1274 : i32 to vector<16xi32>
        %and3A_1276 = arith.andi %add3A_1273, %and3A_1275 : vector<16xi32>
        %gather3A_1277 = tpu.vector_load_idx %arg8[%add3A_107, %and3A_1276] : memref<512x64xf32, #tpu.memory_space<vmem>>[vector<16xi32>, vector<16xi32>], vector<16xf32>,
        %sub3A_1278 = arith.subf %gather3A_1277, %mul3A_769 : vector<16xf32>
        %mul3A_1279 = arith.mulf %sub3A_1278, %mul3A_820 : vector<16xf32>
        tpu.vector_store_idx %arg8[%add3A_107, %and3A_1276], %mul3A_1279 : memref<512x64xf32, #tpu.memory_space<vmem>>[vector<16xi32>, vector<16xi32>], vector<16xf32>,
        %add3A_1280 = arith.constant 51 : i32
        %add3A_1281 = vector.broadcast %add3A_1280 : i32 to vector<16xi32>
        %add3A_1282 = arith.addi %iota3A, %add3A_1281 : vector<16xi32>
        %and3A_1283 = arith.constant 63 : i32
        %and3A_1284 = vector.broadcast %and3A_1283 : i32 to vector<16xi32>
        %and3A_1285 = arith.andi %add3A_1282, %and3A_1284 : vector<16xi32>
        %gather3A_1286 = tpu.vector_load_idx %arg8[%add3A_107, %and3A_1285] : memref<512x64xf32, #tpu.memory_space<vmem>>[vector<16xi32>, vector<16xi32>], vector<16xf32>,
        %sub3A_1287 = arith.subf %gather3A_1286, %mul3A_769 : vector<16xf32>
        %mul3A_1288 = arith.mulf %sub3A_1287, %mul3A_820 : vector<16xf32>
        tpu.vector_store_idx %arg8[%add3A_107, %and3A_1285], %mul3A_1288 : memref<512x64xf32, #tpu.memory_space<vmem>>[vector<16xi32>, vector<16xi32>], vector<16xf32>,
        %add3A_1289 = arith.constant 52 : i32
        %add3A_1290 = vector.broadcast %add3A_1289 : i32 to vector<16xi32>
        %add3A_1291 = arith.addi %iota3A, %add3A_1290 : vector<16xi32>
        %and3A_1292 = arith.constant 63 : i32
        %and3A_1293 = vector.broadcast %and3A_1292 : i32 to vector<16xi32>
        %and3A_1294 = arith.andi %add3A_1291, %and3A_1293 : vector<16xi32>
        %gather3A_1295 = tpu.vector_load_idx %arg8[%add3A_107, %and3A_1294] : memref<512x64xf32, #tpu.memory_space<vmem>>[vector<16xi32>, vector<16xi32>], vector<16xf32>,
        %sub3A_1296 = arith.subf %gather3A_1295, %mul3A_769 : vector<16xf32>
        %mul3A_1297 = arith.mulf %sub3A_1296, %mul3A_820 : vector<16xf32>
        tpu.vector_store_idx %arg8[%add3A_107, %and3A_1294], %mul3A_1297 : memref<512x64xf32, #tpu.memory_space<vmem>>[vector<16xi32>, vector<16xi32>], vector<16xf32>,
        %add3A_1298 = arith.constant 53 : i32
        %add3A_1299 = vector.broadcast %add3A_1298 : i32 to vector<16xi32>
        %add3A_1300 = arith.addi %iota3A, %add3A_1299 : vector<16xi32>
        %and3A_1301 = arith.constant 63 : i32
        %and3A_1302 = vector.broadcast %and3A_1301 : i32 to vector<16xi32>
        %and3A_1303 = arith.andi %add3A_1300, %and3A_1302 : vector<16xi32>
        %gather3A_1304 = tpu.vector_load_idx %arg8[%add3A_107, %and3A_1303] : memref<512x64xf32, #tpu.memory_space<vmem>>[vector<16xi32>, vector<16xi32>], vector<16xf32>,
        %sub3A_1305 = arith.subf %gather3A_1304, %mul3A_769 : vector<16xf32>
        %mul3A_1306 = arith.mulf %sub3A_1305, %mul3A_820 : vector<16xf32>
        tpu.vector_store_idx %arg8[%add3A_107, %and3A_1303], %mul3A_1306 : memref<512x64xf32, #tpu.memory_space<vmem>>[vector<16xi32>, vector<16xi32>], vector<16xf32>,
        %add3A_1307 = arith.constant 54 : i32
        %add3A_1308 = vector.broadcast %add3A_1307 : i32 to vector<16xi32>
        %add3A_1309 = arith.addi %iota3A, %add3A_1308 : vector<16xi32>
        %and3A_1310 = arith.constant 63 : i32
        %and3A_1311 = vector.broadcast %and3A_1310 : i32 to vector<16xi32>
        %and3A_1312 = arith.andi %add3A_1309, %and3A_1311 : vector<16xi32>
        %gather3A_1313 = tpu.vector_load_idx %arg8[%add3A_107, %and3A_1312] : memref<512x64xf32, #tpu.memory_space<vmem>>[vector<16xi32>, vector<16xi32>], vector<16xf32>,
        %sub3A_1314 = arith.subf %gather3A_1313, %mul3A_769 : vector<16xf32>
        %mul3A_1315 = arith.mulf %sub3A_1314, %mul3A_820 : vector<16xf32>
        tpu.vector_store_idx %arg8[%add3A_107, %and3A_1312], %mul3A_1315 : memref<512x64xf32, #tpu.memory_space<vmem>>[vector<16xi32>, vector<16xi32>], vector<16xf32>,
        %add3A_1316 = arith.constant 55 : i32
        %add3A_1317 = vector.broadcast %add3A_1316 : i32 to vector<16xi32>
        %add3A_1318 = arith.addi %iota3A, %add3A_1317 : vector<16xi32>
        %and3A_1319 = arith.constant 63 : i32
        %and3A_1320 = vector.broadcast %and3A_1319 : i32 to vector<16xi32>
        %and3A_1321 = arith.andi %add3A_1318, %and3A_1320 : vector<16xi32>
        %gather3A_1322 = tpu.vector_load_idx %arg8[%add3A_107, %and3A_1321] : memref<512x64xf32, #tpu.memory_space<vmem>>[vector<16xi32>, vector<16xi32>], vector<16xf32>,
        %sub3A_1323 = arith.subf %gather3A_1322, %mul3A_769 : vector<16xf32>
        %mul3A_1324 = arith.mulf %sub3A_1323, %mul3A_820 : vector<16xf32>
        tpu.vector_store_idx %arg8[%add3A_107, %and3A_1321], %mul3A_1324 : memref<512x64xf32, #tpu.memory_space<vmem>>[vector<16xi32>, vector<16xi32>], vector<16xf32>,
        %add3A_1325 = arith.constant 56 : i32
        %add3A_1326 = vector.broadcast %add3A_1325 : i32 to vector<16xi32>
        %add3A_1327 = arith.addi %iota3A, %add3A_1326 : vector<16xi32>
        %and3A_1328 = arith.constant 63 : i32
        %and3A_1329 = vector.broadcast %and3A_1328 : i32 to vector<16xi32>
        %and3A_1330 = arith.andi %add3A_1327, %and3A_1329 : vector<16xi32>
        %gather3A_1331 = tpu.vector_load_idx %arg8[%add3A_107, %and3A_1330] : memref<512x64xf32, #tpu.memory_space<vmem>>[vector<16xi32>, vector<16xi32>], vector<16xf32>,
        %sub3A_1332 = arith.subf %gather3A_1331, %mul3A_769 : vector<16xf32>
        %mul3A_1333 = arith.mulf %sub3A_1332, %mul3A_820 : vector<16xf32>
        tpu.vector_store_idx %arg8[%add3A_107, %and3A_1330], %mul3A_1333 : memref<512x64xf32, #tpu.memory_space<vmem>>[vector<16xi32>, vector<16xi32>], vector<16xf32>,
        %add3A_1334 = arith.constant 57 : i32
        %add3A_1335 = vector.broadcast %add3A_1334 : i32 to vector<16xi32>
        %add3A_1336 = arith.addi %iota3A, %add3A_1335 : vector<16xi32>
        %and3A_1337 = arith.constant 63 : i32
        %and3A_1338 = vector.broadcast %and3A_1337 : i32 to vector<16xi32>
        %and3A_1339 = arith.andi %add3A_1336, %and3A_1338 : vector<16xi32>
        %gather3A_1340 = tpu.vector_load_idx %arg8[%add3A_107, %and3A_1339] : memref<512x64xf32, #tpu.memory_space<vmem>>[vector<16xi32>, vector<16xi32>], vector<16xf32>,
        %sub3A_1341 = arith.subf %gather3A_1340, %mul3A_769 : vector<16xf32>
        %mul3A_1342 = arith.mulf %sub3A_1341, %mul3A_820 : vector<16xf32>
        tpu.vector_store_idx %arg8[%add3A_107, %and3A_1339], %mul3A_1342 : memref<512x64xf32, #tpu.memory_space<vmem>>[vector<16xi32>, vector<16xi32>], vector<16xf32>,
        %add3A_1343 = arith.constant 58 : i32
        %add3A_1344 = vector.broadcast %add3A_1343 : i32 to vector<16xi32>
        %add3A_1345 = arith.addi %iota3A, %add3A_1344 : vector<16xi32>
        %and3A_1346 = arith.constant 63 : i32
        %and3A_1347 = vector.broadcast %and3A_1346 : i32 to vector<16xi32>
        %and3A_1348 = arith.andi %add3A_1345, %and3A_1347 : vector<16xi32>
        %gather3A_1349 = tpu.vector_load_idx %arg8[%add3A_107, %and3A_1348] : memref<512x64xf32, #tpu.memory_space<vmem>>[vector<16xi32>, vector<16xi32>], vector<16xf32>,
        %sub3A_1350 = arith.subf %gather3A_1349, %mul3A_769 : vector<16xf32>
        %mul3A_1351 = arith.mulf %sub3A_1350, %mul3A_820 : vector<16xf32>
        tpu.vector_store_idx %arg8[%add3A_107, %and3A_1348], %mul3A_1351 : memref<512x64xf32, #tpu.memory_space<vmem>>[vector<16xi32>, vector<16xi32>], vector<16xf32>,
        %add3A_1352 = arith.constant 59 : i32
        %add3A_1353 = vector.broadcast %add3A_1352 : i32 to vector<16xi32>
        %add3A_1354 = arith.addi %iota3A, %add3A_1353 : vector<16xi32>
        %and3A_1355 = arith.constant 63 : i32
        %and3A_1356 = vector.broadcast %and3A_1355 : i32 to vector<16xi32>
        %and3A_1357 = arith.andi %add3A_1354, %and3A_1356 : vector<16xi32>
        %gather3A_1358 = tpu.vector_load_idx %arg8[%add3A_107, %and3A_1357] : memref<512x64xf32, #tpu.memory_space<vmem>>[vector<16xi32>, vector<16xi32>], vector<16xf32>,
        %sub3A_1359 = arith.subf %gather3A_1358, %mul3A_769 : vector<16xf32>
        %mul3A_1360 = arith.mulf %sub3A_1359, %mul3A_820 : vector<16xf32>
        tpu.vector_store_idx %arg8[%add3A_107, %and3A_1357], %mul3A_1360 : memref<512x64xf32, #tpu.memory_space<vmem>>[vector<16xi32>, vector<16xi32>], vector<16xf32>,
        %add3A_1361 = arith.constant 60 : i32
        %add3A_1362 = vector.broadcast %add3A_1361 : i32 to vector<16xi32>
        %add3A_1363 = arith.addi %iota3A, %add3A_1362 : vector<16xi32>
        %and3A_1364 = arith.constant 63 : i32
        %and3A_1365 = vector.broadcast %and3A_1364 : i32 to vector<16xi32>
        %and3A_1366 = arith.andi %add3A_1363, %and3A_1365 : vector<16xi32>
        %gather3A_1367 = tpu.vector_load_idx %arg8[%add3A_107, %and3A_1366] : memref<512x64xf32, #tpu.memory_space<vmem>>[vector<16xi32>, vector<16xi32>], vector<16xf32>,
        %sub3A_1368 = arith.subf %gather3A_1367, %mul3A_769 : vector<16xf32>
        %mul3A_1369 = arith.mulf %sub3A_1368, %mul3A_820 : vector<16xf32>
        tpu.vector_store_idx %arg8[%add3A_107, %and3A_1366], %mul3A_1369 : memref<512x64xf32, #tpu.memory_space<vmem>>[vector<16xi32>, vector<16xi32>], vector<16xf32>,
        %add3A_1370 = arith.constant 61 : i32
        %add3A_1371 = vector.broadcast %add3A_1370 : i32 to vector<16xi32>
        %add3A_1372 = arith.addi %iota3A, %add3A_1371 : vector<16xi32>
        %and3A_1373 = arith.constant 63 : i32
        %and3A_1374 = vector.broadcast %and3A_1373 : i32 to vector<16xi32>
        %and3A_1375 = arith.andi %add3A_1372, %and3A_1374 : vector<16xi32>
        %gather3A_1376 = tpu.vector_load_idx %arg8[%add3A_107, %and3A_1375] : memref<512x64xf32, #tpu.memory_space<vmem>>[vector<16xi32>, vector<16xi32>], vector<16xf32>,
        %sub3A_1377 = arith.subf %gather3A_1376, %mul3A_769 : vector<16xf32>
        %mul3A_1378 = arith.mulf %sub3A_1377, %mul3A_820 : vector<16xf32>
        tpu.vector_store_idx %arg8[%add3A_107, %and3A_1375], %mul3A_1378 : memref<512x64xf32, #tpu.memory_space<vmem>>[vector<16xi32>, vector<16xi32>], vector<16xf32>,
        %add3A_1379 = arith.constant 62 : i32
        %add3A_1380 = vector.broadcast %add3A_1379 : i32 to vector<16xi32>
        %add3A_1381 = arith.addi %iota3A, %add3A_1380 : vector<16xi32>
        %and3A_1382 = arith.constant 63 : i32
        %and3A_1383 = vector.broadcast %and3A_1382 : i32 to vector<16xi32>
        %and3A_1384 = arith.andi %add3A_1381, %and3A_1383 : vector<16xi32>
        %gather3A_1385 = tpu.vector_load_idx %arg8[%add3A_107, %and3A_1384] : memref<512x64xf32, #tpu.memory_space<vmem>>[vector<16xi32>, vector<16xi32>], vector<16xf32>,
        %sub3A_1386 = arith.subf %gather3A_1385, %mul3A_769 : vector<16xf32>
        %mul3A_1387 = arith.mulf %sub3A_1386, %mul3A_820 : vector<16xf32>
        tpu.vector_store_idx %arg8[%add3A_107, %and3A_1384], %mul3A_1387 : memref<512x64xf32, #tpu.memory_space<vmem>>[vector<16xi32>, vector<16xi32>], vector<16xf32>,
        %add3A_1388 = arith.constant 63 : i32
        %add3A_1389 = vector.broadcast %add3A_1388 : i32 to vector<16xi32>
        %add3A_1390 = arith.addi %iota3A, %add3A_1389 : vector<16xi32>
        %and3A_1391 = arith.constant 63 : i32
        %and3A_1392 = vector.broadcast %and3A_1391 : i32 to vector<16xi32>
        %and3A_1393 = arith.andi %add3A_1390, %and3A_1392 : vector<16xi32>
        %gather3A_1394 = tpu.vector_load_idx %arg8[%add3A_107, %and3A_1393] : memref<512x64xf32, #tpu.memory_space<vmem>>[vector<16xi32>, vector<16xi32>], vector<16xf32>,
        %sub3A_1395 = arith.subf %gather3A_1394, %mul3A_769 : vector<16xf32>
        %mul3A_1396 = arith.mulf %sub3A_1395, %mul3A_820 : vector<16xf32>
        tpu.vector_store_idx %arg8[%add3A_107, %and3A_1393], %mul3A_1396 : memref<512x64xf32, #tpu.memory_space<vmem>>[vector<16xi32>, vector<16xi32>], vector<16xf32>,
        %broadcast_in_dim3A_1397 = arith.constant 1 : i32
        %broadcast_in_dim3A_1398 = vector.broadcast %broadcast_in_dim3A_1397 : i32 to vector<16xi32>
        %mul3A_1399 = arith.constant 16 : i32
        %mul3A_1400 = arith.muli %scan3A_103, %mul3A_1399 : i32
        %add3A_1401 = arith.constant 0 : i32
        %add3A_1402 = arith.addi %mul3A_1400, %add3A_1401 : i32
        %mul3A_1403 = vector.broadcast %add3A_1402 : i32 to vector<16xi32>
        %mul3A_1404 = arith.muli %broadcast_in_dim3A_1398, %mul3A_1403 : vector<16xi32>
        %add3A_1405 = arith.constant 0 : i32
        %add3A_1406 = vector.broadcast %add3A_1405 : i32 to vector<16xi32>
        %add3A_1407 = arith.addi %iota3A, %add3A_1406 : vector<16xi32>
        %gather3A_1408 = tpu.vector_load_idx %arg8[%mul3A_1404, %add3A_1407] : memref<512x64xf32, #tpu.memory_space<vmem>>[vector<16xi32>, vector<16xi32>], vector<16xf32>,
        %mul3A_1409 = arith.mulf %gather3A_1408, %get3A_3 : vector<16xf32>
        %add3A_1410 = arith.addf %mul3A_1409, %get3A_11 : vector<16xf32>
        tpu.vector_store_idx %arg8[%mul3A_1404, %add3A_1407], %add3A_1410 : memref<512x64xf32, #tpu.memory_space<vmem>>[vector<16xi32>, vector<16xi32>], vector<16xf32>,
        %add3A_1411 = arith.constant 16 : i32
        %add3A_1412 = vector.broadcast %add3A_1411 : i32 to vector<16xi32>
        %add3A_1413 = arith.addi %iota3A, %add3A_1412 : vector<16xi32>
        %gather3A_1414 = tpu.vector_load_idx %arg8[%mul3A_1404, %add3A_1413] : memref<512x64xf32, #tpu.memory_space<vmem>>[vector<16xi32>, vector<16xi32>], vector<16xf32>,
        %mul3A_1415 = arith.mulf %gather3A_1414, %get3A_5 : vector<16xf32>
        %add3A_1416 = arith.addf %mul3A_1415, %get3A_13 : vector<16xf32>
        tpu.vector_store_idx %arg8[%mul3A_1404, %add3A_1413], %add3A_1416 : memref<512x64xf32, #tpu.memory_space<vmem>>[vector<16xi32>, vector<16xi32>], vector<16xf32>,
        %add3A_1417 = arith.constant 32 : i32
        %add3A_1418 = vector.broadcast %add3A_1417 : i32 to vector<16xi32>
        %add3A_1419 = arith.addi %iota3A, %add3A_1418 : vector<16xi32>
        %gather3A_1420 = tpu.vector_load_idx %arg8[%mul3A_1404, %add3A_1419] : memref<512x64xf32, #tpu.memory_space<vmem>>[vector<16xi32>, vector<16xi32>], vector<16xf32>,
        %mul3A_1421 = arith.mulf %gather3A_1420, %get3A_7 : vector<16xf32>
        %add3A_1422 = arith.addf %mul3A_1421, %get3A_15 : vector<16xf32>
        tpu.vector_store_idx %arg8[%mul3A_1404, %add3A_1419], %add3A_1422 : memref<512x64xf32, #tpu.memory_space<vmem>>[vector<16xi32>, vector<16xi32>], vector<16xf32>,
        %add3A_1423 = arith.constant 48 : i32
        %add3A_1424 = vector.broadcast %add3A_1423 : i32 to vector<16xi32>
        %add3A_1425 = arith.addi %iota3A, %add3A_1424 : vector<16xi32>
        %gather3A_1426 = tpu.vector_load_idx %arg8[%mul3A_1404, %add3A_1425] : memref<512x64xf32, #tpu.memory_space<vmem>>[vector<16xi32>, vector<16xi32>], vector<16xf32>,
        %mul3A_1427 = arith.mulf %gather3A_1426, %get3A_9 : vector<16xf32>
        %add3A_1428 = arith.addf %mul3A_1427, %get3A_17 : vector<16xf32>
        tpu.vector_store_idx %arg8[%mul3A_1404, %add3A_1425], %add3A_1428 : memref<512x64xf32, #tpu.memory_space<vmem>>[vector<16xi32>, vector<16xi32>], vector<16xf32>,
        %broadcast_in_dim3A_1429 = arith.constant 1 : i32
        %broadcast_in_dim3A_1430 = vector.broadcast %broadcast_in_dim3A_1429 : i32 to vector<16xi32>
        %mul3A_1431 = arith.constant 16 : i32
        %mul3A_1432 = arith.muli %scan3A_103, %mul3A_1431 : i32
        %add3A_1433 = arith.constant 1 : i32
        %add3A_1434 = arith.addi %mul3A_1432, %add3A_1433 : i32
        %mul3A_1435 = vector.broadcast %add3A_1434 : i32 to vector<16xi32>
        %mul3A_1436 = arith.muli %broadcast_in_dim3A_1430, %mul3A_1435 : vector<16xi32>
        %add3A_1437 = arith.constant 0 : i32
        %add3A_1438 = vector.broadcast %add3A_1437 : i32 to vector<16xi32>
        %add3A_1439 = arith.addi %iota3A, %add3A_1438 : vector<16xi32>
        %gather3A_1440 = tpu.vector_load_idx %arg8[%mul3A_1436, %add3A_1439] : memref<512x64xf32, #tpu.memory_space<vmem>>[vector<16xi32>, vector<16xi32>], vector<16xf32>,
        %mul3A_1441 = arith.mulf %gather3A_1440, %get3A_3 : vector<16xf32>
        %add3A_1442 = arith.addf %mul3A_1441, %get3A_11 : vector<16xf32>
        tpu.vector_store_idx %arg8[%mul3A_1436, %add3A_1439], %add3A_1442 : memref<512x64xf32, #tpu.memory_space<vmem>>[vector<16xi32>, vector<16xi32>], vector<16xf32>,
        %add3A_1443 = arith.constant 16 : i32
        %add3A_1444 = vector.broadcast %add3A_1443 : i32 to vector<16xi32>
        %add3A_1445 = arith.addi %iota3A, %add3A_1444 : vector<16xi32>
        %gather3A_1446 = tpu.vector_load_idx %arg8[%mul3A_1436, %add3A_1445] : memref<512x64xf32, #tpu.memory_space<vmem>>[vector<16xi32>, vector<16xi32>], vector<16xf32>,
        %mul3A_1447 = arith.mulf %gather3A_1446, %get3A_5 : vector<16xf32>
        %add3A_1448 = arith.addf %mul3A_1447, %get3A_13 : vector<16xf32>
        tpu.vector_store_idx %arg8[%mul3A_1436, %add3A_1445], %add3A_1448 : memref<512x64xf32, #tpu.memory_space<vmem>>[vector<16xi32>, vector<16xi32>], vector<16xf32>,
        %add3A_1449 = arith.constant 32 : i32
        %add3A_1450 = vector.broadcast %add3A_1449 : i32 to vector<16xi32>
        %add3A_1451 = arith.addi %iota3A, %add3A_1450 : vector<16xi32>
        %gather3A_1452 = tpu.vector_load_idx %arg8[%mul3A_1436, %add3A_1451] : memref<512x64xf32, #tpu.memory_space<vmem>>[vector<16xi32>, vector<16xi32>], vector<16xf32>,
        %mul3A_1453 = arith.mulf %gather3A_1452, %get3A_7 : vector<16xf32>
        %add3A_1454 = arith.addf %mul3A_1453, %get3A_15 : vector<16xf32>
        tpu.vector_store_idx %arg8[%mul3A_1436, %add3A_1451], %add3A_1454 : memref<512x64xf32, #tpu.memory_space<vmem>>[vector<16xi32>, vector<16xi32>], vector<16xf32>,
        %add3A_1455 = arith.constant 48 : i32
        %add3A_1456 = vector.broadcast %add3A_1455 : i32 to vector<16xi32>
        %add3A_1457 = arith.addi %iota3A, %add3A_1456 : vector<16xi32>
        %gather3A_1458 = tpu.vector_load_idx %arg8[%mul3A_1436, %add3A_1457] : memref<512x64xf32, #tpu.memory_space<vmem>>[vector<16xi32>, vector<16xi32>], vector<16xf32>,
        %mul3A_1459 = arith.mulf %gather3A_1458, %get3A_9 : vector<16xf32>
        %add3A_1460 = arith.addf %mul3A_1459, %get3A_17 : vector<16xf32>
        tpu.vector_store_idx %arg8[%mul3A_1436, %add3A_1457], %add3A_1460 : memref<512x64xf32, #tpu.memory_space<vmem>>[vector<16xi32>, vector<16xi32>], vector<16xf32>,
        %broadcast_in_dim3A_1461 = arith.constant 1 : i32
        %broadcast_in_dim3A_1462 = vector.broadcast %broadcast_in_dim3A_1461 : i32 to vector<16xi32>
        %mul3A_1463 = arith.constant 16 : i32
        %mul3A_1464 = arith.muli %scan3A_103, %mul3A_1463 : i32
        %add3A_1465 = arith.constant 2 : i32
        %add3A_1466 = arith.addi %mul3A_1464, %add3A_1465 : i32
        %mul3A_1467 = vector.broadcast %add3A_1466 : i32 to vector<16xi32>
        %mul3A_1468 = arith.muli %broadcast_in_dim3A_1462, %mul3A_1467 : vector<16xi32>
        %add3A_1469 = arith.constant 0 : i32
        %add3A_1470 = vector.broadcast %add3A_1469 : i32 to vector<16xi32>
        %add3A_1471 = arith.addi %iota3A, %add3A_1470 : vector<16xi32>
        %gather3A_1472 = tpu.vector_load_idx %arg8[%mul3A_1468, %add3A_1471] : memref<512x64xf32, #tpu.memory_space<vmem>>[vector<16xi32>, vector<16xi32>], vector<16xf32>,
        %mul3A_1473 = arith.mulf %gather3A_1472, %get3A_3 : vector<16xf32>
        %add3A_1474 = arith.addf %mul3A_1473, %get3A_11 : vector<16xf32>
        tpu.vector_store_idx %arg8[%mul3A_1468, %add3A_1471], %add3A_1474 : memref<512x64xf32, #tpu.memory_space<vmem>>[vector<16xi32>, vector<16xi32>], vector<16xf32>,
        %add3A_1475 = arith.constant 16 : i32
        %add3A_1476 = vector.broadcast %add3A_1475 : i32 to vector<16xi32>
        %add3A_1477 = arith.addi %iota3A, %add3A_1476 : vector<16xi32>
        %gather3A_1478 = tpu.vector_load_idx %arg8[%mul3A_1468, %add3A_1477] : memref<512x64xf32, #tpu.memory_space<vmem>>[vector<16xi32>, vector<16xi32>], vector<16xf32>,
        %mul3A_1479 = arith.mulf %gather3A_1478, %get3A_5 : vector<16xf32>
        %add3A_1480 = arith.addf %mul3A_1479, %get3A_13 : vector<16xf32>
        tpu.vector_store_idx %arg8[%mul3A_1468, %add3A_1477], %add3A_1480 : memref<512x64xf32, #tpu.memory_space<vmem>>[vector<16xi32>, vector<16xi32>], vector<16xf32>,
        %add3A_1481 = arith.constant 32 : i32
        %add3A_1482 = vector.broadcast %add3A_1481 : i32 to vector<16xi32>
        %add3A_1483 = arith.addi %iota3A, %add3A_1482 : vector<16xi32>
        %gather3A_1484 = tpu.vector_load_idx %arg8[%mul3A_1468, %add3A_1483] : memref<512x64xf32, #tpu.memory_space<vmem>>[vector<16xi32>, vector<16xi32>], vector<16xf32>,
        %mul3A_1485 = arith.mulf %gather3A_1484, %get3A_7 : vector<16xf32>
        %add3A_1486 = arith.addf %mul3A_1485, %get3A_15 : vector<16xf32>
        tpu.vector_store_idx %arg8[%mul3A_1468, %add3A_1483], %add3A_1486 : memref<512x64xf32, #tpu.memory_space<vmem>>[vector<16xi32>, vector<16xi32>], vector<16xf32>,
        %add3A_1487 = arith.constant 48 : i32
        %add3A_1488 = vector.broadcast %add3A_1487 : i32 to vector<16xi32>
        %add3A_1489 = arith.addi %iota3A, %add3A_1488 : vector<16xi32>
        %gather3A_1490 = tpu.vector_load_idx %arg8[%mul3A_1468, %add3A_1489] : memref<512x64xf32, #tpu.memory_space<vmem>>[vector<16xi32>, vector<16xi32>], vector<16xf32>,
        %mul3A_1491 = arith.mulf %gather3A_1490, %get3A_9 : vector<16xf32>
        %add3A_1492 = arith.addf %mul3A_1491, %get3A_17 : vector<16xf32>
        tpu.vector_store_idx %arg8[%mul3A_1468, %add3A_1489], %add3A_1492 : memref<512x64xf32, #tpu.memory_space<vmem>>[vector<16xi32>, vector<16xi32>], vector<16xf32>,
        %broadcast_in_dim3A_1493 = arith.constant 1 : i32
        %broadcast_in_dim3A_1494 = vector.broadcast %broadcast_in_dim3A_1493 : i32 to vector<16xi32>
        %mul3A_1495 = arith.constant 16 : i32
        %mul3A_1496 = arith.muli %scan3A_103, %mul3A_1495 : i32
        %add3A_1497 = arith.constant 3 : i32
        %add3A_1498 = arith.addi %mul3A_1496, %add3A_1497 : i32
        %mul3A_1499 = vector.broadcast %add3A_1498 : i32 to vector<16xi32>
        %mul3A_1500 = arith.muli %broadcast_in_dim3A_1494, %mul3A_1499 : vector<16xi32>
        %add3A_1501 = arith.constant 0 : i32
        %add3A_1502 = vector.broadcast %add3A_1501 : i32 to vector<16xi32>
        %add3A_1503 = arith.addi %iota3A, %add3A_1502 : vector<16xi32>
        %gather3A_1504 = tpu.vector_load_idx %arg8[%mul3A_1500, %add3A_1503] : memref<512x64xf32, #tpu.memory_space<vmem>>[vector<16xi32>, vector<16xi32>], vector<16xf32>,
        %mul3A_1505 = arith.mulf %gather3A_1504, %get3A_3 : vector<16xf32>
        %add3A_1506 = arith.addf %mul3A_1505, %get3A_11 : vector<16xf32>
        tpu.vector_store_idx %arg8[%mul3A_1500, %add3A_1503], %add3A_1506 : memref<512x64xf32, #tpu.memory_space<vmem>>[vector<16xi32>, vector<16xi32>], vector<16xf32>,
        %add3A_1507 = arith.constant 16 : i32
        %add3A_1508 = vector.broadcast %add3A_1507 : i32 to vector<16xi32>
        %add3A_1509 = arith.addi %iota3A, %add3A_1508 : vector<16xi32>
        %gather3A_1510 = tpu.vector_load_idx %arg8[%mul3A_1500, %add3A_1509] : memref<512x64xf32, #tpu.memory_space<vmem>>[vector<16xi32>, vector<16xi32>], vector<16xf32>,
        %mul3A_1511 = arith.mulf %gather3A_1510, %get3A_5 : vector<16xf32>
        %add3A_1512 = arith.addf %mul3A_1511, %get3A_13 : vector<16xf32>
        tpu.vector_store_idx %arg8[%mul3A_1500, %add3A_1509], %add3A_1512 : memref<512x64xf32, #tpu.memory_space<vmem>>[vector<16xi32>, vector<16xi32>], vector<16xf32>,
        %add3A_1513 = arith.constant 32 : i32
        %add3A_1514 = vector.broadcast %add3A_1513 : i32 to vector<16xi32>
        %add3A_1515 = arith.addi %iota3A, %add3A_1514 : vector<16xi32>
        %gather3A_1516 = tpu.vector_load_idx %arg8[%mul3A_1500, %add3A_1515] : memref<512x64xf32, #tpu.memory_space<vmem>>[vector<16xi32>, vector<16xi32>], vector<16xf32>,
        %mul3A_1517 = arith.mulf %gather3A_1516, %get3A_7 : vector<16xf32>
        %add3A_1518 = arith.addf %mul3A_1517, %get3A_15 : vector<16xf32>
        tpu.vector_store_idx %arg8[%mul3A_1500, %add3A_1515], %add3A_1518 : memref<512x64xf32, #tpu.memory_space<vmem>>[vector<16xi32>, vector<16xi32>], vector<16xf32>,
        %add3A_1519 = arith.constant 48 : i32
        %add3A_1520 = vector.broadcast %add3A_1519 : i32 to vector<16xi32>
        %add3A_1521 = arith.addi %iota3A, %add3A_1520 : vector<16xi32>
        %gather3A_1522 = tpu.vector_load_idx %arg8[%mul3A_1500, %add3A_1521] : memref<512x64xf32, #tpu.memory_space<vmem>>[vector<16xi32>, vector<16xi32>], vector<16xf32>,
        %mul3A_1523 = arith.mulf %gather3A_1522, %get3A_9 : vector<16xf32>
        %add3A_1524 = arith.addf %mul3A_1523, %get3A_17 : vector<16xf32>
        tpu.vector_store_idx %arg8[%mul3A_1500, %add3A_1521], %add3A_1524 : memref<512x64xf32, #tpu.memory_space<vmem>>[vector<16xi32>, vector<16xi32>], vector<16xf32>,
        %broadcast_in_dim3A_1525 = arith.constant 1 : i32
        %broadcast_in_dim3A_1526 = vector.broadcast %broadcast_in_dim3A_1525 : i32 to vector<16xi32>
        %mul3A_1527 = arith.constant 16 : i32
        %mul3A_1528 = arith.muli %scan3A_103, %mul3A_1527 : i32
        %add3A_1529 = arith.constant 4 : i32
        %add3A_1530 = arith.addi %mul3A_1528, %add3A_1529 : i32
        %mul3A_1531 = vector.broadcast %add3A_1530 : i32 to vector<16xi32>
        %mul3A_1532 = arith.muli %broadcast_in_dim3A_1526, %mul3A_1531 : vector<16xi32>
        %add3A_1533 = arith.constant 0 : i32
        %add3A_1534 = vector.broadcast %add3A_1533 : i32 to vector<16xi32>
        %add3A_1535 = arith.addi %iota3A, %add3A_1534 : vector<16xi32>
        %gather3A_1536 = tpu.vector_load_idx %arg8[%mul3A_1532, %add3A_1535] : memref<512x64xf32, #tpu.memory_space<vmem>>[vector<16xi32>, vector<16xi32>], vector<16xf32>,
        %mul3A_1537 = arith.mulf %gather3A_1536, %get3A_3 : vector<16xf32>
        %add3A_1538 = arith.addf %mul3A_1537, %get3A_11 : vector<16xf32>
        tpu.vector_store_idx %arg8[%mul3A_1532, %add3A_1535], %add3A_1538 : memref<512x64xf32, #tpu.memory_space<vmem>>[vector<16xi32>, vector<16xi32>], vector<16xf32>,
        %add3A_1539 = arith.constant 16 : i32
        %add3A_1540 = vector.broadcast %add3A_1539 : i32 to vector<16xi32>
        %add3A_1541 = arith.addi %iota3A, %add3A_1540 : vector<16xi32>
        %gather3A_1542 = tpu.vector_load_idx %arg8[%mul3A_1532, %add3A_1541] : memref<512x64xf32, #tpu.memory_space<vmem>>[vector<16xi32>, vector<16xi32>], vector<16xf32>,
        %mul3A_1543 = arith.mulf %gather3A_1542, %get3A_5 : vector<16xf32>
        %add3A_1544 = arith.addf %mul3A_1543, %get3A_13 : vector<16xf32>
        tpu.vector_store_idx %arg8[%mul3A_1532, %add3A_1541], %add3A_1544 : memref<512x64xf32, #tpu.memory_space<vmem>>[vector<16xi32>, vector<16xi32>], vector<16xf32>,
        %add3A_1545 = arith.constant 32 : i32
        %add3A_1546 = vector.broadcast %add3A_1545 : i32 to vector<16xi32>
        %add3A_1547 = arith.addi %iota3A, %add3A_1546 : vector<16xi32>
        %gather3A_1548 = tpu.vector_load_idx %arg8[%mul3A_1532, %add3A_1547] : memref<512x64xf32, #tpu.memory_space<vmem>>[vector<16xi32>, vector<16xi32>], vector<16xf32>,
        %mul3A_1549 = arith.mulf %gather3A_1548, %get3A_7 : vector<16xf32>
        %add3A_1550 = arith.addf %mul3A_1549, %get3A_15 : vector<16xf32>
        tpu.vector_store_idx %arg8[%mul3A_1532, %add3A_1547], %add3A_1550 : memref<512x64xf32, #tpu.memory_space<vmem>>[vector<16xi32>, vector<16xi32>], vector<16xf32>,
        %add3A_1551 = arith.constant 48 : i32
        %add3A_1552 = vector.broadcast %add3A_1551 : i32 to vector<16xi32>
        %add3A_1553 = arith.addi %iota3A, %add3A_1552 : vector<16xi32>
        %gather3A_1554 = tpu.vector_load_idx %arg8[%mul3A_1532, %add3A_1553] : memref<512x64xf32, #tpu.memory_space<vmem>>[vector<16xi32>, vector<16xi32>], vector<16xf32>,
        %mul3A_1555 = arith.mulf %gather3A_1554, %get3A_9 : vector<16xf32>
        %add3A_1556 = arith.addf %mul3A_1555, %get3A_17 : vector<16xf32>
        tpu.vector_store_idx %arg8[%mul3A_1532, %add3A_1553], %add3A_1556 : memref<512x64xf32, #tpu.memory_space<vmem>>[vector<16xi32>, vector<16xi32>], vector<16xf32>,
        %broadcast_in_dim3A_1557 = arith.constant 1 : i32
        %broadcast_in_dim3A_1558 = vector.broadcast %broadcast_in_dim3A_1557 : i32 to vector<16xi32>
        %mul3A_1559 = arith.constant 16 : i32
        %mul3A_1560 = arith.muli %scan3A_103, %mul3A_1559 : i32
        %add3A_1561 = arith.constant 5 : i32
        %add3A_1562 = arith.addi %mul3A_1560, %add3A_1561 : i32
        %mul3A_1563 = vector.broadcast %add3A_1562 : i32 to vector<16xi32>
        %mul3A_1564 = arith.muli %broadcast_in_dim3A_1558, %mul3A_1563 : vector<16xi32>
        %add3A_1565 = arith.constant 0 : i32
        %add3A_1566 = vector.broadcast %add3A_1565 : i32 to vector<16xi32>
        %add3A_1567 = arith.addi %iota3A, %add3A_1566 : vector<16xi32>
        %gather3A_1568 = tpu.vector_load_idx %arg8[%mul3A_1564, %add3A_1567] : memref<512x64xf32, #tpu.memory_space<vmem>>[vector<16xi32>, vector<16xi32>], vector<16xf32>,
        %mul3A_1569 = arith.mulf %gather3A_1568, %get3A_3 : vector<16xf32>
        %add3A_1570 = arith.addf %mul3A_1569, %get3A_11 : vector<16xf32>
        tpu.vector_store_idx %arg8[%mul3A_1564, %add3A_1567], %add3A_1570 : memref<512x64xf32, #tpu.memory_space<vmem>>[vector<16xi32>, vector<16xi32>], vector<16xf32>,
        %add3A_1571 = arith.constant 16 : i32
        %add3A_1572 = vector.broadcast %add3A_1571 : i32 to vector<16xi32>
        %add3A_1573 = arith.addi %iota3A, %add3A_1572 : vector<16xi32>
        %gather3A_1574 = tpu.vector_load_idx %arg8[%mul3A_1564, %add3A_1573] : memref<512x64xf32, #tpu.memory_space<vmem>>[vector<16xi32>, vector<16xi32>], vector<16xf32>,
        %mul3A_1575 = arith.mulf %gather3A_1574, %get3A_5 : vector<16xf32>
        %add3A_1576 = arith.addf %mul3A_1575, %get3A_13 : vector<16xf32>
        tpu.vector_store_idx %arg8[%mul3A_1564, %add3A_1573], %add3A_1576 : memref<512x64xf32, #tpu.memory_space<vmem>>[vector<16xi32>, vector<16xi32>], vector<16xf32>,
        %add3A_1577 = arith.constant 32 : i32
        %add3A_1578 = vector.broadcast %add3A_1577 : i32 to vector<16xi32>
        %add3A_1579 = arith.addi %iota3A, %add3A_1578 : vector<16xi32>
        %gather3A_1580 = tpu.vector_load_idx %arg8[%mul3A_1564, %add3A_1579] : memref<512x64xf32, #tpu.memory_space<vmem>>[vector<16xi32>, vector<16xi32>], vector<16xf32>,
        %mul3A_1581 = arith.mulf %gather3A_1580, %get3A_7 : vector<16xf32>
        %add3A_1582 = arith.addf %mul3A_1581, %get3A_15 : vector<16xf32>
        tpu.vector_store_idx %arg8[%mul3A_1564, %add3A_1579], %add3A_1582 : memref<512x64xf32, #tpu.memory_space<vmem>>[vector<16xi32>, vector<16xi32>], vector<16xf32>,
        %add3A_1583 = arith.constant 48 : i32
        %add3A_1584 = vector.broadcast %add3A_1583 : i32 to vector<16xi32>
        %add3A_1585 = arith.addi %iota3A, %add3A_1584 : vector<16xi32>
        %gather3A_1586 = tpu.vector_load_idx %arg8[%mul3A_1564, %add3A_1585] : memref<512x64xf32, #tpu.memory_space<vmem>>[vector<16xi32>, vector<16xi32>], vector<16xf32>,
        %mul3A_1587 = arith.mulf %gather3A_1586, %get3A_9 : vector<16xf32>
        %add3A_1588 = arith.addf %mul3A_1587, %get3A_17 : vector<16xf32>
        tpu.vector_store_idx %arg8[%mul3A_1564, %add3A_1585], %add3A_1588 : memref<512x64xf32, #tpu.memory_space<vmem>>[vector<16xi32>, vector<16xi32>], vector<16xf32>,
        %broadcast_in_dim3A_1589 = arith.constant 1 : i32
        %broadcast_in_dim3A_1590 = vector.broadcast %broadcast_in_dim3A_1589 : i32 to vector<16xi32>
        %mul3A_1591 = arith.constant 16 : i32
        %mul3A_1592 = arith.muli %scan3A_103, %mul3A_1591 : i32
        %add3A_1593 = arith.constant 6 : i32
        %add3A_1594 = arith.addi %mul3A_1592, %add3A_1593 : i32
        %mul3A_1595 = vector.broadcast %add3A_1594 : i32 to vector<16xi32>
        %mul3A_1596 = arith.muli %broadcast_in_dim3A_1590, %mul3A_1595 : vector<16xi32>
        %add3A_1597 = arith.constant 0 : i32
        %add3A_1598 = vector.broadcast %add3A_1597 : i32 to vector<16xi32>
        %add3A_1599 = arith.addi %iota3A, %add3A_1598 : vector<16xi32>
        %gather3A_1600 = tpu.vector_load_idx %arg8[%mul3A_1596, %add3A_1599] : memref<512x64xf32, #tpu.memory_space<vmem>>[vector<16xi32>, vector<16xi32>], vector<16xf32>,
        %mul3A_1601 = arith.mulf %gather3A_1600, %get3A_3 : vector<16xf32>
        %add3A_1602 = arith.addf %mul3A_1601, %get3A_11 : vector<16xf32>
        tpu.vector_store_idx %arg8[%mul3A_1596, %add3A_1599], %add3A_1602 : memref<512x64xf32, #tpu.memory_space<vmem>>[vector<16xi32>, vector<16xi32>], vector<16xf32>,
        %add3A_1603 = arith.constant 16 : i32
        %add3A_1604 = vector.broadcast %add3A_1603 : i32 to vector<16xi32>
        %add3A_1605 = arith.addi %iota3A, %add3A_1604 : vector<16xi32>
        %gather3A_1606 = tpu.vector_load_idx %arg8[%mul3A_1596, %add3A_1605] : memref<512x64xf32, #tpu.memory_space<vmem>>[vector<16xi32>, vector<16xi32>], vector<16xf32>,
        %mul3A_1607 = arith.mulf %gather3A_1606, %get3A_5 : vector<16xf32>
        %add3A_1608 = arith.addf %mul3A_1607, %get3A_13 : vector<16xf32>
        tpu.vector_store_idx %arg8[%mul3A_1596, %add3A_1605], %add3A_1608 : memref<512x64xf32, #tpu.memory_space<vmem>>[vector<16xi32>, vector<16xi32>], vector<16xf32>,
        %add3A_1609 = arith.constant 32 : i32
        %add3A_1610 = vector.broadcast %add3A_1609 : i32 to vector<16xi32>
        %add3A_1611 = arith.addi %iota3A, %add3A_1610 : vector<16xi32>
        %gather3A_1612 = tpu.vector_load_idx %arg8[%mul3A_1596, %add3A_1611] : memref<512x64xf32, #tpu.memory_space<vmem>>[vector<16xi32>, vector<16xi32>], vector<16xf32>,
        %mul3A_1613 = arith.mulf %gather3A_1612, %get3A_7 : vector<16xf32>
        %add3A_1614 = arith.addf %mul3A_1613, %get3A_15 : vector<16xf32>
        tpu.vector_store_idx %arg8[%mul3A_1596, %add3A_1611], %add3A_1614 : memref<512x64xf32, #tpu.memory_space<vmem>>[vector<16xi32>, vector<16xi32>], vector<16xf32>,
        %add3A_1615 = arith.constant 48 : i32
        %add3A_1616 = vector.broadcast %add3A_1615 : i32 to vector<16xi32>
        %add3A_1617 = arith.addi %iota3A, %add3A_1616 : vector<16xi32>
        %gather3A_1618 = tpu.vector_load_idx %arg8[%mul3A_1596, %add3A_1617] : memref<512x64xf32, #tpu.memory_space<vmem>>[vector<16xi32>, vector<16xi32>], vector<16xf32>,
        %mul3A_1619 = arith.mulf %gather3A_1618, %get3A_9 : vector<16xf32>
        %add3A_1620 = arith.addf %mul3A_1619, %get3A_17 : vector<16xf32>
        tpu.vector_store_idx %arg8[%mul3A_1596, %add3A_1617], %add3A_1620 : memref<512x64xf32, #tpu.memory_space<vmem>>[vector<16xi32>, vector<16xi32>], vector<16xf32>,
        %broadcast_in_dim3A_1621 = arith.constant 1 : i32
        %broadcast_in_dim3A_1622 = vector.broadcast %broadcast_in_dim3A_1621 : i32 to vector<16xi32>
        %mul3A_1623 = arith.constant 16 : i32
        %mul3A_1624 = arith.muli %scan3A_103, %mul3A_1623 : i32
        %add3A_1625 = arith.constant 7 : i32
        %add3A_1626 = arith.addi %mul3A_1624, %add3A_1625 : i32
        %mul3A_1627 = vector.broadcast %add3A_1626 : i32 to vector<16xi32>
        %mul3A_1628 = arith.muli %broadcast_in_dim3A_1622, %mul3A_1627 : vector<16xi32>
        %add3A_1629 = arith.constant 0 : i32
        %add3A_1630 = vector.broadcast %add3A_1629 : i32 to vector<16xi32>
        %add3A_1631 = arith.addi %iota3A, %add3A_1630 : vector<16xi32>
        %gather3A_1632 = tpu.vector_load_idx %arg8[%mul3A_1628, %add3A_1631] : memref<512x64xf32, #tpu.memory_space<vmem>>[vector<16xi32>, vector<16xi32>], vector<16xf32>,
        %mul3A_1633 = arith.mulf %gather3A_1632, %get3A_3 : vector<16xf32>
        %add3A_1634 = arith.addf %mul3A_1633, %get3A_11 : vector<16xf32>
        tpu.vector_store_idx %arg8[%mul3A_1628, %add3A_1631], %add3A_1634 : memref<512x64xf32, #tpu.memory_space<vmem>>[vector<16xi32>, vector<16xi32>], vector<16xf32>,
        %add3A_1635 = arith.constant 16 : i32
        %add3A_1636 = vector.broadcast %add3A_1635 : i32 to vector<16xi32>
        %add3A_1637 = arith.addi %iota3A, %add3A_1636 : vector<16xi32>
        %gather3A_1638 = tpu.vector_load_idx %arg8[%mul3A_1628, %add3A_1637] : memref<512x64xf32, #tpu.memory_space<vmem>>[vector<16xi32>, vector<16xi32>], vector<16xf32>,
        %mul3A_1639 = arith.mulf %gather3A_1638, %get3A_5 : vector<16xf32>
        %add3A_1640 = arith.addf %mul3A_1639, %get3A_13 : vector<16xf32>
        tpu.vector_store_idx %arg8[%mul3A_1628, %add3A_1637], %add3A_1640 : memref<512x64xf32, #tpu.memory_space<vmem>>[vector<16xi32>, vector<16xi32>], vector<16xf32>,
        %add3A_1641 = arith.constant 32 : i32
        %add3A_1642 = vector.broadcast %add3A_1641 : i32 to vector<16xi32>
        %add3A_1643 = arith.addi %iota3A, %add3A_1642 : vector<16xi32>
        %gather3A_1644 = tpu.vector_load_idx %arg8[%mul3A_1628, %add3A_1643] : memref<512x64xf32, #tpu.memory_space<vmem>>[vector<16xi32>, vector<16xi32>], vector<16xf32>,
        %mul3A_1645 = arith.mulf %gather3A_1644, %get3A_7 : vector<16xf32>
        %add3A_1646 = arith.addf %mul3A_1645, %get3A_15 : vector<16xf32>
        tpu.vector_store_idx %arg8[%mul3A_1628, %add3A_1643], %add3A_1646 : memref<512x64xf32, #tpu.memory_space<vmem>>[vector<16xi32>, vector<16xi32>], vector<16xf32>,
        %add3A_1647 = arith.constant 48 : i32
        %add3A_1648 = vector.broadcast %add3A_1647 : i32 to vector<16xi32>
        %add3A_1649 = arith.addi %iota3A, %add3A_1648 : vector<16xi32>
        %gather3A_1650 = tpu.vector_load_idx %arg8[%mul3A_1628, %add3A_1649] : memref<512x64xf32, #tpu.memory_space<vmem>>[vector<16xi32>, vector<16xi32>], vector<16xf32>,
        %mul3A_1651 = arith.mulf %gather3A_1650, %get3A_9 : vector<16xf32>
        %add3A_1652 = arith.addf %mul3A_1651, %get3A_17 : vector<16xf32>
        tpu.vector_store_idx %arg8[%mul3A_1628, %add3A_1649], %add3A_1652 : memref<512x64xf32, #tpu.memory_space<vmem>>[vector<16xi32>, vector<16xi32>], vector<16xf32>,
        %broadcast_in_dim3A_1653 = arith.constant 1 : i32
        %broadcast_in_dim3A_1654 = vector.broadcast %broadcast_in_dim3A_1653 : i32 to vector<16xi32>
        %mul3A_1655 = arith.constant 16 : i32
        %mul3A_1656 = arith.muli %scan3A_103, %mul3A_1655 : i32
        %add3A_1657 = arith.constant 8 : i32
        %add3A_1658 = arith.addi %mul3A_1656, %add3A_1657 : i32
        %mul3A_1659 = vector.broadcast %add3A_1658 : i32 to vector<16xi32>
        %mul3A_1660 = arith.muli %broadcast_in_dim3A_1654, %mul3A_1659 : vector<16xi32>
        %add3A_1661 = arith.constant 0 : i32
        %add3A_1662 = vector.broadcast %add3A_1661 : i32 to vector<16xi32>
        %add3A_1663 = arith.addi %iota3A, %add3A_1662 : vector<16xi32>
        %gather3A_1664 = tpu.vector_load_idx %arg8[%mul3A_1660, %add3A_1663] : memref<512x64xf32, #tpu.memory_space<vmem>>[vector<16xi32>, vector<16xi32>], vector<16xf32>,
        %mul3A_1665 = arith.mulf %gather3A_1664, %get3A_3 : vector<16xf32>
        %add3A_1666 = arith.addf %mul3A_1665, %get3A_11 : vector<16xf32>
        tpu.vector_store_idx %arg8[%mul3A_1660, %add3A_1663], %add3A_1666 : memref<512x64xf32, #tpu.memory_space<vmem>>[vector<16xi32>, vector<16xi32>], vector<16xf32>,
        %add3A_1667 = arith.constant 16 : i32
        %add3A_1668 = vector.broadcast %add3A_1667 : i32 to vector<16xi32>
        %add3A_1669 = arith.addi %iota3A, %add3A_1668 : vector<16xi32>
        %gather3A_1670 = tpu.vector_load_idx %arg8[%mul3A_1660, %add3A_1669] : memref<512x64xf32, #tpu.memory_space<vmem>>[vector<16xi32>, vector<16xi32>], vector<16xf32>,
        %mul3A_1671 = arith.mulf %gather3A_1670, %get3A_5 : vector<16xf32>
        %add3A_1672 = arith.addf %mul3A_1671, %get3A_13 : vector<16xf32>
        tpu.vector_store_idx %arg8[%mul3A_1660, %add3A_1669], %add3A_1672 : memref<512x64xf32, #tpu.memory_space<vmem>>[vector<16xi32>, vector<16xi32>], vector<16xf32>,
        %add3A_1673 = arith.constant 32 : i32
        %add3A_1674 = vector.broadcast %add3A_1673 : i32 to vector<16xi32>
        %add3A_1675 = arith.addi %iota3A, %add3A_1674 : vector<16xi32>
        %gather3A_1676 = tpu.vector_load_idx %arg8[%mul3A_1660, %add3A_1675] : memref<512x64xf32, #tpu.memory_space<vmem>>[vector<16xi32>, vector<16xi32>], vector<16xf32>,
        %mul3A_1677 = arith.mulf %gather3A_1676, %get3A_7 : vector<16xf32>
        %add3A_1678 = arith.addf %mul3A_1677, %get3A_15 : vector<16xf32>
        tpu.vector_store_idx %arg8[%mul3A_1660, %add3A_1675], %add3A_1678 : memref<512x64xf32, #tpu.memory_space<vmem>>[vector<16xi32>, vector<16xi32>], vector<16xf32>,
        %add3A_1679 = arith.constant 48 : i32
        %add3A_1680 = vector.broadcast %add3A_1679 : i32 to vector<16xi32>
        %add3A_1681 = arith.addi %iota3A, %add3A_1680 : vector<16xi32>
        %gather3A_1682 = tpu.vector_load_idx %arg8[%mul3A_1660, %add3A_1681] : memref<512x64xf32, #tpu.memory_space<vmem>>[vector<16xi32>, vector<16xi32>], vector<16xf32>,
        %mul3A_1683 = arith.mulf %gather3A_1682, %get3A_9 : vector<16xf32>
        %add3A_1684 = arith.addf %mul3A_1683, %get3A_17 : vector<16xf32>
        tpu.vector_store_idx %arg8[%mul3A_1660, %add3A_1681], %add3A_1684 : memref<512x64xf32, #tpu.memory_space<vmem>>[vector<16xi32>, vector<16xi32>], vector<16xf32>,
        %broadcast_in_dim3A_1685 = arith.constant 1 : i32
        %broadcast_in_dim3A_1686 = vector.broadcast %broadcast_in_dim3A_1685 : i32 to vector<16xi32>
        %mul3A_1687 = arith.constant 16 : i32
        %mul3A_1688 = arith.muli %scan3A_103, %mul3A_1687 : i32
        %add3A_1689 = arith.constant 9 : i32
        %add3A_1690 = arith.addi %mul3A_1688, %add3A_1689 : i32
        %mul3A_1691 = vector.broadcast %add3A_1690 : i32 to vector<16xi32>
        %mul3A_1692 = arith.muli %broadcast_in_dim3A_1686, %mul3A_1691 : vector<16xi32>
        %add3A_1693 = arith.constant 0 : i32
        %add3A_1694 = vector.broadcast %add3A_1693 : i32 to vector<16xi32>
        %add3A_1695 = arith.addi %iota3A, %add3A_1694 : vector<16xi32>
        %gather3A_1696 = tpu.vector_load_idx %arg8[%mul3A_1692, %add3A_1695] : memref<512x64xf32, #tpu.memory_space<vmem>>[vector<16xi32>, vector<16xi32>], vector<16xf32>,
        %mul3A_1697 = arith.mulf %gather3A_1696, %get3A_3 : vector<16xf32>
        %add3A_1698 = arith.addf %mul3A_1697, %get3A_11 : vector<16xf32>
        tpu.vector_store_idx %arg8[%mul3A_1692, %add3A_1695], %add3A_1698 : memref<512x64xf32, #tpu.memory_space<vmem>>[vector<16xi32>, vector<16xi32>], vector<16xf32>,
        %add3A_1699 = arith.constant 16 : i32
        %add3A_1700 = vector.broadcast %add3A_1699 : i32 to vector<16xi32>
        %add3A_1701 = arith.addi %iota3A, %add3A_1700 : vector<16xi32>
        %gather3A_1702 = tpu.vector_load_idx %arg8[%mul3A_1692, %add3A_1701] : memref<512x64xf32, #tpu.memory_space<vmem>>[vector<16xi32>, vector<16xi32>], vector<16xf32>,
        %mul3A_1703 = arith.mulf %gather3A_1702, %get3A_5 : vector<16xf32>
        %add3A_1704 = arith.addf %mul3A_1703, %get3A_13 : vector<16xf32>
        tpu.vector_store_idx %arg8[%mul3A_1692, %add3A_1701], %add3A_1704 : memref<512x64xf32, #tpu.memory_space<vmem>>[vector<16xi32>, vector<16xi32>], vector<16xf32>,
        %add3A_1705 = arith.constant 32 : i32
        %add3A_1706 = vector.broadcast %add3A_1705 : i32 to vector<16xi32>
        %add3A_1707 = arith.addi %iota3A, %add3A_1706 : vector<16xi32>
        %gather3A_1708 = tpu.vector_load_idx %arg8[%mul3A_1692, %add3A_1707] : memref<512x64xf32, #tpu.memory_space<vmem>>[vector<16xi32>, vector<16xi32>], vector<16xf32>,
        %mul3A_1709 = arith.mulf %gather3A_1708, %get3A_7 : vector<16xf32>
        %add3A_1710 = arith.addf %mul3A_1709, %get3A_15 : vector<16xf32>
        tpu.vector_store_idx %arg8[%mul3A_1692, %add3A_1707], %add3A_1710 : memref<512x64xf32, #tpu.memory_space<vmem>>[vector<16xi32>, vector<16xi32>], vector<16xf32>,
        %add3A_1711 = arith.constant 48 : i32
        %add3A_1712 = vector.broadcast %add3A_1711 : i32 to vector<16xi32>
        %add3A_1713 = arith.addi %iota3A, %add3A_1712 : vector<16xi32>
        %gather3A_1714 = tpu.vector_load_idx %arg8[%mul3A_1692, %add3A_1713] : memref<512x64xf32, #tpu.memory_space<vmem>>[vector<16xi32>, vector<16xi32>], vector<16xf32>,
        %mul3A_1715 = arith.mulf %gather3A_1714, %get3A_9 : vector<16xf32>
        %add3A_1716 = arith.addf %mul3A_1715, %get3A_17 : vector<16xf32>
        tpu.vector_store_idx %arg8[%mul3A_1692, %add3A_1713], %add3A_1716 : memref<512x64xf32, #tpu.memory_space<vmem>>[vector<16xi32>, vector<16xi32>], vector<16xf32>,
        %broadcast_in_dim3A_1717 = arith.constant 1 : i32
        %broadcast_in_dim3A_1718 = vector.broadcast %broadcast_in_dim3A_1717 : i32 to vector<16xi32>
        %mul3A_1719 = arith.constant 16 : i32
        %mul3A_1720 = arith.muli %scan3A_103, %mul3A_1719 : i32
        %add3A_1721 = arith.constant 10 : i32
        %add3A_1722 = arith.addi %mul3A_1720, %add3A_1721 : i32
        %mul3A_1723 = vector.broadcast %add3A_1722 : i32 to vector<16xi32>
        %mul3A_1724 = arith.muli %broadcast_in_dim3A_1718, %mul3A_1723 : vector<16xi32>
        %add3A_1725 = arith.constant 0 : i32
        %add3A_1726 = vector.broadcast %add3A_1725 : i32 to vector<16xi32>
        %add3A_1727 = arith.addi %iota3A, %add3A_1726 : vector<16xi32>
        %gather3A_1728 = tpu.vector_load_idx %arg8[%mul3A_1724, %add3A_1727] : memref<512x64xf32, #tpu.memory_space<vmem>>[vector<16xi32>, vector<16xi32>], vector<16xf32>,
        %mul3A_1729 = arith.mulf %gather3A_1728, %get3A_3 : vector<16xf32>
        %add3A_1730 = arith.addf %mul3A_1729, %get3A_11 : vector<16xf32>
        tpu.vector_store_idx %arg8[%mul3A_1724, %add3A_1727], %add3A_1730 : memref<512x64xf32, #tpu.memory_space<vmem>>[vector<16xi32>, vector<16xi32>], vector<16xf32>,
        %add3A_1731 = arith.constant 16 : i32
        %add3A_1732 = vector.broadcast %add3A_1731 : i32 to vector<16xi32>
        %add3A_1733 = arith.addi %iota3A, %add3A_1732 : vector<16xi32>
        %gather3A_1734 = tpu.vector_load_idx %arg8[%mul3A_1724, %add3A_1733] : memref<512x64xf32, #tpu.memory_space<vmem>>[vector<16xi32>, vector<16xi32>], vector<16xf32>,
        %mul3A_1735 = arith.mulf %gather3A_1734, %get3A_5 : vector<16xf32>
        %add3A_1736 = arith.addf %mul3A_1735, %get3A_13 : vector<16xf32>
        tpu.vector_store_idx %arg8[%mul3A_1724, %add3A_1733], %add3A_1736 : memref<512x64xf32, #tpu.memory_space<vmem>>[vector<16xi32>, vector<16xi32>], vector<16xf32>,
        %add3A_1737 = arith.constant 32 : i32
        %add3A_1738 = vector.broadcast %add3A_1737 : i32 to vector<16xi32>
        %add3A_1739 = arith.addi %iota3A, %add3A_1738 : vector<16xi32>
        %gather3A_1740 = tpu.vector_load_idx %arg8[%mul3A_1724, %add3A_1739] : memref<512x64xf32, #tpu.memory_space<vmem>>[vector<16xi32>, vector<16xi32>], vector<16xf32>,
        %mul3A_1741 = arith.mulf %gather3A_1740, %get3A_7 : vector<16xf32>
        %add3A_1742 = arith.addf %mul3A_1741, %get3A_15 : vector<16xf32>
        tpu.vector_store_idx %arg8[%mul3A_1724, %add3A_1739], %add3A_1742 : memref<512x64xf32, #tpu.memory_space<vmem>>[vector<16xi32>, vector<16xi32>], vector<16xf32>,
        %add3A_1743 = arith.constant 48 : i32
        %add3A_1744 = vector.broadcast %add3A_1743 : i32 to vector<16xi32>
        %add3A_1745 = arith.addi %iota3A, %add3A_1744 : vector<16xi32>
        %gather3A_1746 = tpu.vector_load_idx %arg8[%mul3A_1724, %add3A_1745] : memref<512x64xf32, #tpu.memory_space<vmem>>[vector<16xi32>, vector<16xi32>], vector<16xf32>,
        %mul3A_1747 = arith.mulf %gather3A_1746, %get3A_9 : vector<16xf32>
        %add3A_1748 = arith.addf %mul3A_1747, %get3A_17 : vector<16xf32>
        tpu.vector_store_idx %arg8[%mul3A_1724, %add3A_1745], %add3A_1748 : memref<512x64xf32, #tpu.memory_space<vmem>>[vector<16xi32>, vector<16xi32>], vector<16xf32>,
        %broadcast_in_dim3A_1749 = arith.constant 1 : i32
        %broadcast_in_dim3A_1750 = vector.broadcast %broadcast_in_dim3A_1749 : i32 to vector<16xi32>
        %mul3A_1751 = arith.constant 16 : i32
        %mul3A_1752 = arith.muli %scan3A_103, %mul3A_1751 : i32
        %add3A_1753 = arith.constant 11 : i32
        %add3A_1754 = arith.addi %mul3A_1752, %add3A_1753 : i32
        %mul3A_1755 = vector.broadcast %add3A_1754 : i32 to vector<16xi32>
        %mul3A_1756 = arith.muli %broadcast_in_dim3A_1750, %mul3A_1755 : vector<16xi32>
        %add3A_1757 = arith.constant 0 : i32
        %add3A_1758 = vector.broadcast %add3A_1757 : i32 to vector<16xi32>
        %add3A_1759 = arith.addi %iota3A, %add3A_1758 : vector<16xi32>
        %gather3A_1760 = tpu.vector_load_idx %arg8[%mul3A_1756, %add3A_1759] : memref<512x64xf32, #tpu.memory_space<vmem>>[vector<16xi32>, vector<16xi32>], vector<16xf32>,
        %mul3A_1761 = arith.mulf %gather3A_1760, %get3A_3 : vector<16xf32>
        %add3A_1762 = arith.addf %mul3A_1761, %get3A_11 : vector<16xf32>
        tpu.vector_store_idx %arg8[%mul3A_1756, %add3A_1759], %add3A_1762 : memref<512x64xf32, #tpu.memory_space<vmem>>[vector<16xi32>, vector<16xi32>], vector<16xf32>,
        %add3A_1763 = arith.constant 16 : i32
        %add3A_1764 = vector.broadcast %add3A_1763 : i32 to vector<16xi32>
        %add3A_1765 = arith.addi %iota3A, %add3A_1764 : vector<16xi32>
        %gather3A_1766 = tpu.vector_load_idx %arg8[%mul3A_1756, %add3A_1765] : memref<512x64xf32, #tpu.memory_space<vmem>>[vector<16xi32>, vector<16xi32>], vector<16xf32>,
        %mul3A_1767 = arith.mulf %gather3A_1766, %get3A_5 : vector<16xf32>
        %add3A_1768 = arith.addf %mul3A_1767, %get3A_13 : vector<16xf32>
        tpu.vector_store_idx %arg8[%mul3A_1756, %add3A_1765], %add3A_1768 : memref<512x64xf32, #tpu.memory_space<vmem>>[vector<16xi32>, vector<16xi32>], vector<16xf32>,
        %add3A_1769 = arith.constant 32 : i32
        %add3A_1770 = vector.broadcast %add3A_1769 : i32 to vector<16xi32>
        %add3A_1771 = arith.addi %iota3A, %add3A_1770 : vector<16xi32>
        %gather3A_1772 = tpu.vector_load_idx %arg8[%mul3A_1756, %add3A_1771] : memref<512x64xf32, #tpu.memory_space<vmem>>[vector<16xi32>, vector<16xi32>], vector<16xf32>,
        %mul3A_1773 = arith.mulf %gather3A_1772, %get3A_7 : vector<16xf32>
        %add3A_1774 = arith.addf %mul3A_1773, %get3A_15 : vector<16xf32>
        tpu.vector_store_idx %arg8[%mul3A_1756, %add3A_1771], %add3A_1774 : memref<512x64xf32, #tpu.memory_space<vmem>>[vector<16xi32>, vector<16xi32>], vector<16xf32>,
        %add3A_1775 = arith.constant 48 : i32
        %add3A_1776 = vector.broadcast %add3A_1775 : i32 to vector<16xi32>
        %add3A_1777 = arith.addi %iota3A, %add3A_1776 : vector<16xi32>
        %gather3A_1778 = tpu.vector_load_idx %arg8[%mul3A_1756, %add3A_1777] : memref<512x64xf32, #tpu.memory_space<vmem>>[vector<16xi32>, vector<16xi32>], vector<16xf32>,
        %mul3A_1779 = arith.mulf %gather3A_1778, %get3A_9 : vector<16xf32>
        %add3A_1780 = arith.addf %mul3A_1779, %get3A_17 : vector<16xf32>
        tpu.vector_store_idx %arg8[%mul3A_1756, %add3A_1777], %add3A_1780 : memref<512x64xf32, #tpu.memory_space<vmem>>[vector<16xi32>, vector<16xi32>], vector<16xf32>,
        %broadcast_in_dim3A_1781 = arith.constant 1 : i32
        %broadcast_in_dim3A_1782 = vector.broadcast %broadcast_in_dim3A_1781 : i32 to vector<16xi32>
        %mul3A_1783 = arith.constant 16 : i32
        %mul3A_1784 = arith.muli %scan3A_103, %mul3A_1783 : i32
        %add3A_1785 = arith.constant 12 : i32
        %add3A_1786 = arith.addi %mul3A_1784, %add3A_1785 : i32
        %mul3A_1787 = vector.broadcast %add3A_1786 : i32 to vector<16xi32>
        %mul3A_1788 = arith.muli %broadcast_in_dim3A_1782, %mul3A_1787 : vector<16xi32>
        %add3A_1789 = arith.constant 0 : i32
        %add3A_1790 = vector.broadcast %add3A_1789 : i32 to vector<16xi32>
        %add3A_1791 = arith.addi %iota3A, %add3A_1790 : vector<16xi32>
        %gather3A_1792 = tpu.vector_load_idx %arg8[%mul3A_1788, %add3A_1791] : memref<512x64xf32, #tpu.memory_space<vmem>>[vector<16xi32>, vector<16xi32>], vector<16xf32>,
        %mul3A_1793 = arith.mulf %gather3A_1792, %get3A_3 : vector<16xf32>
        %add3A_1794 = arith.addf %mul3A_1793, %get3A_11 : vector<16xf32>
        tpu.vector_store_idx %arg8[%mul3A_1788, %add3A_1791], %add3A_1794 : memref<512x64xf32, #tpu.memory_space<vmem>>[vector<16xi32>, vector<16xi32>], vector<16xf32>,
        %add3A_1795 = arith.constant 16 : i32
        %add3A_1796 = vector.broadcast %add3A_1795 : i32 to vector<16xi32>
        %add3A_1797 = arith.addi %iota3A, %add3A_1796 : vector<16xi32>
        %gather3A_1798 = tpu.vector_load_idx %arg8[%mul3A_1788, %add3A_1797] : memref<512x64xf32, #tpu.memory_space<vmem>>[vector<16xi32>, vector<16xi32>], vector<16xf32>,
        %mul3A_1799 = arith.mulf %gather3A_1798, %get3A_5 : vector<16xf32>
        %add3A_1800 = arith.addf %mul3A_1799, %get3A_13 : vector<16xf32>
        tpu.vector_store_idx %arg8[%mul3A_1788, %add3A_1797], %add3A_1800 : memref<512x64xf32, #tpu.memory_space<vmem>>[vector<16xi32>, vector<16xi32>], vector<16xf32>,
        %add3A_1801 = arith.constant 32 : i32
        %add3A_1802 = vector.broadcast %add3A_1801 : i32 to vector<16xi32>
        %add3A_1803 = arith.addi %iota3A, %add3A_1802 : vector<16xi32>
        %gather3A_1804 = tpu.vector_load_idx %arg8[%mul3A_1788, %add3A_1803] : memref<512x64xf32, #tpu.memory_space<vmem>>[vector<16xi32>, vector<16xi32>], vector<16xf32>,
        %mul3A_1805 = arith.mulf %gather3A_1804, %get3A_7 : vector<16xf32>
        %add3A_1806 = arith.addf %mul3A_1805, %get3A_15 : vector<16xf32>
        tpu.vector_store_idx %arg8[%mul3A_1788, %add3A_1803], %add3A_1806 : memref<512x64xf32, #tpu.memory_space<vmem>>[vector<16xi32>, vector<16xi32>], vector<16xf32>,
        %add3A_1807 = arith.constant 48 : i32
        %add3A_1808 = vector.broadcast %add3A_1807 : i32 to vector<16xi32>
        %add3A_1809 = arith.addi %iota3A, %add3A_1808 : vector<16xi32>
        %gather3A_1810 = tpu.vector_load_idx %arg8[%mul3A_1788, %add3A_1809] : memref<512x64xf32, #tpu.memory_space<vmem>>[vector<16xi32>, vector<16xi32>], vector<16xf32>,
        %mul3A_1811 = arith.mulf %gather3A_1810, %get3A_9 : vector<16xf32>
        %add3A_1812 = arith.addf %mul3A_1811, %get3A_17 : vector<16xf32>
        tpu.vector_store_idx %arg8[%mul3A_1788, %add3A_1809], %add3A_1812 : memref<512x64xf32, #tpu.memory_space<vmem>>[vector<16xi32>, vector<16xi32>], vector<16xf32>,
        %broadcast_in_dim3A_1813 = arith.constant 1 : i32
        %broadcast_in_dim3A_1814 = vector.broadcast %broadcast_in_dim3A_1813 : i32 to vector<16xi32>
        %mul3A_1815 = arith.constant 16 : i32
        %mul3A_1816 = arith.muli %scan3A_103, %mul3A_1815 : i32
        %add3A_1817 = arith.constant 13 : i32
        %add3A_1818 = arith.addi %mul3A_1816, %add3A_1817 : i32
        %mul3A_1819 = vector.broadcast %add3A_1818 : i32 to vector<16xi32>
        %mul3A_1820 = arith.muli %broadcast_in_dim3A_1814, %mul3A_1819 : vector<16xi32>
        %add3A_1821 = arith.constant 0 : i32
        %add3A_1822 = vector.broadcast %add3A_1821 : i32 to vector<16xi32>
        %add3A_1823 = arith.addi %iota3A, %add3A_1822 : vector<16xi32>
        %gather3A_1824 = tpu.vector_load_idx %arg8[%mul3A_1820, %add3A_1823] : memref<512x64xf32, #tpu.memory_space<vmem>>[vector<16xi32>, vector<16xi32>], vector<16xf32>,
        %mul3A_1825 = arith.mulf %gather3A_1824, %get3A_3 : vector<16xf32>
        %add3A_1826 = arith.addf %mul3A_1825, %get3A_11 : vector<16xf32>
        tpu.vector_store_idx %arg8[%mul3A_1820, %add3A_1823], %add3A_1826 : memref<512x64xf32, #tpu.memory_space<vmem>>[vector<16xi32>, vector<16xi32>], vector<16xf32>,
        %add3A_1827 = arith.constant 16 : i32
        %add3A_1828 = vector.broadcast %add3A_1827 : i32 to vector<16xi32>
        %add3A_1829 = arith.addi %iota3A, %add3A_1828 : vector<16xi32>
        %gather3A_1830 = tpu.vector_load_idx %arg8[%mul3A_1820, %add3A_1829] : memref<512x64xf32, #tpu.memory_space<vmem>>[vector<16xi32>, vector<16xi32>], vector<16xf32>,
        %mul3A_1831 = arith.mulf %gather3A_1830, %get3A_5 : vector<16xf32>
        %add3A_1832 = arith.addf %mul3A_1831, %get3A_13 : vector<16xf32>
        tpu.vector_store_idx %arg8[%mul3A_1820, %add3A_1829], %add3A_1832 : memref<512x64xf32, #tpu.memory_space<vmem>>[vector<16xi32>, vector<16xi32>], vector<16xf32>,
        %add3A_1833 = arith.constant 32 : i32
        %add3A_1834 = vector.broadcast %add3A_1833 : i32 to vector<16xi32>
        %add3A_1835 = arith.addi %iota3A, %add3A_1834 : vector<16xi32>
        %gather3A_1836 = tpu.vector_load_idx %arg8[%mul3A_1820, %add3A_1835] : memref<512x64xf32, #tpu.memory_space<vmem>>[vector<16xi32>, vector<16xi32>], vector<16xf32>,
        %mul3A_1837 = arith.mulf %gather3A_1836, %get3A_7 : vector<16xf32>
        %add3A_1838 = arith.addf %mul3A_1837, %get3A_15 : vector<16xf32>
        tpu.vector_store_idx %arg8[%mul3A_1820, %add3A_1835], %add3A_1838 : memref<512x64xf32, #tpu.memory_space<vmem>>[vector<16xi32>, vector<16xi32>], vector<16xf32>,
        %add3A_1839 = arith.constant 48 : i32
        %add3A_1840 = vector.broadcast %add3A_1839 : i32 to vector<16xi32>
        %add3A_1841 = arith.addi %iota3A, %add3A_1840 : vector<16xi32>
        %gather3A_1842 = tpu.vector_load_idx %arg8[%mul3A_1820, %add3A_1841] : memref<512x64xf32, #tpu.memory_space<vmem>>[vector<16xi32>, vector<16xi32>], vector<16xf32>,
        %mul3A_1843 = arith.mulf %gather3A_1842, %get3A_9 : vector<16xf32>
        %add3A_1844 = arith.addf %mul3A_1843, %get3A_17 : vector<16xf32>
        tpu.vector_store_idx %arg8[%mul3A_1820, %add3A_1841], %add3A_1844 : memref<512x64xf32, #tpu.memory_space<vmem>>[vector<16xi32>, vector<16xi32>], vector<16xf32>,
        %broadcast_in_dim3A_1845 = arith.constant 1 : i32
        %broadcast_in_dim3A_1846 = vector.broadcast %broadcast_in_dim3A_1845 : i32 to vector<16xi32>
        %mul3A_1847 = arith.constant 16 : i32
        %mul3A_1848 = arith.muli %scan3A_103, %mul3A_1847 : i32
        %add3A_1849 = arith.constant 14 : i32
        %add3A_1850 = arith.addi %mul3A_1848, %add3A_1849 : i32
        %mul3A_1851 = vector.broadcast %add3A_1850 : i32 to vector<16xi32>
        %mul3A_1852 = arith.muli %broadcast_in_dim3A_1846, %mul3A_1851 : vector<16xi32>
        %add3A_1853 = arith.constant 0 : i32
        %add3A_1854 = vector.broadcast %add3A_1853 : i32 to vector<16xi32>
        %add3A_1855 = arith.addi %iota3A, %add3A_1854 : vector<16xi32>
        %gather3A_1856 = tpu.vector_load_idx %arg8[%mul3A_1852, %add3A_1855] : memref<512x64xf32, #tpu.memory_space<vmem>>[vector<16xi32>, vector<16xi32>], vector<16xf32>,
        %mul3A_1857 = arith.mulf %gather3A_1856, %get3A_3 : vector<16xf32>
        %add3A_1858 = arith.addf %mul3A_1857, %get3A_11 : vector<16xf32>
        tpu.vector_store_idx %arg8[%mul3A_1852, %add3A_1855], %add3A_1858 : memref<512x64xf32, #tpu.memory_space<vmem>>[vector<16xi32>, vector<16xi32>], vector<16xf32>,
        %add3A_1859 = arith.constant 16 : i32
        %add3A_1860 = vector.broadcast %add3A_1859 : i32 to vector<16xi32>
        %add3A_1861 = arith.addi %iota3A, %add3A_1860 : vector<16xi32>
        %gather3A_1862 = tpu.vector_load_idx %arg8[%mul3A_1852, %add3A_1861] : memref<512x64xf32, #tpu.memory_space<vmem>>[vector<16xi32>, vector<16xi32>], vector<16xf32>,
        %mul3A_1863 = arith.mulf %gather3A_1862, %get3A_5 : vector<16xf32>
        %add3A_1864 = arith.addf %mul3A_1863, %get3A_13 : vector<16xf32>
        tpu.vector_store_idx %arg8[%mul3A_1852, %add3A_1861], %add3A_1864 : memref<512x64xf32, #tpu.memory_space<vmem>>[vector<16xi32>, vector<16xi32>], vector<16xf32>,
        %add3A_1865 = arith.constant 32 : i32
        %add3A_1866 = vector.broadcast %add3A_1865 : i32 to vector<16xi32>
        %add3A_1867 = arith.addi %iota3A, %add3A_1866 : vector<16xi32>
        %gather3A_1868 = tpu.vector_load_idx %arg8[%mul3A_1852, %add3A_1867] : memref<512x64xf32, #tpu.memory_space<vmem>>[vector<16xi32>, vector<16xi32>], vector<16xf32>,
        %mul3A_1869 = arith.mulf %gather3A_1868, %get3A_7 : vector<16xf32>
        %add3A_1870 = arith.addf %mul3A_1869, %get3A_15 : vector<16xf32>
        tpu.vector_store_idx %arg8[%mul3A_1852, %add3A_1867], %add3A_1870 : memref<512x64xf32, #tpu.memory_space<vmem>>[vector<16xi32>, vector<16xi32>], vector<16xf32>,
        %add3A_1871 = arith.constant 48 : i32
        %add3A_1872 = vector.broadcast %add3A_1871 : i32 to vector<16xi32>
        %add3A_1873 = arith.addi %iota3A, %add3A_1872 : vector<16xi32>
        %gather3A_1874 = tpu.vector_load_idx %arg8[%mul3A_1852, %add3A_1873] : memref<512x64xf32, #tpu.memory_space<vmem>>[vector<16xi32>, vector<16xi32>], vector<16xf32>,
        %mul3A_1875 = arith.mulf %gather3A_1874, %get3A_9 : vector<16xf32>
        %add3A_1876 = arith.addf %mul3A_1875, %get3A_17 : vector<16xf32>
        tpu.vector_store_idx %arg8[%mul3A_1852, %add3A_1873], %add3A_1876 : memref<512x64xf32, #tpu.memory_space<vmem>>[vector<16xi32>, vector<16xi32>], vector<16xf32>,
        %broadcast_in_dim3A_1877 = arith.constant 1 : i32
        %broadcast_in_dim3A_1878 = vector.broadcast %broadcast_in_dim3A_1877 : i32 to vector<16xi32>
        %mul3A_1879 = arith.constant 16 : i32
        %mul3A_1880 = arith.muli %scan3A_103, %mul3A_1879 : i32
        %add3A_1881 = arith.constant 15 : i32
        %add3A_1882 = arith.addi %mul3A_1880, %add3A_1881 : i32
        %mul3A_1883 = vector.broadcast %add3A_1882 : i32 to vector<16xi32>
        %mul3A_1884 = arith.muli %broadcast_in_dim3A_1878, %mul3A_1883 : vector<16xi32>
        %add3A_1885 = arith.constant 0 : i32
        %add3A_1886 = vector.broadcast %add3A_1885 : i32 to vector<16xi32>
        %add3A_1887 = arith.addi %iota3A, %add3A_1886 : vector<16xi32>
        %gather3A_1888 = tpu.vector_load_idx %arg8[%mul3A_1884, %add3A_1887] : memref<512x64xf32, #tpu.memory_space<vmem>>[vector<16xi32>, vector<16xi32>], vector<16xf32>,
        %mul3A_1889 = arith.mulf %gather3A_1888, %get3A_3 : vector<16xf32>
        %add3A_1890 = arith.addf %mul3A_1889, %get3A_11 : vector<16xf32>
        tpu.vector_store_idx %arg8[%mul3A_1884, %add3A_1887], %add3A_1890 : memref<512x64xf32, #tpu.memory_space<vmem>>[vector<16xi32>, vector<16xi32>], vector<16xf32>,
        %add3A_1891 = arith.constant 16 : i32
        %add3A_1892 = vector.broadcast %add3A_1891 : i32 to vector<16xi32>
        %add3A_1893 = arith.addi %iota3A, %add3A_1892 : vector<16xi32>
        %gather3A_1894 = tpu.vector_load_idx %arg8[%mul3A_1884, %add3A_1893] : memref<512x64xf32, #tpu.memory_space<vmem>>[vector<16xi32>, vector<16xi32>], vector<16xf32>,
        %mul3A_1895 = arith.mulf %gather3A_1894, %get3A_5 : vector<16xf32>
        %add3A_1896 = arith.addf %mul3A_1895, %get3A_13 : vector<16xf32>
        tpu.vector_store_idx %arg8[%mul3A_1884, %add3A_1893], %add3A_1896 : memref<512x64xf32, #tpu.memory_space<vmem>>[vector<16xi32>, vector<16xi32>], vector<16xf32>,
        %add3A_1897 = arith.constant 32 : i32
        %add3A_1898 = vector.broadcast %add3A_1897 : i32 to vector<16xi32>
        %add3A_1899 = arith.addi %iota3A, %add3A_1898 : vector<16xi32>
        %gather3A_1900 = tpu.vector_load_idx %arg8[%mul3A_1884, %add3A_1899] : memref<512x64xf32, #tpu.memory_space<vmem>>[vector<16xi32>, vector<16xi32>], vector<16xf32>,
        %mul3A_1901 = arith.mulf %gather3A_1900, %get3A_7 : vector<16xf32>
        %add3A_1902 = arith.addf %mul3A_1901, %get3A_15 : vector<16xf32>
        tpu.vector_store_idx %arg8[%mul3A_1884, %add3A_1899], %add3A_1902 : memref<512x64xf32, #tpu.memory_space<vmem>>[vector<16xi32>, vector<16xi32>], vector<16xf32>,
        %add3A_1903 = arith.constant 48 : i32
        %add3A_1904 = vector.broadcast %add3A_1903 : i32 to vector<16xi32>
        %add3A_1905 = arith.addi %iota3A, %add3A_1904 : vector<16xi32>
        %gather3A_1906 = tpu.vector_load_idx %arg8[%mul3A_1884, %add3A_1905] : memref<512x64xf32, #tpu.memory_space<vmem>>[vector<16xi32>, vector<16xi32>], vector<16xf32>,
        %mul3A_1907 = arith.mulf %gather3A_1906, %get3A_9 : vector<16xf32>
        %add3A_1908 = arith.addf %mul3A_1907, %get3A_17 : vector<16xf32>
        tpu.vector_store_idx %arg8[%mul3A_1884, %add3A_1905], %add3A_1908 : memref<512x64xf32, #tpu.memory_space<vmem>>[vector<16xi32>, vector<16xi32>], vector<16xf32>,
      }
      %scan3A_99 = arith.constant 32 : i32
      %mul3A_100 = arith.constant 512 : i32
      %mul3A_101 = arith.muli %scan3A_23, %mul3A_100 : i32
      %add3A_102 = arith.addi %mul3A_2, %mul3A_101 : i32
      "tpu.region"() ({
        %run_scoped3A = tpu.sem_alloc : memref<!tpu.dma_semaphore, #tpu.memory_space<semaphore_mem>>
        %dma_start3A_103 = arith.constant 0 : i32
        %dma_start3A_104 = tpu.memref_slice %arg6[%add3A_102, %dma_start3A_103] : memref<819200x64xf32, #tpu.memory_space<hbm>> -> memref<512x64xf32, #tpu.memory_space<hbm>>
        %dma_start3A_105 = arith.constant 0 : i32
        %dma_start3A_106 = tpu.memref_slice %arg6[%add3A_102, %dma_start3A_105] : memref<819200x64xf32, #tpu.memory_space<hbm>> -> memref<512x64xf32, #tpu.memory_space<hbm>>
        tpu.enqueue_dma source(%arg8 : memref<512x64xf32, #tpu.memory_space<vmem>>) target(%dma_start3A_106 : memref<512x64xf32, #tpu.memory_space<hbm>>) target_semaphore(%run_scoped3A : memref<!tpu.dma_semaphore, #tpu.memory_space<semaphore_mem>>)
        %dma_wait3A_107 = arith.constant 0 : i32
        %dma_wait3A_108 = tpu.memref_slice %arg6[%add3A_102, %dma_wait3A_107] : memref<819200x64xf32, #tpu.memory_space<hbm>> -> memref<512x64xf32, #tpu.memory_space<hbm>>
        %dma_wait3A_109 = arith.constant 0 : i32
        %dma_wait3A_110 = tpu.memref_slice %arg6[%add3A_102, %dma_wait3A_109] : memref<819200x64xf32, #tpu.memory_space<hbm>> -> memref<512x64xf32, #tpu.memory_space<hbm>>
        tpu.wait_dma2 semaphore(%run_scoped3A : memref<!tpu.dma_semaphore, #tpu.memory_space<semaphore_mem>>) src(%arg8 : memref<512x64xf32, #tpu.memory_space<vmem>>) dst(%dma_wait3A_110 : memref<512x64xf32, #tpu.memory_space<hbm>>)
        tpu.yield
      }) : () -> ()
    }
    %scan3A_22 = arith.constant 50 : i32
    return
  }
}

</mosaic_0001>

<sc_bundles>
// kernel: kernel.3.cloned.1.call-start
scs
__scs_entry_jumppad:
0x0: {  	(pc) =	sbr.rel $0x88, $3  }
0x1: {  	(tag) =	ssettag $0x0;
	lr =	simm.s32 $0x1  }
0x2: {  	[smem:$0x3F9D] =	sst lr;
	_ =	strace $0xD0000000  }
0x3: {  	_ = 	snop  }
0x4: {  	_ = 	snop  }
0x5: {  	_ = 	snop  }
0x6: {  	_ = 	snop  }
0x7: {  	_ = 	snop  }
__scs_overlays_trampoline_lowered:
0x8: {  	[smem:$0x3FAC] =	sst s0  }
0x9: {  	[smem:$0x3FAD] =	sst s1  }
0xa: {  	[smem:$0x3FAE] =	sst s2  }
0xb: {  	[smem:$0x3FAF] =	sst s3  }
0xc: {  	[smem:$0x3FB0] =	sst s4  }
0xd: {  	[smem:$0x3FB1] =	sst s5  }
0xe: {  	[smem:$0x3FB2] =	sst s6  }
0xf: {  	[smem:$0x3FB3] =	sst s7  }
0x10: {  	[smem:$0x3FB4] =	sst s8  }
0x11: {  	[smem:$0x3FB5] =	sst s9;
	s0 =	simm.s32 @!p0 $0x0  }
0x12: {  	s1 =	sld [smem:$0x3F9B];
	s0 =	simm.s32 @p0 $0x1  }
0x13: {  	[smem:$0x3FB6] =	sst s0;
	s0 =	simm.s32 @!p1 $0x0  }
0x14: {  	s2 =	sld [smem:$0x3F9A];
	s0 =	simm.s32 @p1 $0x1  }
0x15: {  	[smem:$0x3FB7] =	sst s0;
	s0 =	simm.s32 @!p2 $0x0  }
0x16: {  	s3 =	sld [smem:$0x3FDB];
	s0 =	simm.s32 @p2 $0x1  }
0x17: {  	s4 =	simm.s32 $0x1BF5;
	[smem:$0x3FB9] =	sst s0  }
0x18: {  	s0 =	sld [smem:$0x3F9C];
	_ =	swait.ge [sflag:s4], $0x0  }
0x19: {  	s7 =	sld [smem:$0x3F9D]  }
0x1a: {  	s8 =	sadd.s32 $0xFFFFE003, lr  }
0x1b: {  	s9 =	sadd.s32 $0xFFFFFEF7, lr;
	s5 =	simm.s32 $0xFFFFFFFF;
	p2 =	slt.u32 s8, $0xFFFFF086  }
0x1c: {  	p1 =	slt.u32 s9, $0xF7A;
	s5 =	simm.s32 @!p2 $0x0  }
0x1d: {  	s5 =	simm.s32 @p1 $0x1;
	p0 =	seq.s32 s7, s2  }
0x1e: {  	s7 =	smul.u32 @!p0 $0xF7A, s2;
	p2 =	seq.s32 @!p0 s5, $0x0  }
0x1f: {  	s9 =	smul.u32 $0xF7A, s1;
	s8 =	simm.s32 @!p0 $0x1BF5;
	p2 =	por !p2, p0  }
0x20: {  	[sflag:s8] =	ssyncset.s32 @!p0 $0xFFFFF086;
	s6 =	sadd.s32 @!p0 s3, s7;
	s7 =	simm.s32 @!p0 $0x108  }
0x21: {  	s3 =	sadd.s32 s3, s9;
	s6 =	sadd.s32 @!p0 $0x88, s6;
	s7 =	simm.s32 @p2 $0x1082  }
0x22: {  	[simem:s7], [sflag:s8] =	dma.local @!p0 [hbm:s6], $0xF7A  }
0x23: {  	s9 =	sor.u32 $0xD0000000, s2;
	s6 =	simm.s32 $0x108;
	_ =	swait.ge @!p0 [sflag:s8], $0x0  }
0x24: {  	s3 =	sadd.s32 $0x88, s3;
	s6 =	simm.s32 @!p1 $0x1082;
	[sflag:s4] =	ssyncset.s32 $0xFFFFF086  }
0x25: {  	[simem:s6], [sflag:s4] =	dma.local [hbm:s3], $0xF7A  }
0x26: {  	[smem:$0x3F9D] =	sst s1;
	(tag) =	ssettag s2;
	_ =	strace s9  }
0x27: {  	s1 =	sld [smem:$0x3FAD]  }
0x28: {  	s2 =	sld [smem:$0x3FAE]  }
0x29: {  	s4 =	sld [smem:$0x3FB0]  }
0x2a: {  	p0 =	seq.s32 s5, $0x0;
	s5 =	sld [smem:$0x3FB1]  }
0x2b: {  	s6 =	sld [smem:$0x3FB2]  }
0x2c: {  	s7 =	sld [smem:$0x3FB3]  }
0x2d: {  	s3 =	simm.s32 $0x108;
	s8 =	sld [smem:$0x3FB4]  }
0x2e: {  	s3 =	simm.s32 @!p0 $0x1082;
	s9 =	sld [smem:$0x3FB5]  }
0x2f: {  	lr =	sadd.s32 s0, s3;
	s0 =	sld [smem:$0x3FAC]  }
0x30: {  	s3 =	sld [smem:$0x3FAF]  }
0x31: {  	[smem:$0x3FB8] =	sst s10  }
0x32: {  	s10 =	sld [smem:$0x3FB6];
	_ =	sdelay $0x3  }
0x33: {  	p0 =	seq.s32 s10, $0x1;
	s10 =	sld [smem:$0x3FB8];
	_ =	sdelay $0x3  }
0x34: {  	[smem:$0x3FB8] =	sst s10  }
0x35: {  	s10 =	sld [smem:$0x3FB7];
	_ =	sdelay $0x3  }
0x36: {  	p1 =	seq.s32 s10, $0x1;
	s10 =	sld [smem:$0x3FB8];
	_ =	sdelay $0x3  }
0x37: {  	[smem:$0x3FB8] =	sst s10  }
0x38: {  	s10 =	sld [smem:$0x3FB9]  }
0x39: {  	_ = 	snop;
	(pc) =	sbr.ind lr, $3  }
0x3a: {  	_ = 	snop  }
0x3b: {  	_ = 	snop  }
0x3c: {  	p2 =	seq.s32 s10, $0x1;
	s10 =	sld [smem:$0x3FB8]  }
0x3d: {  	_ =	shalt  }
0x3e: {  	_ =	shalt  }
0x3f: {  	_ =	shalt  }
0x40: {  	_ =	shalt  }
0x41: {  	_ =	shalt  }
0x42: {  	_ =	shalt  }
0x43: {  	_ =	shalt  }
0x44: {  	_ =	shalt  }
0x45: {  	_ =	shalt  }
0x46: {  	_ =	shalt  }
0x47: {  	_ =	shalt  }
0x48: {  	_ =	shalt  }
0x49: {  	_ =	shalt  }
0x4a: {  	_ =	shalt  }
0x4b: {  	_ =	shalt  }
0x4c: {  	_ =	shalt  }
0x4d: {  	_ =	shalt  }
0x4e: {  	_ =	shalt  }
0x4f: {  	_ =	shalt  }
0x50: {  	_ =	shalt  }
0x51: {  	_ =	shalt  }
0x52: {  	_ =	shalt  }
0x53: {  	_ =	shalt  }
0x54: {  	_ =	shalt  }
0x55: {  	_ =	shalt  }
0x56: {  	_ =	shalt  }
0x57: {  	_ =	shalt  }
0x58: {  	_ =	shalt  }
0x59: {  	_ =	shalt  }
0x5a: {  	_ =	shalt  }
0x5b: {  	_ =	shalt  }
0x5c: {  	_ =	shalt  }
0x5d: {  	_ =	shalt  }
0x5e: {  	_ =	shalt  }
0x5f: {  	_ =	shalt  }
0x60: {  	_ =	shalt  }
0x61: {  	_ =	shalt  }
0x62: {  	_ =	shalt  }
0x63: {  	_ =	shalt  }
0x64: {  	_ =	shalt  }
0x65: {  	_ =	shalt  }
0x66: {  	_ =	shalt  }
0x67: {  	_ =	shalt  }
0x68: {  	_ =	shalt  }
0x69: {  	_ =	shalt  }
0x6a: {  	_ =	shalt  }
0x6b: {  	_ =	shalt  }
0x6c: {  	_ =	shalt  }
0x6d: {  	_ =	shalt  }
0x6e: {  	_ =	shalt  }
0x6f: {  	_ =	shalt  }
0x70: {  	_ =	shalt  }
0x71: {  	_ =	shalt  }
0x72: {  	_ =	shalt  }
0x73: {  	_ =	shalt  }
0x74: {  	_ =	shalt  }
0x75: {  	_ =	shalt  }
0x76: {  	_ =	shalt  }
0x77: {  	_ =	shalt  }
0x78: {  	_ =	shalt  }
0x79: {  	_ =	shalt  }
0x7a: {  	_ =	shalt  }
0x7b: {  	_ =	shalt  }
0x7c: {  	_ =	shalt  }
0x7d: {  	_ =	shalt  }
0x7e: {  	_ =	shalt  }
0x7f: {  	_ =	shalt  }
0x80: {  	_ =	shalt  }
0x81: {  	_ =	shalt  }
0x82: {  	_ =	shalt  }
0x83: {  	_ =	shalt  }
0x84: {  	_ =	shalt  }
0x85: {  	_ =	shalt  }
0x86: {  	_ =	shalt  }
0x87: {  	_ =	shalt  }
.Lfunc_end0:
.L_simem_size_0:
called_computation.1_lowered:
.L_overlay_start_0:
0x88: {  	s2 =	sld [smem:$0x3FD9]  }
0x89: {  	s3 =	sld [smem:$0x3FFE];
	_ =	sdelay $0x1  }
0x8a: {  	s1 =	srdreg.scid  }
0x8b: {  	s0 =	sand.u32 $0x1, s1  }
0x8c: {  	s17 =	sshll.u32 s0, $0xA;
	s2 =	sadd.s32 s3, s2  }
0x8d: {  	s2 =	sadd.s32 s2, s17  }
0x8e: {  	[smem:$0x3FC4] =	sst s2  }
0x8f: {  	_ = 	snop  }
0x90: {  	s2 =	sld [smem:$0x3FC7]  }
0x91: {  	s18 =	sld [smem:$0x3FC6]  }
0x92: {  	s4 =	sld [smem:$0x3FD0];
	(tm) =	ssettm $0x1  }
0x93: {  	s5 =	sld [smem:$0x3FFB];
	_ =	sdelay $0x3  }
0x94: {  	_ =	strace s5  }
0x95: {  	s5 =	sld [smem:$0x3FFC];
	_ =	sdelay $0x3  }
0x96: {  	_ =	strace s5  }
0x97: {  	s5 =	sld [smem:$0x3FFD];
	_ =	sdelay $0x3  }
0x98: {  	_ =	strace s5  }
0x99: {  	_ =	strace $0x8FFFFFFF  }
0x9a: {  	s19 =	sld [smem:$0x3FDB];
	_ =	sdelay $0x1  }
0x9b: {  	s6 =	simm.s32 $_scs_section_size  }
0x9c: {  	s7 =	simm.s32 $_size__tile_overlayer_lowered;
	s8 =	simm.s32 $_tile_overlayer_lowered  }
0x9d: {  	s22 =	simm.s32 $0x1BFF;
	s21 =	sshll.u32 s8, $0x1;
	s5 =	sadd.s32 s6, s19  }
0x9e: {  	s9 =	simm.s32 $0x0;
	s20 =	sshll.u32 s7, $0x1;
	s7 =	sadd.s32 s21, s5  }
0x9f: {  	[timem:s9], [sflag:s22] =	dma.local [hbm:s7], s20  }
0xa0: {  	_ =	swait.ge [sflag:s22], s20  }
0xa1: {  	s6 =	ssub.s32 $0x0, s20;
	[sflag:s22] =	ssyncset.done $0x0  }
0xa2: {  	[sflag:s22] =	ssyncadd.s32 s6;
	_ =	sdelay $0x1  }
0xa3: {  	s23 =	simm.s32 $0x1B8B  }
0xa4: {  	_ =	swait.ge [sflag:s23], $0x1  }
0xa5: {  	[sflag:s23] =	ssyncset.done $0x0  }
0xa6: {  	s25 =	simm.s32 $0x1B8E;
	s24 =	sld [smem:$0x3FFE];
	[sflag:s23] =	ssyncadd.s32 $0xFFFFFFFF  }
0xa7: {  	s26 =	simm.s32 $execute0_lowered;
	[smem:$0x3FD2] =	sst s25  }
0xa8: {  	s7 =	sshll.u32 s26, $0x1;
	_ =	strace $0x80000046;
	[dreg:$0x1] =	wrdreg $0xFFFFFFFF  }
0xa9: {  	s28 =	simm.s32 $_size_execute0_lowered;
	s5 =	sadd.s32 s5, s7;
	[dreg:$0x0] =	wrdreg $0x0  }
0xaa: {  	s7 =	sshll.u32 s28, $0x1;
	[dreg:$0x2] =	wrdreg s5  }
0xab: {  	[dreg:$0x3] =	wrdreg s7  }
0xac: {  	[dreg:$0x4] =	wrdreg $0xC0  }
0xad: {  	_ =	task [dreg:s9], $0x5FFFF  }
0xae: {  	[dreg:$0x1] =	wrdreg $0xFFFFFFFF  }
0xaf: {  	[dreg:$0x0] =	wrdreg $0x60  }
0xb0: {  	[dreg:$0x2] =	wrdreg s24  }
0xb1: {  	[dreg:$0x3] =	wrdreg s2  }
0xb2: {  	[dreg:$0x4] =	wrdreg s18  }
0xb3: {  	[dreg:$0x5] =	wrdreg s4  }
0xb4: {  	[dreg:$0x6] =	wrdreg $0x9  }
0xb5: {  	_ =	task.clear_ibuf [dreg:s9], $0x7FFFF;
	_ =	strace $0x90000046  }
0xb6: {  	s29 =	simm.s32 $0x9;
	_ =	strace $0x80000048  }
0xb7: {  	_ =	swait.ge [sflag:s29], $0x1  }
0xb8: {  	[sflag:s29] =	ssyncadd.s32 $0xFFFFFFFF  }
0xb9: {  	_ =	strace $0x90000048  }
0xba: {  	_ =	sfence  }
0xbb: {  	s30 =	sld [smem:$0x0];
	_ =	sdelay $0x2  }
0xbc: {  	s31 =	sshll.u32 s1, $0xD;
	s1 =	sshrl.u32 s1, $0x2  }
0xbd: {  	s3 =	sand.u32 $0x4000, s31;
	s1 =	sadd.s32 s1, s30  }
0xbe: {  	s0 =	sor.u32 s3, s0;
	s1 =	sshll.u32 s1, $0x11  }
0xbf: {  	s0 =	sor.u32 s1, s0  }
0xc0: {  	s0 =	sadd.s32 $0x8F2B, s0  }
0xc1: {  	[sflag:s0] =	ssyncadd.remote.s32 $0x1  }
0xc2: {  	_ =	sfence.sel $0xFFFF  }
0xc3: {  	[dreg:$0x0] =	wrdreg $0xFFFFFFFF;
	(pc) =	sbr.abs _section_cstart, $3  }
0xc4: {  	[dreg:$0x1] =	wrdreg $0xFFFFFFFF  }
0xc5: {  	_ =	task.clear_ibuf [dreg:s9], $0x2FFFF;
	_ =	strace $0x9FFFFFFF  }
0xc6: {  	(tm) =	ssettm $0x7FFFFFFF  }
0xc7: {  	_ =	shalt  }
tec
execute0_lowered:
.L_overlay_start_1:
0x0: {  	(tag) =	ssettag $0x1  }
0x1: {  	v0 =	vimm.s32 $0x34333231  }
0x2: {  	v1 =	vimm.s32 $0x38373635;
	v2 =	vimm.s32 $0x3C3B3A39;
	v3 =	vimm.s32 $0x3F3E3D  }
0x3: {  	vm0 =	vcmask $0x1F10;
	v60 =	vimm.s32 $0x35343332;
	v7 =	vimm.s32 $0x39383736  }
0x4: {  	v12 =	vimm.s32 $0x36353433;
	v13 =	vimm.s32 $0x3A393837;
	v5 =	vimm.s32 $0x3D3C3B3A  }
0x5: {  	v57 =	vimm.s32 $0x1003F3E;
	v8 =	vimm.s32 $0x32107654;
	vm1 =	vcmask $0x2F10  }
0x6: {  	vm2 =	vcmask $0x3F30;
	v0 =	vunpack.c.0.s8.s32 v0;
	v4 =	vunpack.c.0.s8.s32 v1  }
0x7: {  	v2 =	vunpack.c.0.s8.s32 v2;
	v1 =	vunpack.c.0.s8.s32 v3;
	v61 =	vunpack.c.0.s8.s32 v60  }
0x8: {  	v6 =	vunpack.c.0.s8.s32 v7;
	v3 =	vunpack.c.0.s8.s32 v12;
	v14 =	vunpack.c.0.s8.s32 v5  }
0x9: {  	v11 =	vunpack.c.0.s8.s32 v57;
	v60 =	vimm.s32 $0x201003F;
	v12 =	vimm.s32 $0x3F3E3D3C  }
0xa: {  	v7 =	vimm.s32 $0x87654321;
	v57 =	vimm.s32 $0x4030201;
	v8 =	vunpack.c.l.s4.s8 v8;
	[tilespmem:$0x1FBB0] =	vst v4  }
0xb: {  	v12 =	vunpack.c.0.s8.s32 v12;
	v7 =	vunpack.c.l.s4.s8 v7;
	v0 =	vsel vm0, v4, v0;
	[tilespmem:$0x1FBC0] =	vst v2  }
0xc: {  	v2 =	vsel vm0, v1, v2;
	v4 =	vunpack.c.0.s8.s32 v13;
	[tilespmem:$0x1FBE0] =	vst v6;
	v13 =	vimm.s32 $0x37363534  }
0xd: {  	[tilespmem:$0x1FC00] =	vst v14;
	v14 =	vimm.s32 $0x3B3A3938;
	v0 =	vcombine.low v0, v2;
	v5 =	vunpack.c.0.s8.s32 v13  }
0xe: {  	v13 =	vunpack.c.0.s8.s32 v14;
	v7 =	vunpack.c.0.s8.s32 v7;
	[tilespmem:$0x1FC10] =	vst v4;
	v59 =	vsel vm0, v4, v3  }
0xf: {  	[tilespmem:$0x1FBD0] =	vst v0;
	v0 =	vsel vm0, v6, v61;
	v61 =	vimm.s32 $0x3020100;
	v6 =	vunpack.c.0.s8.s32 v57  }
0x10: {  	[tilespmem:$0x1FC30] =	vst v13;
	v5 =	vsel vm0, v13, v5;
	v13 =	vunpack.c.0.s8.s32 v60;
	v4 =	vunpack.c.0.s8.s32 v61  }
0x11: {  	v14 =	vand.u32 $0xF, v7;
	v57 =	vunpack.c.0.s8.s32 v8;
	v8 =	vimm.s32 $0x6543A987  }
0x12: {  	v61 =	vimm.s32 $0x5040302;
	v60 =	vsel vm0, v6, v1;
	v4 =	vsel vm0, v4, v12  }
0x13: {  	[tilespmem:$0x1FC20] =	vst v59;
	v3 =	vunpack.c.0.s8.s32 v61;
	v61 =	vimm.s32 $0x43218765;
	v59 =	vcombine.low v5, v4  }
0x14: {  	v2 =	vcombine.low v2, v14;
	[tilespmem:$0x1FC50] =	vst v60;
	v60 =	vimm.s32 $0xB0A0908;
	v5 =	vunpack.c.l.s4.s8 v61  }
0x15: {  	v14 =	vimm.s32 $0x98765432;
	v4 =	vunpack.c.0.s8.s32 v60;
	[tilespmem:$0x1FC40] =	vst v59;
	v59 =	vand.u32 $0xF, v57  }
0x16: {  	[tilespmem:$0x1FC60] =	vst v2;
	v57 =	vunpack.c.0.s8.s32 v5;
	v2 =	vsel vm1, v59, v12;
	v59 =	vimm.s32 $0x54329876  }
0x17: {  	v60 =	vimm.s32 $0xC0B0A09;
	v2 =	vsel vm2, v4, v2;
	v4 =	vunpack.c.l.s4.s8 v59  }
0x18: {  	v8 =	vunpack.c.l.s4.s8 v8;
	v5 =	vunpack.c.0.s8.s32 v60;
	[tilespmem:$0x1FC80] =	vst v2;
	v2 =	vand.u32 $0xF, v57  }
0x19: {  	v7 =	vunpack.c.l.s4.s8 v14;
	v1 =	vsel vm1, v2, v1;
	v61 =	vunpack.c.0.s8.s32 v4  }
0x1a: {  	[tilespmem:$0x1FC70] =	vst v12;
	v14 =	vunpack.c.0.s8.s32 v8;
	v12 =	vimm.s32 $0xD0C0B0A;
	v1 =	vsel vm2, v5, v1  }
0x1b: {  	s7 =	rddreg [dreg:$0x0];
	v57 =	vimm.s32 $0xE0D0C0B;
	[tilespmem:$0x1FC90] =	vst v1;
	v2 =	vand.u32 $0xF, v61;
	v1 =	vunpack.c.0.s8.s32 v12  }
0x1c: {  	s0 =	rddreg [dreg:$0x1];
	v4 =	vand.u32 $0xF, v14;
	v5 =	vunpack.c.0.s8.s32 v57;
	v2 =	vsel vm1, v2, v11  }
0x1d: {  	s2 =	rddreg [dreg:$0x2];
	[tilespmem:$0x1FBF0] =	vst v0;
	v0 =	vimm.s32 $0x3E3D3C3B;
	v60 =	vsel vm1, v4, v13;
	v1 =	vsel vm2, v1, v2  }
0x1e: {  	s4 =	rddreg [dreg:$0x3];
	s5 =	simm.s32 $0x0;
	v0 =	vunpack.c.0.s8.s32 v0;
	v2 =	vsel vm2, v5, v60;
	[tilespmem:$0x1FCA0] =	vst v1  }
0x1f: {  	s3 =	srdreg.scid;
	[smem:$0x7FF] =	sst s5;
	[tilespmem:$0x1FCB0] =	vst v2  }
0x20: {  	s8 =	sand.u32 $0x1, s3;
	s3 =	rddreg [dreg:$0x4];
	v6 =	vimm.s32 $0x6050403;
	_ =	strace $0x80000047;
	[tilespmem:$0x1FCC0] =	vst v0  }
0x21: {  	v57 =	vsel vm0, v3, v11;
	v12 =	vunpack.c.0.s8.s32 v6;
	[tilespmem:$0x1FCD0] =	vst v11  }
0x22: {  	v14 =	vunpack.c.0.s8.s32 v7;
	[tilespmem:$0x1FCE0] =	vst v57  }
0x23: {  	v60 =	vsel vm0, v12, v13;
	[tilespmem:$0x1FCF0] =	vst v13  }
0x24: {  	v9 =	vlaneseq.u32;
	v4 =	vand.u32 $0xF, v14;
	[tilespmem:$0x1FD00] =	vst v60  }
0x25: {  	v5 =	vadd.s32 $0x26, v9;
	[tilespmem:$0x1FD20] =	vst v4  }
0x26: {  	v6 =	vadd.s32 $0x27, v9;
	[tilespmem:$0x1FD40] =	vst v5  }
0x27: {  	v7 =	vadd.s32 $0x28, v9;
	[tilespmem:$0x1FD50] =	vst v6  }
0x28: {  	v12 =	vadd.s32 $0x29, v9;
	[tilespmem:$0x1FD60] =	vst v7  }
0x29: {  	v10 =	vmul.u32 $0x40, v9;
	v14 =	vadd.s32 $0x2B, v9;
	[tilespmem:$0x1FD70] =	vst v12  }
0x2a: {  	[tilespmem:$0x1FD90] =	vst v14  }
0x2b: {  	v17 =	vadd.s32 $0x1, v9;
	[tilespmem:$0x1FDE0] =	vst v10  }
0x2c: {  	v22 =	vadd.s32 $0x2, v9;
	[tilespmem:$0x1FDF0] =	vst v17  }
0x2d: {  	v41 =	vadd.s32 $0x3, v9;
	[tilespmem:$0x1FE00] =	vst v22  }
0x2e: {  	v42 =	vadd.s32 $0x4, v9;
	[tilespmem:$0x1FE10] =	vst v41  }
0x2f: {  	v43 =	vadd.s32 $0x5, v9;
	[tilespmem:$0x1FE20] =	vst v42  }
0x30: {  	v44 =	vadd.s32 $0x6, v9;
	[tilespmem:$0x1FE30] =	vst v43  }
0x31: {  	v45 =	vadd.s32 $0x7, v9;
	[tilespmem:$0x1FE40] =	vst v44  }
0x32: {  	v46 =	vadd.s32 $0x8, v9;
	[tilespmem:$0x1FE50] =	vst v45  }
0x33: {  	v55 =	vadd.s32 $0x9, v9;
	[tilespmem:$0x1FE60] =	vst v46  }
0x34: {  	v30 =	vadd.s32 $0xA, v9;
	[tilespmem:$0x1FE70] =	vst v55  }
0x35: {  	v47 =	vadd.s32 $0xB, v9;
	[tilespmem:$0x1FE80] =	vst v30  }
0x36: {  	v56 =	vadd.s32 $0xC, v9;
	[tilespmem:$0x1FE90] =	vst v47  }
0x37: {  	v34 =	vadd.s32 $0xD, v9;
	[tilespmem:$0x1FEA0] =	vst v56  }
0x38: {  	v35 =	vadd.s32 $0xE, v9;
	[tilespmem:$0x1FEB0] =	vst v34  }
0x39: {  	v36 =	vadd.s32 $0xF, v9;
	[tilespmem:$0x1FEC0] =	vst v35  }
0x3a: {  	v49 =	vadd.s32 $0x12, v9;
	[tilespmem:$0x1FED0] =	vst v36  }
0x3b: {  	v51 =	vadd.s32 $0x13, v9;
	[tilespmem:$0x1FEE0] =	vst v49  }
0x3c: {  	v52 =	vadd.s32 $0x14, v9;
	[tilespmem:$0x1FEF0] =	vst v51  }
0x3d: {  	v54 =	vadd.s32 $0x15, v9;
	[tilespmem:$0x1FF00] =	vst v52  }
0x3e: {  	v31 =	vadd.s32 $0x16, v9;
	[tilespmem:$0x1FF10] =	vst v54  }
0x3f: {  	v38 =	vadd.s32 $0x17, v9;
	[tilespmem:$0x1FF20] =	vst v31  }
0x40: {  	v39 =	vadd.s32 $0x18, v9;
	[tilespmem:$0x1FF30] =	vst v38  }
0x41: {  	v40 =	vadd.s32 $0x19, v9;
	[tilespmem:$0x1FF40] =	vst v39  }
0x42: {  	v25 =	vadd.s32 $0x1B, v9;
	[tilespmem:$0x1FF50] =	vst v40  }
0x43: {  	v26 =	vadd.s32 $0x1C, v9;
	[tilespmem:$0x1FF60] =	vst v25  }
0x44: {  	v27 =	vadd.s32 $0x1D, v9;
	[tilespmem:$0x1FF70] =	vst v26  }
0x45: {  	v28 =	vadd.s32 $0x1E, v9;
	[tilespmem:$0x1FF80] =	vst v27  }
0x46: {  	v29 =	vadd.s32 $0x1F, v9;
	[tilespmem:$0x1FF90] =	vst v28  }
0x47: {  	v32 =	vadd.s32 $0x21, v9;
	[tilespmem:$0x1FFA0] =	vst v29  }
0x48: {  	v53 =	vadd.s32 $0x22, v9;
	[tilespmem:$0x1FFB0] =	vst v32  }
0x49: {  	v58 =	vadd.s32 $0x23, v9;
	[tilespmem:$0x1FFC0] =	vst v53  }
0x4a: {  	v62 =	vadd.s32 $0x24, v9;
	[tilespmem:$0x1FFD0] =	vst v58  }
0x4b: {  	v63 =	vadd.s32 $0x25, v9;
	v59 =	vimm.s32 $0xA9876543;
	v61 =	vimm.s32 $0x76543210;
	[tilespmem:$0x1FFE0] =	vst v62  }
0x4c: {  	s1 =	stileid.u32;
	v1 =	vunpack.c.l.s4.s8 v59;
	v2 =	vunpack.c.l.s4.s8 v61;
	v13 =	vadd.s32 $0x2A, v9;
	[tilespmem:$0x1FFF0] =	vst v63  }
0x4d: {  	s11 =	simm.s32 $0xE400;
	s12 =	simm.s32 $0xE440;
	s31 =	sshll.u32 s1, $0x1;
	v57 =	vadd.s32 $0x2C, v9;
	[tilespmem:$0x1FD80] =	vst v13  }
0x4e: {  	s13 =	simm.s32 $0x80;
	s14 =	simm.s32 $0x6400;
	s6 =	sor.u32 s8, s31;
	v60 =	vadd.s32 $0x2E, v9;
	v59 =	vunpack.c.0.s8.s32 v1;
	v61 =	vunpack.c.0.s8.s32 v2;
	[tilespmem:$0x1FDA0] =	vst v57  }
0x4f: {  	s15 =	simm.s32 $0x8400;
	s16 =	simm.s32 $0xA400;
	s6 =	smul.u32 $0x6400, s6;
	[tilespmem:$0x1FDC0] =	vst v60  }
0x50: {  	s17 =	simm.s32 $0xC400;
	s18 =	simm.s32 $0x1;
	s8 =	ssub.s32 $0x2, s8;
	[tilespmem:$0x1FD10] =	vst v61;
	v0 =	vand.u32 $0xF, v59  }
0x51: {  	s19 =	simm.s32 $0x0;
	s10 =	sshrl.u32 s8, $0x1;
	s9 =	sshrl.u32 s6, $0x3;
	v59 =	vadd.s32 $0x2D, v9;
	[tilespmem:$0x1FD30] =	vst v0  }
0x52: {  	v50 =	vor.u32 $0x10, v9;
	v37 =	vadd.s32 $0x11, v9;
	s10 =	ssub.s32 s8, s10;
	s9 =	sadd.s32 s9, s7;
	s7 =	sadd.s32 $0xF42E00, s7;
	v61 =	vadd.s32 $0x2F, v9;
	[tilespmem:$0x1FDB0] =	vst v59  }
0x53: {  	v48 =	vadd.s32 $0x1A, v9;
	v33 =	vor.u32 $0x20, v9;
	s8 =	sadd.s32 $0xA00, s9;
	s9 =	smax.u32 s10, $0x1;
	s10 =	simm.s32 $0x2;
	v11 =	vor.u32 $0x30, v9;
	[tilespmem:$0x1FDD0] =	vst v61  }
.LBB2_1:
0x54: {  	[tilespmem:s5], [sflag:$0x2] =	stream.linear.gather [hbm4b:s8+s5], $0x6400, $0x38;
	[tilespmem:$0xE480] =	vst v63  }
0x55: {  	_ =	swait.ge [sflag:s10], $0x6400  }
0x56: {  	[sflag:s10] =	ssyncset.done $0x0  }
0x57: {  	[sflag:s10] =	ssyncadd.s32 $0xFFFF9C00  }
0x58: {  	[tilespmem:s11], [sflag:$0x2] =	stream.linear.gather [hbm4b:s0+s5], $0x40, $0x38;
	[tilespmem:$0xE480] =	vst v63  }
0x59: {  	_ =	swait.ge [sflag:s10], $0x40  }
0x5a: {  	[sflag:s10] =	ssyncset.done $0x0  }
0x5b: {  	[sflag:s10] =	ssyncadd.s32 $0xFFFFFFC0  }
0x5c: {  	[tilespmem:s12], [sflag:$0x2] =	stream.linear.gather [hbm4b:s2+s5], $0x40, $0x38;
	[tilespmem:$0xE480] =	vst v63  }
0x5d: {  	_ =	swait.ge [sflag:s10], $0x40  }
0x5e: {  	[sflag:s10] =	ssyncset.done $0x0  }
0x5f: {  	[sflag:s10] =	ssyncadd.s32 $0xFFFFFFC0  }
0x60: {  	v12 =	vld [tilespmem:$0xE400]  }
0x61: {  	v13 =	vld [tilespmem:$0xE410]  }
0x62: {  	v14 =	vld [tilespmem:$0xE420]  }
0x63: {  	v15 =	vld [tilespmem:$0xE430]  }
0x64: {  	v16 =	vld [tilespmem:$0xE440]  }
0x65: {  	v18 =	vld [tilespmem:$0xE450]  }
0x66: {  	v19 =	vld [tilespmem:$0xE460]  }
0x67: {  	s20 =	simm.s32 $0x0;
	v20 =	vld [tilespmem:$0xE470]  }
.LBB2_2:
0x68: {  	s21 =	sshll.u32 s20, $0x9  }
0x69: {  	[tilespmem:s14], [sflag:$0x1] =	stream.indirect.gather [hbm4b:s7+s13], $0x40, s21, s13, $0xb8;
	[tilespmem:$0xE480] =	vst v63  }
0x6a: {  	s22 =	sor.u32 $0x80, s21  }
0x6b: {  	[tilespmem:s15], [sflag:$0x1] =	stream.indirect.gather [hbm4b:s7+s13], $0x40, s22, s13, $0xb8;
	[tilespmem:$0xE480] =	vst v63  }
0x6c: {  	s30 =	sor.u32 $0x100, s21  }
0x6d: {  	[tilespmem:s16], [sflag:$0x1] =	stream.indirect.gather [hbm4b:s7+s13], $0x40, s30, s13, $0xb8;
	[tilespmem:$0xE480] =	vst v63  }
0x6e: {  	s31 =	sor.u32 $0x180, s21  }
0x6f: {  	[tilespmem:s17], [sflag:$0x1] =	stream.indirect.gather [hbm4b:s7+s13], $0x40, s31, s13, $0xb8;
	[tilespmem:$0xE480] =	vst v63  }
0x70: {  	_ =	swait.ge [sflag:s18], $0x2000  }
0x71: {  	[sflag:s18] =	ssyncset.done $0x0  }
0x72: {  	[sflag:s18] =	ssyncadd.s32 $0xFFFFE000  }
0x73: {  	_ =	swait.ge [sflag:s18], $0x2000  }
0x74: {  	[sflag:s18] =	ssyncset.done $0x0  }
0x75: {  	[sflag:s18] =	ssyncadd.s32 $0xFFFFE000  }
0x76: {  	_ =	swait.ge [sflag:s18], $0x2000  }
0x77: {  	[sflag:s18] =	ssyncset.done $0x0  }
0x78: {  	[sflag:s18] =	ssyncadd.s32 $0xFFFFE000  }
0x79: {  	_ =	swait.ge [sflag:s18], $0x2000  }
0x7a: {  	[sflag:s18] =	ssyncset.done $0x0  }
0x7b: {  	s22 =	simm.s32 $0xF;
	[sflag:s18] =	ssyncadd.s32 $0xFFFFE000  }
.LBB2_3:
0x7c: {  	s23 =	sadd.s32 $0xFFFFFFF1, s22  }
0x7d: {  	v0 =	vmov s23  }
0x7e: {  	v0 =	vshll.u32 v0, $0x6  }
0x7f: {  	v21 =	vor.u32 v10, v0  }
0x80: {  	[tilespmem:$0x1FBA0] =	vst v0;
	v0 =	vor.u32 v9, v21  }
0x81: {  	v1 =	vor.u32 v17, v21  }
0x82: {  	v2 =	vor.u32 v22, v21  }
0x83: {  	v3 =	vor.u32 v41, v21  }
0x84: {  	v4 =	vor.u32 v42, v21  }
0x85: {  	v5 =	vor.u32 v43, v21;
	v61 =	vld.idx.msk [tilespmem:v0+s14+$0x0], $0xffff  }
0x86: {  	v7 =	vor.u32 v44, v21;
	[tilespmem:$0x1F9C0] =	vst v0;
	v0 =	vld.idx.msk [tilespmem:v1+s14+$0x0], $0xffff  }
0x87: {  	v10 =	vor.u32 v45, v21;
	[tilespmem:$0x1F9D0] =	vst v1;
	v1 =	vld.idx.msk [tilespmem:v2+s14+$0x0], $0xffff  }
0x88: {  	v45 =	vor.u32 v55, v21;
	v57 =	vld.idx.msk [tilespmem:v3+s14+$0x0], $0xffff  }
0x89: {  	v23 =	vor.u32 v46, v21;
	v59 =	vld.idx.msk [tilespmem:v4+s14+$0x0], $0xffff  }
0x8a: {  	v55 =	vor.u32 v30, v21;
	v30 =	vor.u32 v47, v21;
	v60 =	vld.idx.msk [tilespmem:v5+s14+$0x0], $0xffff  }
0x8b: {  	v34 =	vor.u32 v34, v21;
	v44 =	vor.u32 v35, v21;
	[tilespmem:$0x1FA20] =	vst v7;
	v7 =	vld.idx.msk [tilespmem:v7+s14+$0x0], $0xffff  }
0x8c: {  	v49 =	vor.u32 v49, v21;
	v31 =	vor.u32 v31, v21;
	[tilespmem:$0x1FA30] =	vst v10;
	v10 =	vld.idx.msk [tilespmem:v10+s14+$0x0], $0xffff  }
0x8d: {  	v25 =	vor.u32 v25, v21;
	[tilespmem:$0x1FA50] =	vst v45;
	v24 =	vld.idx.msk [tilespmem:v45+s14+$0x0], $0xffff;
	v45 =	vor.u32 v36, v21;
	v46 =	vadd.f32 $0.0e+00, v61  }
0x8e: {  	[tilespmem:$0x1FA40] =	vst v23;
	v23 =	vld.idx.msk [tilespmem:v23+s14+$0x0], $0xffff;
	v6 =	vmul.f32 v61, v61;
	v8 =	vadd.f32 $0.0e+00, v0;
	v0 =	vmul.f32 v0, v0  }
0x8f: {  	[tilespmem:$0x1F9E0] =	vst v2;
	v9 =	vadd.f32 $0.0e+00, v1;
	v1 =	vmul.f32 v1, v1;
	v22 =	vmul.f32 v59, v59  }
0x90: {  	[tilespmem:$0x1F9F0] =	vst v3;
	v17 =	vadd.f32 $0.0e+00, v57;
	v2 =	vmul.f32 v57, v57;
	v57 =	vmul.f32 v60, v60  }
0x91: {  	[tilespmem:$0x1FA00] =	vst v4;
	v3 =	vadd.f32 v59, v46;
	v59 =	vor.u32 v56, v21;
	v6 =	vadd.f32 v22, v6  }
0x92: {  	v22 =	vmul.f32 v7, v7;
	v4 =	vadd.f32 v60, v8;
	v60 =	vld.idx.msk [tilespmem:v55+s14+$0x0], $0xffff;
	v8 =	vmul.f32 v10, v10  }
0x93: {  	[tilespmem:$0x1FA70] =	vst v30;
	v10 =	vadd.f32 v10, v17;
	v17 =	vmul.f32 v23, v23;
	v46 =	vor.u32 v37, v21  }
0x94: {  	v0 =	vadd.f32 v57, v0;
	v7 =	vadd.f32 v7, v9;
	v9 =	vld.idx.msk [tilespmem:v30+s14+$0x0], $0xffff;
	v30 =	vor.u32 v50, v21  }
0x95: {  	v2 =	vadd.f32 v8, v2;
	v8 =	vmul.f32 v24, v24;
	v6 =	vadd.f32 v17, v6;
	v17 =	vld.idx.msk [tilespmem:v34+s14+$0x0], $0xffff  }
0x96: {  	v26 =	vor.u32 v26, v21;
	[tilespmem:$0x1FA60] =	vst v55;
	v1 =	vadd.f32 v22, v1;
	v22 =	vld.idx.msk [tilespmem:v59+s14+$0x0], $0xffff  }
0x97: {  	v3 =	vadd.f32 v23, v3;
	v23 =	vld.idx.msk [tilespmem:v44+s14+$0x0], $0xffff;
	v0 =	vadd.f32 v8, v0;
	v8 =	vmul.f32 v60, v60  }
0x98: {  	v55 =	vor.u32 v51, v21;
	[tilespmem:$0x1FAC0] =	vst v30;
	v4 =	vadd.f32 v24, v4;
	v24 =	vld.idx.msk [tilespmem:v46+s14+$0x0], $0xffff  }
0x99: {  	v1 =	vadd.f32 v8, v1;
	v8 =	vadd.f32 v9, v10;
	v10 =	vld.idx.msk [tilespmem:v30+s14+$0x0], $0xffff;
	v30 =	vor.u32 v52, v21  }
0x9a: {  	v36 =	vor.u32 v38, v21;
	v57 =	vor.u32 v54, v21;
	v47 =	vmul.f32 v9, v9;
	v9 =	vld.idx.msk [tilespmem:v45+s14+$0x0], $0xffff  }
0x9b: {  	[tilespmem:$0x1FA10] =	vst v5;
	v56 =	vmul.f32 v22, v22;
	v3 =	vadd.f32 v22, v3;
	v22 =	vmul.f32 v17, v17  }
0x9c: {  	[tilespmem:$0x1FA80] =	vst v59;
	v5 =	vadd.f32 v60, v7;
	v4 =	vadd.f32 v17, v4;
	v17 =	vld.idx.msk [tilespmem:v49+s14+$0x0], $0xffff  }
0x9d: {  	v2 =	vadd.f32 v47, v2;
	v59 =	vmul.f32 v23, v23;
	v0 =	vadd.f32 v22, v0;
	v22 =	vld.idx.msk [tilespmem:v55+s14+$0x0], $0xffff  }
0x9e: {  	v5 =	vadd.f32 v23, v5;
	[tilespmem:$0x1FB00] =	vst v30;
	v23 =	vld.idx.msk [tilespmem:v30+s14+$0x0], $0xffff;
	v30 =	vor.u32 v39, v21  }
0x9f: {  	[tilespmem:$0x1FB20] =	vst v31;
	v38 =	vmul.f32 v24, v24;
	v6 =	vadd.f32 v56, v6;
	v60 =	vmul.f32 v9, v9  }
0xa0: {  	v8 =	vadd.f32 v9, v8;
	v9 =	vmul.f32 v10, v10;
	v3 =	vadd.f32 v10, v3;
	v10 =	vld.idx.msk [tilespmem:v57+s14+$0x0], $0xffff  }
0xa1: {  	v4 =	vadd.f32 v24, v4;
	v24 =	vld.idx.msk [tilespmem:v36+s14+$0x0], $0xffff;
	v39 =	vor.u32 v40, v21;
	v2 =	vadd.f32 v60, v2  }
0xa2: {  	v6 =	vadd.f32 v9, v6;
	v9 =	vld.idx.msk [tilespmem:v31+s14+$0x0], $0xffff;
	v31 =	vor.u32 v48, v21;
	v40 =	vmul.f32 v17, v17  }
0xa3: {  	v5 =	vadd.f32 v17, v5;
	v17 =	vmul.f32 v22, v22;
	v41 =	vadd.f32 v22, v8;
	v22 =	vld.idx.msk [tilespmem:v30+s14+$0x0], $0xffff  }
0xa4: {  	v1 =	vadd.f32 v59, v1;
	v8 =	vmul.f32 v23, v23;
	v3 =	vadd.f32 v23, v3;
	v23 =	vld.idx.msk [tilespmem:v25+s14+$0x0], $0xffff  }
0xa5: {  	[tilespmem:$0x1FB70] =	vst v25;
	v0 =	vadd.f32 v38, v0;
	v25 =	vld [tilespmem:$0x1FD50];
	v2 =	vadd.f32 v17, v2;
	v17 =	vmul.f32 v10, v10  }
0xa6: {  	v27 =	vor.u32 v27, v21;
	v1 =	vadd.f32 v40, v1;
	v6 =	vadd.f32 v8, v6;
	v8 =	vld.idx.msk [tilespmem:v39+s14+$0x0], $0xffff  }
0xa7: {  	v4 =	vadd.f32 v10, v4;
	v10 =	vmul.f32 v9, v9;
	v0 =	vadd.f32 v17, v0;
	v17 =	vld.idx.msk [tilespmem:v31+s14+$0x0], $0xffff  }
0xa8: {  	v54 =	vor.u32 v29, v21;
	v5 =	vadd.f32 v9, v5;
	v9 =	vmul.f32 v24, v24  }
0xa9: {  	[tilespmem:$0x1FAF0] =	vst v55;
	v56 =	vor.u32 v28, v21;
	v1 =	vadd.f32 v10, v1;
	v10 =	vmul.f32 v22, v22  }
0xaa: {  	v55 =	vor.u32 v33, v21;
	v7 =	vadd.f32 v24, v41;
	v2 =	vadd.f32 v9, v2;
	v9 =	vld.idx.msk [tilespmem:v26+s14+$0x0], $0xffff  }
0xab: {  	v3 =	vadd.f32 v22, v3;
	v22 =	vld.idx.msk [tilespmem:v27+s14+$0x0], $0xffff;
	v6 =	vadd.f32 v10, v6;
	v10 =	vmul.f32 v8, v8  }
0xac: {  	v52 =	vor.u32 v25, v21;
	v25 =	vld [tilespmem:$0x1FD60];
	v4 =	vadd.f32 v8, v4;
	v8 =	vmul.f32 v17, v17  }
0xad: {  	v7 =	vadd.f32 v23, v7;
	v0 =	vadd.f32 v10, v0;
	v10 =	vmul.f32 v23, v23;
	v23 =	vld [tilespmem:$0x1FD40]  }
0xae: {  	v1 =	vadd.f32 v8, v1;
	v8 =	vld.idx.msk [tilespmem:v54+s14+$0x0], $0xffff  }
0xaf: {  	[tilespmem:$0x1FB10] =	vst v57;
	v57 =	vor.u32 v32, v21  }
0xb0: {  	[tilespmem:$0x1FA90] =	vst v34;
	v34 =	vor.u32 v62, v21;
	v59 =	vor.u32 v53, v21;
	v24 =	vld.idx.msk [tilespmem:v56+s14+$0x0], $0xffff  }
0xb1: {  	[tilespmem:$0x1FB80] =	vst v26;
	v60 =	vor.u32 v58, v21;
	v26 =	vld [tilespmem:$0x1FD90];
	v5 =	vadd.f32 v17, v5;
	v3 =	vadd.f32 v9, v3  }
0xb2: {  	v17 =	vld.idx.msk [tilespmem:v55+s14+$0x0], $0xffff;
	v62 =	vor.u32 v25, v21;
	v2 =	vadd.f32 v10, v2;
	v10 =	vmul.f32 v9, v9  }
0xb3: {  	v25 =	vld [tilespmem:$0x1FD80];
	v9 =	vmul.f32 v22, v22;
	v51 =	vor.u32 v23, v21;
	v23 =	vmul.f32 v8, v8  }
0xb4: {  	v35 =	vor.u32 v63, v21;
	v6 =	vadd.f32 v10, v6;
	v10 =	vld.idx.msk [tilespmem:v57+s14+$0x0], $0xffff  }
0xb5: {  	v0 =	vadd.f32 v9, v0;
	v9 =	vmul.f32 v24, v24;
	v2 =	vadd.f32 v23, v2;
	v23 =	vld [tilespmem:$0x1FD70]  }
0xb6: {  	v5 =	vadd.f32 v24, v5;
	v24 =	vld.idx.msk [tilespmem:v60+s14+$0x0], $0xffff  }
0xb7: {  	v4 =	vadd.f32 v22, v4;
	v22 =	vld.idx.msk [tilespmem:v59+s14+$0x0], $0xffff;
	v1 =	vadd.f32 v9, v1;
	v9 =	vmul.f32 v17, v17  }
0xb8: {  	v7 =	vadd.f32 v8, v7;
	v8 =	vld.idx.msk [tilespmem:v34+s14+$0x0], $0xffff  }
0xb9: {  	v3 =	vadd.f32 v17, v3;
	v17 =	vld.idx.msk [tilespmem:v35+s14+$0x0], $0xffff;
	v6 =	vadd.f32 v9, v6;
	v9 =	vmul.f32 v10, v10  }
0xba: {  	[tilespmem:$0x1FB60] =	vst v31;
	v31 =	vor.u32 v26, v21;
	v63 =	vor.u32 v23, v21;
	v23 =	vld.idx.msk [tilespmem:v51+s14+$0x0], $0xffff  }
0xbb: {  	v42 =	vld [tilespmem:$0x1FCD0];
	[tilespmem:$0x1FB40] =	vst v30;
	v0 =	vadd.f32 v9, v0;
	v9 =	vmul.f32 v24, v24  }
0xbc: {  	v30 =	vor.u32 v25, v21;
	v25 =	vld.idx.msk [tilespmem:v52+s14+$0x0], $0xffff;
	v4 =	vadd.f32 v10, v4;
	v10 =	vmul.f32 v22, v22  }
0xbd: {  	v5 =	vadd.f32 v22, v5;
	v22 =	vld [tilespmem:$0x1FDA0];
	v2 =	vadd.f32 v9, v2;
	v9 =	vmul.f32 v8, v8  }
0xbe: {  	v1 =	vadd.f32 v10, v1;
	v10 =	vld.idx.msk [tilespmem:v62+s14+$0x0], $0xffff;
	v3 =	vadd.f32 v8, v3;
	v8 =	vmul.f32 v17, v17  }
0xbf: {  	v6 =	vadd.f32 v9, v6;
	v9 =	vmul.f32 v23, v23;
	v5 =	vadd.f32 v23, v5;
	v23 =	vld.idx.msk [tilespmem:v31+s14+$0x0], $0xffff  }
0xc0: {  	v38 =	vld [tilespmem:$0x1FC00]  }
0xc1: {  	[tilespmem:$0x1FB50] =	vst v39;
	v39 =	vld [tilespmem:$0x1FCC0];
	v0 =	vadd.f32 v8, v0;
	v8 =	vmul.f32 v25, v25  }
0xc2: {  	v7 =	vadd.f32 v24, v7;
	v24 =	vld [tilespmem:$0x1FDB0];
	v32 =	vor.u32 v22, v21  }
0xc3: {  	v3 =	vadd.f32 v10, v3;
	v2 =	vadd.f32 v8, v2;
	v22 =	vld.idx.msk [tilespmem:v63+s14+$0x0], $0xffff  }
0xc4: {  	v26 =	vld [tilespmem:$0x1FDC0];
	v1 =	vadd.f32 v9, v1;
	v9 =	vmul.f32 v10, v10;
	v10 =	vmul.f32 v23, v23  }
0xc5: {  	v4 =	vadd.f32 v17, v4;
	v17 =	vld.idx.msk [tilespmem:v30+s14+$0x0], $0xffff  }
0xc6: {  	v2 =	vadd.f32 v10, v2;
	v10 =	vld [tilespmem:$0x1FBD0]  }
0xc7: {  	v7 =	vadd.f32 v25, v7;
	v29 =	vor.u32 v24, v21;
	v24 =	vld.idx.msk [tilespmem:v32+s14+$0x0], $0xffff  }
0xc8: {  	v8 =	vmul.f32 v22, v22;
	v4 =	vadd.f32 v22, v4;
	v22 =	vld [tilespmem:$0x1FCF0]  }
0xc9: {  	v58 =	vor.u32 v11, v21;
	v7 =	vadd.f32 v23, v7;
	v23 =	vld [tilespmem:$0x1FC20]  }
0xca: {  	v5 =	vadd.f32 v17, v5;
	v0 =	vadd.f32 v8, v0;
	v8 =	vmul.f32 v17, v17;
	v17 =	vld [tilespmem:$0x1FDD0]  }
0xcb: {  	v28 =	vor.u32 v26, v21;
	v26 =	vor.u32 v10, v21;
	v10 =	vld [tilespmem:$0x1FBF0]  }
0xcc: {  	[tilespmem:$0x1FAA0] =	vst v44;
	v44 =	vld [tilespmem:$0x1FD00]  }
0xcd: {  	v40 =	vld [tilespmem:$0x1FBE0];
	v6 =	vadd.f32 v9, v6;
	v1 =	vadd.f32 v8, v1;
	v8 =	vmul.f32 v24, v24  }
0xce: {  	[tilespmem:$0x1FAB0] =	vst v45;
	v45 =	vld.idx.msk [tilespmem:v58+s14+$0x0], $0xffff;
	v3 =	vadd.f32 v24, v3;
	v22 =	vsel vm0, v22, v39  }
0xcf: {  	[tilespmem:$0x1FB90] =	vst v27;
	v24 =	vld [tilespmem:$0x1FBC0];
	v8 =	vadd.f32 v8, v6;
	v6 =	vsel vm0, v42, v38;
	v27 =	vor.u32 v17, v21  }
0xd0: {  	v43 =	vcombine.low v23, v22;
	v23 =	vld [tilespmem:$0x1FBB0];
	v10 =	vcombine.low v10, v6  }
0xd1: {  	v17 =	vld.idx.msk [tilespmem:v28+s14+$0x0], $0xffff  }
0xd2: {  	v25 =	vor.u32 v10, v21;
	v10 =	vld [tilespmem:$0x1FC50]  }
0xd3: {  	v9 =	vld.idx.msk [tilespmem:v29+s14+$0x0], $0xffff  }
0xd4: {  	v53 =	vld.idx.msk [tilespmem:v27+s14+$0x0], $0xffff  }
0xd5: {  	v42 =	vld [tilespmem:$0x1FC40]  }
0xd6: {  	[tilespmem:$0x1FAE0] =	vst v49;
	v47 =	vsel vm0, v24, v23;
	v24 =	vor.u32 v43, v21;
	v43 =	vld [tilespmem:$0x1FC10];
	v49 =	vmul.f32 v17, v17  }
0xd7: {  	[tilespmem:$0x1FB30] =	vst v36;
	v36 =	vcombine.low v47, v10;
	v47 =	vld [tilespmem:$0x1FC70]  }
0xd8: {  	v4 =	vadd.f32 v9, v4;
	v9 =	vmul.f32 v9, v9;
	v10 =	vmovc v37;
	v37 =	vadd.f32 v49, v1;
	v49 =	vld [tilespmem:$0x1FC30]  }
0xd9: {  	[tilespmem:$0x1FAD0] =	vst v46;
	v41 =	vld [tilespmem:$0x1FCE0];
	v46 =	vmul.f32 v53, v53  }
0xda: {  	v0 =	vadd.f32 v9, v0;
	v9 =	vld.idx.msk [tilespmem:v26+s14+$0x0], $0xffff  }
0xdb: {  	v1 =	vsel vm0, v38, v40;
	v38 =	vadd.f32 v46, v2;
	v2 =	vadd.f32 v45, v3;
	v3 =	vld.idx.msk [tilespmem:v24+s14+$0x0], $0xffff  }
0xdc: {  	v23 =	vor.u32 v42, v21;
	v46 =	vld [tilespmem:$0x1FD20]  }
0xdd: {  	v39 =	vsel vm0, v39, v43;
	v40 =	vsel vm0, v47, v49;
	v47 =	vld [tilespmem:$0x1FD30]  }
0xde: {  	v17 =	vadd.f32 v17, v5;
	v39 =	vcombine.low v39, v44;
	v44 =	vld [tilespmem:$0x1FD10];
	v5 =	vcombine.low v1, v41  }
0xdf: {  	v36 =	vor.u32 v36, v21;
	v49 =	vmul.f32 v9, v9  }
0xe0: {  	v7 =	vadd.f32 v53, v7;
	v53 =	vor.u32 v5, v21;
	v5 =	vld.idx.msk [tilespmem:v25+s14+$0x0], $0xffff  }
0xe1: {  	v43 =	vld.idx.msk [tilespmem:v23+s14+$0x0], $0xffff;
	v45 =	vmul.f32 v45, v45;
	v0 =	vadd.f32 v49, v0;
	v49 =	vmul.f32 v3, v3  }
0xe2: {  	v41 =	vcombine.low v6, v46;
	v22 =	vcombine.low v22, v47;
	v47 =	vld [tilespmem:$0x1FC60]  }
0xe3: {  	v40 =	vcombine.low v40, v44;
	v44 =	vadd.f32 v49, v38;
	v49 =	vld [tilespmem:$0x1FCA0]  }
0xe4: {  	v39 =	vor.u32 v39, v21;
	v45 =	vadd.f32 v45, v8;
	v8 =	vor.u32 v41, v21;
	v41 =	vld.idx.msk [tilespmem:v36+s14+$0x0], $0xffff  }
0xe5: {  	v9 =	vadd.f32 v9, v4;
	v4 =	vmul.f32 v5, v5;
	v17 =	vadd.f32 v5, v17;
	v5 =	vld [tilespmem:$0x1FC80]  }
0xe6: {  	v40 =	vor.u32 v40, v21;
	v42 =	vld.idx.msk [tilespmem:v53+s14+$0x0], $0xffff  }
0xe7: {  	v6 =	vor.u32 v47, v21;
	v47 =	vld [tilespmem:$0x1FC90]  }
0xe8: {  	v38 =	vor.u32 v49, v21;
	v49 =	vld [tilespmem:$0x1FCB0]  }
0xe9: {  	v46 =	vld.idx.msk [tilespmem:v39+s14+$0x0], $0xffff;
	v22 =	vor.u32 v22, v21  }
0xea: {  	v2 =	vadd.f32 v43, v2;
	v5 =	vor.u32 v5, v21  }
0xeb: {  	v1 =	vmov v48;
	v7 =	vadd.f32 v3, v7;
	v37 =	vadd.f32 v4, v37;
	v4 =	vld.idx.msk [tilespmem:v40+s14+$0x0], $0xffff  }
0xec: {  	v9 =	vadd.f32 v41, v9;
	v3 =	vor.u32 v47, v21;
	v47 =	vmul.f32 v43, v43;
	v48 =	vld.idx.msk [tilespmem:v6+s14+$0x0], $0xffff  }
0xed: {  	v17 =	vadd.f32 v42, v17;
	v21 =	vor.u32 v49, v21;
	v43 =	vmul.f32 v41, v41;
	v49 =	vld.idx.msk [tilespmem:v8+s14+$0x0], $0xffff  }
0xee: {  	v41 =	vmul.f32 v42, v42;
	v42 =	vmul.f32 v46, v46;
	v45 =	vadd.f32 v47, v45;
	v47 =	vld.idx.msk [tilespmem:v22+s14+$0x0], $0xffff  }
0xef: {  	v0 =	vadd.f32 v43, v0;
	v43 =	vld.idx.msk [tilespmem:v5+s14+$0x0], $0xffff  }
0xf0: {  	v37 =	vadd.f32 v41, v37;
	v41 =	vmul.f32 v4, v4;
	v42 =	vadd.f32 v42, v44;
	v44 =	vld.idx.msk [tilespmem:v38+s14+$0x0], $0xffff  }
0xf1: {  	v7 =	vadd.f32 v46, v7;
	v2 =	vadd.f32 v4, v2;
	v46 =	vld.idx.msk [tilespmem:v3+s14+$0x0], $0xffff;
	v4 =	vmul.f32 v48, v48  }
0xf2: {  	v41 =	vadd.f32 v41, v45;
	v9 =	vadd.f32 v48, v9;
	v45 =	vmul.f32 v49, v49;
	v48 =	vld.idx.msk [tilespmem:v21+s14+$0x0], $0xffff  }
0xf3: {  	v0 =	vadd.f32 v4, v0;
	v4 =	vadd.f32 v49, v17;
	v17 =	vmul.f32 v47, v47  }
0xf4: {  	v37 =	vadd.f32 v45, v37;
	v7 =	vadd.f32 v47, v7;
	v49 =	vmul.f32 v43, v43  }
0xf5: {  	v2 =	vadd.f32 v43, v2;
	v17 =	vadd.f32 v17, v42  }
0xf6: {  	v41 =	vadd.f32 v49, v41;
	v4 =	vadd.f32 v44, v4;
	v45 =	vmul.f32 v46, v46  }
0xf7: {  	v9 =	vadd.f32 v46, v9;
	v7 =	vadd.f32 v48, v7  }
0xf8: {  	v46 =	vmul.f32 v44, v44;
	v47 =	vmul.f32 v48, v48;
	v0 =	vadd.f32 v45, v0  }
0xf9: {  	v2 =	vadd.f32 v9, v2;
	v4 =	vadd.f32 v7, v4  }
0xfa: {  	v44 =	vadd.f32 v46, v37;
	v9 =	vadd.f32 v47, v17  }
0xfb: {  	v2 =	vadd.f32 v4, v2  }
0xfc: {  	v0 =	vadd.f32 v0, v41;
	v45 =	vadd.f32 v9, v44;
	_ =	sdelay $0x1  }
0xfd: {  	v4 =	vadd.f32 v45, v0;
	v0 =	vmul.f32 $1.562500000e-02, v2;
	_ =	sdelay $0x1  }
0xfe: {  	v46 =	vmul.f32 $1.562500000e-02, v4;
	v47 =	vmul.f32 v0, v0;
	_ =	sdelay $0x1  }
0xff: {  	v2 =	vsub.f32 v46, v47;
	_ =	sdelay $0x1  }
0x100: {  	v2 =	vmax.f32 v2, $0.0e+00  }
0x101: {  	v2 =	vadd.f32 $9.999999740e-06, v2;
	_ =	sdelay $0x1  }
0x102: {  	v49 =	vshra.s32 v2, $0x1;
	v2 =	vmul.f32 $5.000000000e-01, v2  }
0x103: {  	v4 =	vsub.s32 $0x5F3759DF, v49  }
0x104: {  	v48 =	vmov v1;
	v1 =	vmul.f32 v4, v2;
	_ =	sdelay $0x1  }
0x105: {  	v7 =	vmul.f32 v4, v1;
	_ =	sdelay $0x1  }
0x106: {  	v7 =	vsub.f32 $1.500000000e+00, v7;
	_ =	sdelay $0x1  }
0x107: {  	v4 =	vmul.f32 v4, v7;
	_ =	sdelay $0x1  }
0x108: {  	v7 =	vmul.f32 v4, v2;
	_ =	sdelay $0x1  }
0x109: {  	v7 =	vmul.f32 v7, v4;
	_ =	sdelay $0x1  }
0x10a: {  	v7 =	vsub.f32 $1.500000000e+00, v7;
	_ =	sdelay $0x1  }
0x10b: {  	v4 =	vmul.f32 v7, v4;
	_ =	sdelay $0x1  }
0x10c: {  	v7 =	vmul.f32 v4, v2;
	_ =	sdelay $0x1  }
0x10d: {  	v7 =	vmul.f32 v7, v4;
	_ =	sdelay $0x1  }
0x10e: {  	v7 =	vsub.f32 $1.500000000e+00, v7;
	_ =	sdelay $0x1  }
0x10f: {  	v4 =	vmul.f32 v7, v4;
	_ =	sdelay $0x1  }
0x110: {  	v2 =	vmul.f32 v4, v2;
	_ =	sdelay $0x1  }
0x111: {  	v41 =	vld [tilespmem:$0x1F9C0];
	v2 =	vmul.f32 v2, v4  }
0x112: {  	v42 =	vld [tilespmem:$0x1F9D0]  }
0x113: {  	v2 =	vsub.f32 $1.500000000e+00, v2;
	_ =	sdelay $0x1  }
0x114: {  	v7 =	vsub.f32 v61, v0;
	v17 =	vmul.f32 v2, v4;
	_ =	sdelay $0x1  }
0x115: {  	v2 =	vmul.f32 v17, v7;
	_ =	sdelay $0x1  }
0x116: {  	[tilespmem:v41+s14+$0x0] =	vst.idx.msk $0xffff, v2  }
0x117: {  	v2 =	vld.idx.msk [tilespmem:v42+s14+$0x0], $0xffff;
	_ =	sdelay $0x1  }
0x118: {  	v43 =	vld [tilespmem:$0x1F9E0];
	_ =	sdelay $0x2  }
0x119: {  	v2 =	vsub.f32 v2, v0;
	_ =	sdelay $0x1  }
0x11a: {  	v2 =	vmul.f32 v17, v2;
	_ =	sdelay $0x1  }
0x11b: {  	[tilespmem:v42+s14+$0x0] =	vst.idx.msk $0xffff, v2  }
0x11c: {  	v2 =	vld.idx.msk [tilespmem:v43+s14+$0x0], $0xffff;
	_ =	sdelay $0x1  }
0x11d: {  	v44 =	vld [tilespmem:$0x1F9F0];
	_ =	sdelay $0x2  }
0x11e: {  	v2 =	vsub.f32 v2, v0;
	_ =	sdelay $0x1  }
0x11f: {  	v2 =	vmul.f32 v17, v2;
	_ =	sdelay $0x1  }
0x120: {  	[tilespmem:v43+s14+$0x0] =	vst.idx.msk $0xffff, v2  }
0x121: {  	v2 =	vld.idx.msk [tilespmem:v44+s14+$0x0], $0xffff;
	_ =	sdelay $0x1  }
0x122: {  	v45 =	vld [tilespmem:$0x1FA00];
	_ =	sdelay $0x2  }
0x123: {  	v2 =	vsub.f32 v2, v0;
	_ =	sdelay $0x1  }
0x124: {  	v2 =	vmul.f32 v17, v2;
	_ =	sdelay $0x1  }
0x125: {  	[tilespmem:v44+s14+$0x0] =	vst.idx.msk $0xffff, v2  }
0x126: {  	v2 =	vld.idx.msk [tilespmem:v45+s14+$0x0], $0xffff;
	_ =	sdelay $0x1  }
0x127: {  	v46 =	vld [tilespmem:$0x1FA10];
	_ =	sdelay $0x2  }
0x128: {  	v2 =	vsub.f32 v2, v0;
	_ =	sdelay $0x1  }
0x129: {  	v2 =	vmul.f32 v17, v2;
	_ =	sdelay $0x1  }
0x12a: {  	[tilespmem:v45+s14+$0x0] =	vst.idx.msk $0xffff, v2  }
0x12b: {  	v2 =	vld.idx.msk [tilespmem:v46+s14+$0x0], $0xffff;
	_ =	sdelay $0x1  }
0x12c: {  	v47 =	vld [tilespmem:$0x1FA20];
	_ =	sdelay $0x2  }
0x12d: {  	v2 =	vsub.f32 v2, v0;
	_ =	sdelay $0x1  }
0x12e: {  	v2 =	vmul.f32 v17, v2;
	_ =	sdelay $0x1  }
0x12f: {  	[tilespmem:v46+s14+$0x0] =	vst.idx.msk $0xffff, v2  }
0x130: {  	v2 =	vld.idx.msk [tilespmem:v47+s14+$0x0], $0xffff;
	_ =	sdelay $0x1  }
0x131: {  	v49 =	vld [tilespmem:$0x1FA30];
	_ =	sdelay $0x2  }
0x132: {  	v2 =	vsub.f32 v2, v0;
	_ =	sdelay $0x1  }
0x133: {  	v2 =	vmul.f32 v17, v2;
	_ =	sdelay $0x1  }
0x134: {  	[tilespmem:v47+s14+$0x0] =	vst.idx.msk $0xffff, v2  }
0x135: {  	v2 =	vld.idx.msk [tilespmem:v49+s14+$0x0], $0xffff;
	_ =	sdelay $0x1  }
0x136: {  	v61 =	vld [tilespmem:$0x1FA40];
	_ =	sdelay $0x2  }
0x137: {  	v2 =	vsub.f32 v2, v0;
	_ =	sdelay $0x1  }
0x138: {  	v2 =	vmul.f32 v17, v2;
	_ =	sdelay $0x1  }
0x139: {  	[tilespmem:v49+s14+$0x0] =	vst.idx.msk $0xffff, v2  }
0x13a: {  	v2 =	vld.idx.msk [tilespmem:v61+s14+$0x0], $0xffff;
	_ =	sdelay $0x1  }
0x13b: {  	v4 =	vld [tilespmem:$0x1FA50];
	_ =	sdelay $0x2  }
0x13c: {  	v2 =	vsub.f32 v2, v0;
	_ =	sdelay $0x1  }
0x13d: {  	v2 =	vmul.f32 v17, v2;
	_ =	sdelay $0x1  }
0x13e: {  	[tilespmem:v61+s14+$0x0] =	vst.idx.msk $0xffff, v2  }
0x13f: {  	v2 =	vld.idx.msk [tilespmem:v4+s14+$0x0], $0xffff;
	_ =	sdelay $0x1  }
0x140: {  	v7 =	vld [tilespmem:$0x1FA60];
	_ =	sdelay $0x2  }
0x141: {  	v2 =	vsub.f32 v2, v0;
	_ =	sdelay $0x1  }
0x142: {  	v2 =	vmul.f32 v17, v2;
	_ =	sdelay $0x1  }
0x143: {  	[tilespmem:v4+s14+$0x0] =	vst.idx.msk $0xffff, v2  }
0x144: {  	v2 =	vld.idx.msk [tilespmem:v7+s14+$0x0], $0xffff;
	_ =	sdelay $0x1  }
0x145: {  	v41 =	vld [tilespmem:$0x1FA70];
	_ =	sdelay $0x2  }
0x146: {  	v2 =	vsub.f32 v2, v0;
	_ =	sdelay $0x1  }
0x147: {  	v2 =	vmul.f32 v17, v2;
	_ =	sdelay $0x1  }
0x148: {  	[tilespmem:v7+s14+$0x0] =	vst.idx.msk $0xffff, v2  }
0x149: {  	v2 =	vld.idx.msk [tilespmem:v41+s14+$0x0], $0xffff;
	_ =	sdelay $0x1  }
0x14a: {  	v42 =	vld [tilespmem:$0x1FA80];
	_ =	sdelay $0x2  }
0x14b: {  	v2 =	vsub.f32 v2, v0;
	_ =	sdelay $0x1  }
0x14c: {  	v2 =	vmul.f32 v17, v2;
	_ =	sdelay $0x1  }
0x14d: {  	[tilespmem:v41+s14+$0x0] =	vst.idx.msk $0xffff, v2  }
0x14e: {  	v2 =	vld.idx.msk [tilespmem:v42+s14+$0x0], $0xffff;
	_ =	sdelay $0x1  }
0x14f: {  	v43 =	vld [tilespmem:$0x1FA90];
	_ =	sdelay $0x2  }
0x150: {  	v2 =	vsub.f32 v2, v0;
	_ =	sdelay $0x1  }
0x151: {  	v2 =	vmul.f32 v17, v2;
	_ =	sdelay $0x1  }
0x152: {  	[tilespmem:v42+s14+$0x0] =	vst.idx.msk $0xffff, v2  }
0x153: {  	v2 =	vld.idx.msk [tilespmem:v43+s14+$0x0], $0xffff;
	_ =	sdelay $0x1  }
0x154: {  	v44 =	vld [tilespmem:$0x1FAA0];
	_ =	sdelay $0x2  }
0x155: {  	v2 =	vsub.f32 v2, v0;
	_ =	sdelay $0x1  }
0x156: {  	v2 =	vmul.f32 v17, v2;
	_ =	sdelay $0x1  }
0x157: {  	[tilespmem:v43+s14+$0x0] =	vst.idx.msk $0xffff, v2  }
0x158: {  	v2 =	vld.idx.msk [tilespmem:v44+s14+$0x0], $0xffff;
	_ =	sdelay $0x1  }
0x159: {  	v45 =	vld [tilespmem:$0x1FAB0];
	_ =	sdelay $0x2  }
0x15a: {  	v2 =	vsub.f32 v2, v0;
	_ =	sdelay $0x1  }
0x15b: {  	v2 =	vmul.f32 v2, v17;
	_ =	sdelay $0x1  }
0x15c: {  	[tilespmem:v44+s14+$0x0] =	vst.idx.msk $0xffff, v2  }
0x15d: {  	v2 =	vld.idx.msk [tilespmem:v45+s14+$0x0], $0xffff;
	_ =	sdelay $0x1  }
0x15e: {  	v46 =	vld [tilespmem:$0x1FAC0];
	_ =	sdelay $0x2  }
0x15f: {  	v2 =	vsub.f32 v2, v0;
	_ =	sdelay $0x1  }
0x160: {  	v2 =	vmul.f32 v2, v17;
	_ =	sdelay $0x1  }
0x161: {  	[tilespmem:v45+s14+$0x0] =	vst.idx.msk $0xffff, v2  }
0x162: {  	v2 =	vld.idx.msk [tilespmem:v46+s14+$0x0], $0xffff;
	_ =	sdelay $0x1  }
0x163: {  	v47 =	vld [tilespmem:$0x1FAD0];
	_ =	sdelay $0x2  }
0x164: {  	v2 =	vsub.f32 v2, v0;
	_ =	sdelay $0x1  }
0x165: {  	v2 =	vmul.f32 v2, v17;
	_ =	sdelay $0x1  }
0x166: {  	[tilespmem:v46+s14+$0x0] =	vst.idx.msk $0xffff, v2  }
0x167: {  	v2 =	vld.idx.msk [tilespmem:v47+s14+$0x0], $0xffff;
	_ =	sdelay $0x1  }
0x168: {  	v49 =	vld [tilespmem:$0x1FAE0];
	_ =	sdelay $0x2  }
0x169: {  	v2 =	vsub.f32 v2, v0;
	_ =	sdelay $0x1  }
0x16a: {  	v2 =	vmul.f32 v2, v17;
	_ =	sdelay $0x1  }
0x16b: {  	[tilespmem:v47+s14+$0x0] =	vst.idx.msk $0xffff, v2  }
0x16c: {  	v2 =	vld.idx.msk [tilespmem:v49+s14+$0x0], $0xffff;
	_ =	sdelay $0x1  }
0x16d: {  	v61 =	vld [tilespmem:$0x1FAF0];
	_ =	sdelay $0x2  }
0x16e: {  	v2 =	vsub.f32 v2, v0;
	_ =	sdelay $0x1  }
0x16f: {  	v2 =	vmul.f32 v2, v17;
	_ =	sdelay $0x1  }
0x170: {  	[tilespmem:v49+s14+$0x0] =	vst.idx.msk $0xffff, v2  }
0x171: {  	v2 =	vld.idx.msk [tilespmem:v61+s14+$0x0], $0xffff;
	_ =	sdelay $0x1  }
0x172: {  	v4 =	vld [tilespmem:$0x1FB00];
	_ =	sdelay $0x2  }
0x173: {  	v2 =	vsub.f32 v2, v0;
	_ =	sdelay $0x1  }
0x174: {  	v2 =	vmul.f32 v2, v17;
	_ =	sdelay $0x1  }
0x175: {  	[tilespmem:v61+s14+$0x0] =	vst.idx.msk $0xffff, v2  }
0x176: {  	v2 =	vld.idx.msk [tilespmem:v4+s14+$0x0], $0xffff;
	_ =	sdelay $0x1  }
0x177: {  	v7 =	vld [tilespmem:$0x1FB10];
	_ =	sdelay $0x2  }
0x178: {  	v2 =	vsub.f32 v2, v0;
	_ =	sdelay $0x1  }
0x179: {  	v2 =	vmul.f32 v2, v17;
	_ =	sdelay $0x1  }
0x17a: {  	[tilespmem:v4+s14+$0x0] =	vst.idx.msk $0xffff, v2  }
0x17b: {  	v2 =	vld.idx.msk [tilespmem:v7+s14+$0x0], $0xffff;
	_ =	sdelay $0x1  }
0x17c: {  	v41 =	vld [tilespmem:$0x1FB20];
	_ =	sdelay $0x2  }
0x17d: {  	v2 =	vsub.f32 v2, v0;
	_ =	sdelay $0x1  }
0x17e: {  	v2 =	vmul.f32 v2, v17;
	_ =	sdelay $0x1  }
0x17f: {  	[tilespmem:v7+s14+$0x0] =	vst.idx.msk $0xffff, v2  }
0x180: {  	v2 =	vld.idx.msk [tilespmem:v41+s14+$0x0], $0xffff;
	_ =	sdelay $0x1  }
0x181: {  	v42 =	vld [tilespmem:$0x1FB30];
	_ =	sdelay $0x2  }
0x182: {  	v2 =	vsub.f32 v2, v0;
	_ =	sdelay $0x1  }
0x183: {  	v2 =	vmul.f32 v2, v17;
	_ =	sdelay $0x1  }
0x184: {  	[tilespmem:v41+s14+$0x0] =	vst.idx.msk $0xffff, v2  }
0x185: {  	v2 =	vld.idx.msk [tilespmem:v42+s14+$0x0], $0xffff;
	_ =	sdelay $0x1  }
0x186: {  	v43 =	vld [tilespmem:$0x1FB40];
	_ =	sdelay $0x2  }
0x187: {  	v2 =	vsub.f32 v2, v0;
	_ =	sdelay $0x1  }
0x188: {  	v2 =	vmul.f32 v2, v17;
	_ =	sdelay $0x1  }
0x189: {  	[tilespmem:v42+s14+$0x0] =	vst.idx.msk $0xffff, v2  }
0x18a: {  	v2 =	vld.idx.msk [tilespmem:v43+s14+$0x0], $0xffff;
	_ =	sdelay $0x1  }
0x18b: {  	v44 =	vld [tilespmem:$0x1FB50];
	_ =	sdelay $0x2  }
0x18c: {  	v2 =	vsub.f32 v2, v0;
	_ =	sdelay $0x1  }
0x18d: {  	v2 =	vmul.f32 v2, v17;
	_ =	sdelay $0x1  }
0x18e: {  	[tilespmem:v43+s14+$0x0] =	vst.idx.msk $0xffff, v2  }
0x18f: {  	v2 =	vld.idx.msk [tilespmem:v44+s14+$0x0], $0xffff;
	_ =	sdelay $0x1  }
0x190: {  	v45 =	vld [tilespmem:$0x1FB60];
	_ =	sdelay $0x2  }
0x191: {  	v2 =	vsub.f32 v2, v0;
	_ =	sdelay $0x1  }
0x192: {  	v2 =	vmul.f32 v2, v17;
	_ =	sdelay $0x1  }
0x193: {  	[tilespmem:v44+s14+$0x0] =	vst.idx.msk $0xffff, v2  }
0x194: {  	v2 =	vld.idx.msk [tilespmem:v45+s14+$0x0], $0xffff;
	_ =	sdelay $0x1  }
0x195: {  	v46 =	vld [tilespmem:$0x1FB70];
	_ =	sdelay $0x2  }
0x196: {  	v2 =	vsub.f32 v2, v0;
	_ =	sdelay $0x1  }
0x197: {  	v2 =	vmul.f32 v2, v17;
	_ =	sdelay $0x1  }
0x198: {  	[tilespmem:v45+s14+$0x0] =	vst.idx.msk $0xffff, v2  }
0x199: {  	v2 =	vld.idx.msk [tilespmem:v46+s14+$0x0], $0xffff;
	_ =	sdelay $0x1  }
0x19a: {  	v47 =	vld [tilespmem:$0x1FB80];
	_ =	sdelay $0x2  }
0x19b: {  	v2 =	vsub.f32 v2, v0;
	_ =	sdelay $0x1  }
0x19c: {  	v2 =	vmul.f32 v2, v17;
	_ =	sdelay $0x1  }
0x19d: {  	[tilespmem:v46+s14+$0x0] =	vst.idx.msk $0xffff, v2  }
0x19e: {  	v2 =	vld.idx.msk [tilespmem:v47+s14+$0x0], $0xffff;
	_ =	sdelay $0x1  }
0x19f: {  	v49 =	vld [tilespmem:$0x1FB90];
	_ =	sdelay $0x2  }
0x1a0: {  	v2 =	vsub.f32 v2, v0;
	_ =	sdelay $0x1  }
0x1a1: {  	v2 =	vmul.f32 v2, v17;
	_ =	sdelay $0x1  }
0x1a2: {  	[tilespmem:v47+s14+$0x0] =	vst.idx.msk $0xffff, v2  }
0x1a3: {  	v2 =	vld.idx.msk [tilespmem:v49+s14+$0x0], $0xffff;
	_ =	sdelay $0x4  }
0x1a4: {  	v2 =	vsub.f32 v2, v0;
	_ =	sdelay $0x1  }
0x1a5: {  	v2 =	vmul.f32 v2, v17;
	_ =	sdelay $0x1  }
0x1a6: {  	[tilespmem:v49+s14+$0x0] =	vst.idx.msk $0xffff, v2  }
0x1a7: {  	v2 =	vld.idx.msk [tilespmem:v56+s14+$0x0], $0xffff;
	_ =	sdelay $0x4  }
0x1a8: {  	v2 =	vsub.f32 v2, v0;
	_ =	sdelay $0x1  }
0x1a9: {  	v2 =	vmul.f32 v2, v17;
	_ =	sdelay $0x1  }
0x1aa: {  	[tilespmem:v56+s14+$0x0] =	vst.idx.msk $0xffff, v2  }
0x1ab: {  	v2 =	vld.idx.msk [tilespmem:v54+s14+$0x0], $0xffff;
	_ =	sdelay $0x4  }
0x1ac: {  	v2 =	vsub.f32 v2, v0;
	_ =	sdelay $0x1  }
0x1ad: {  	v2 =	vmul.f32 v2, v17;
	_ =	sdelay $0x1  }
0x1ae: {  	[tilespmem:v54+s14+$0x0] =	vst.idx.msk $0xffff, v2  }
0x1af: {  	v2 =	vld.idx.msk [tilespmem:v55+s14+$0x0], $0xffff;
	_ =	sdelay $0x4  }
0x1b0: {  	v2 =	vsub.f32 v2, v0;
	_ =	sdelay $0x1  }
0x1b1: {  	v2 =	vmul.f32 v2, v17;
	_ =	sdelay $0x1  }
0x1b2: {  	[tilespmem:v55+s14+$0x0] =	vst.idx.msk $0xffff, v2  }
0x1b3: {  	v2 =	vld.idx.msk [tilespmem:v57+s14+$0x0], $0xffff;
	_ =	sdelay $0x4  }
0x1b4: {  	v2 =	vsub.f32 v2, v0;
	_ =	sdelay $0x1  }
0x1b5: {  	v2 =	vmul.f32 v2, v17;
	_ =	sdelay $0x1  }
0x1b6: {  	[tilespmem:v57+s14+$0x0] =	vst.idx.msk $0xffff, v2  }
0x1b7: {  	v2 =	vld.idx.msk [tilespmem:v59+s14+$0x0], $0xffff;
	_ =	sdelay $0x4  }
0x1b8: {  	v2 =	vsub.f32 v2, v0;
	_ =	sdelay $0x1  }
0x1b9: {  	v2 =	vmul.f32 v2, v17;
	_ =	sdelay $0x1  }
0x1ba: {  	[tilespmem:v59+s14+$0x0] =	vst.idx.msk $0xffff, v2  }
0x1bb: {  	v2 =	vld.idx.msk [tilespmem:v60+s14+$0x0], $0xffff;
	_ =	sdelay $0x4  }
0x1bc: {  	v2 =	vsub.f32 v2, v0;
	_ =	sdelay $0x1  }
0x1bd: {  	v2 =	vmul.f32 v2, v17;
	_ =	sdelay $0x1  }
0x1be: {  	[tilespmem:v60+s14+$0x0] =	vst.idx.msk $0xffff, v2  }
0x1bf: {  	v2 =	vld.idx.msk [tilespmem:v34+s14+$0x0], $0xffff;
	_ =	sdelay $0x4  }
0x1c0: {  	v2 =	vsub.f32 v2, v0;
	_ =	sdelay $0x1  }
0x1c1: {  	v2 =	vmul.f32 v2, v17;
	_ =	sdelay $0x1  }
0x1c2: {  	[tilespmem:v34+s14+$0x0] =	vst.idx.msk $0xffff, v2  }
0x1c3: {  	v2 =	vld.idx.msk [tilespmem:v35+s14+$0x0], $0xffff;
	_ =	sdelay $0x4  }
0x1c4: {  	v2 =	vsub.f32 v2, v0;
	_ =	sdelay $0x1  }
0x1c5: {  	v2 =	vmul.f32 v2, v17;
	_ =	sdelay $0x1  }
0x1c6: {  	[tilespmem:v35+s14+$0x0] =	vst.idx.msk $0xffff, v2  }
0x1c7: {  	v2 =	vld.idx.msk [tilespmem:v51+s14+$0x0], $0xffff;
	_ =	sdelay $0x4  }
0x1c8: {  	v2 =	vsub.f32 v2, v0;
	_ =	sdelay $0x1  }
0x1c9: {  	v2 =	vmul.f32 v2, v17;
	_ =	sdelay $0x1  }
0x1ca: {  	[tilespmem:v51+s14+$0x0] =	vst.idx.msk $0xffff, v2  }
0x1cb: {  	v2 =	vld.idx.msk [tilespmem:v52+s14+$0x0], $0xffff;
	_ =	sdelay $0x4  }
0x1cc: {  	v2 =	vsub.f32 v2, v0;
	_ =	sdelay $0x1  }
0x1cd: {  	v2 =	vmul.f32 v2, v17;
	_ =	sdelay $0x1  }
0x1ce: {  	[tilespmem:v52+s14+$0x0] =	vst.idx.msk $0xffff, v2  }
0x1cf: {  	v2 =	vld.idx.msk [tilespmem:v62+s14+$0x0], $0xffff;
	_ =	sdelay $0x4  }
0x1d0: {  	v2 =	vsub.f32 v2, v0;
	_ =	sdelay $0x1  }
0x1d1: {  	v2 =	vmul.f32 v2, v17;
	_ =	sdelay $0x1  }
0x1d2: {  	[tilespmem:v62+s14+$0x0] =	vst.idx.msk $0xffff, v2  }
0x1d3: {  	v2 =	vld.idx.msk [tilespmem:v63+s14+$0x0], $0xffff;
	_ =	sdelay $0x4  }
0x1d4: {  	v2 =	vsub.f32 v2, v0;
	_ =	sdelay $0x1  }
0x1d5: {  	v2 =	vmul.f32 v2, v17;
	_ =	sdelay $0x1  }
0x1d6: {  	[tilespmem:v63+s14+$0x0] =	vst.idx.msk $0xffff, v2  }
0x1d7: {  	v2 =	vld.idx.msk [tilespmem:v30+s14+$0x0], $0xffff;
	_ =	sdelay $0x4  }
0x1d8: {  	v2 =	vsub.f32 v2, v0;
	_ =	sdelay $0x1  }
0x1d9: {  	v2 =	vmul.f32 v2, v17;
	_ =	sdelay $0x1  }
0x1da: {  	[tilespmem:v30+s14+$0x0] =	vst.idx.msk $0xffff, v2  }
0x1db: {  	v2 =	vld.idx.msk [tilespmem:v31+s14+$0x0], $0xffff;
	_ =	sdelay $0x4  }
0x1dc: {  	v2 =	vsub.f32 v2, v0;
	_ =	sdelay $0x1  }
0x1dd: {  	v2 =	vmul.f32 v2, v17;
	_ =	sdelay $0x1  }
0x1de: {  	[tilespmem:v31+s14+$0x0] =	vst.idx.msk $0xffff, v2  }
0x1df: {  	v2 =	vld.idx.msk [tilespmem:v32+s14+$0x0], $0xffff;
	_ =	sdelay $0x4  }
0x1e0: {  	v2 =	vsub.f32 v2, v0;
	_ =	sdelay $0x1  }
0x1e1: {  	v2 =	vmul.f32 v2, v17;
	_ =	sdelay $0x1  }
0x1e2: {  	[tilespmem:v32+s14+$0x0] =	vst.idx.msk $0xffff, v2  }
0x1e3: {  	v2 =	vld.idx.msk [tilespmem:v29+s14+$0x0], $0xffff;
	_ =	sdelay $0x4  }
0x1e4: {  	v2 =	vsub.f32 v2, v0;
	_ =	sdelay $0x1  }
0x1e5: {  	v2 =	vmul.f32 v2, v17;
	_ =	sdelay $0x1  }
0x1e6: {  	[tilespmem:v29+s14+$0x0] =	vst.idx.msk $0xffff, v2  }
0x1e7: {  	v2 =	vld.idx.msk [tilespmem:v28+s14+$0x0], $0xffff;
	_ =	sdelay $0x4  }
0x1e8: {  	v2 =	vsub.f32 v2, v0;
	_ =	sdelay $0x1  }
0x1e9: {  	v2 =	vmul.f32 v2, v17;
	_ =	sdelay $0x1  }
0x1ea: {  	[tilespmem:v28+s14+$0x0] =	vst.idx.msk $0xffff, v2  }
0x1eb: {  	v2 =	vld.idx.msk [tilespmem:v27+s14+$0x0], $0xffff;
	_ =	sdelay $0x4  }
0x1ec: {  	v2 =	vsub.f32 v2, v0;
	_ =	sdelay $0x1  }
0x1ed: {  	v2 =	vmul.f32 v2, v17;
	_ =	sdelay $0x1  }
0x1ee: {  	[tilespmem:v27+s14+$0x0] =	vst.idx.msk $0xffff, v2  }
0x1ef: {  	v2 =	vld.idx.msk [tilespmem:v58+s14+$0x0], $0xffff;
	_ =	sdelay $0x4  }
0x1f0: {  	v2 =	vsub.f32 v2, v0;
	_ =	sdelay $0x1  }
0x1f1: {  	v2 =	vmul.f32 v2, v17;
	_ =	sdelay $0x1  }
0x1f2: {  	[tilespmem:v58+s14+$0x0] =	vst.idx.msk $0xffff, v2  }
0x1f3: {  	v2 =	vld.idx.msk [tilespmem:v26+s14+$0x0], $0xffff;
	_ =	sdelay $0x4  }
0x1f4: {  	v2 =	vsub.f32 v2, v0;
	_ =	sdelay $0x1  }
0x1f5: {  	v2 =	vmul.f32 v2, v17;
	_ =	sdelay $0x1  }
0x1f6: {  	[tilespmem:v26+s14+$0x0] =	vst.idx.msk $0xffff, v2  }
0x1f7: {  	v2 =	vld.idx.msk [tilespmem:v25+s14+$0x0], $0xffff;
	_ =	sdelay $0x4  }
0x1f8: {  	v2 =	vsub.f32 v2, v0;
	_ =	sdelay $0x1  }
0x1f9: {  	v2 =	vmul.f32 v2, v17;
	_ =	sdelay $0x1  }
0x1fa: {  	[tilespmem:v25+s14+$0x0] =	vst.idx.msk $0xffff, v2  }
0x1fb: {  	v2 =	vld.idx.msk [tilespmem:v24+s14+$0x0], $0xffff;
	_ =	sdelay $0x4  }
0x1fc: {  	v2 =	vsub.f32 v2, v0;
	_ =	sdelay $0x1  }
0x1fd: {  	v2 =	vmul.f32 v2, v17;
	_ =	sdelay $0x1  }
0x1fe: {  	[tilespmem:v24+s14+$0x0] =	vst.idx.msk $0xffff, v2  }
0x1ff: {  	v2 =	vld.idx.msk [tilespmem:v23+s14+$0x0], $0xffff;
	_ =	sdelay $0x4  }
0x200: {  	v2 =	vsub.f32 v2, v0;
	_ =	sdelay $0x1  }
0x201: {  	v2 =	vmul.f32 v2, v17;
	_ =	sdelay $0x1  }
0x202: {  	[tilespmem:v23+s14+$0x0] =	vst.idx.msk $0xffff, v2  }
0x203: {  	v1 =	vld.idx.msk [tilespmem:v36+s14+$0x0], $0xffff;
	_ =	sdelay $0x4  }
0x204: {  	v1 =	vsub.f32 v1, v0;
	_ =	sdelay $0x1  }
0x205: {  	v1 =	vmul.f32 v1, v17;
	_ =	sdelay $0x1  }
0x206: {  	[tilespmem:v36+s14+$0x0] =	vst.idx.msk $0xffff, v1  }
0x207: {  	v1 =	vld.idx.msk [tilespmem:v53+s14+$0x0], $0xffff;
	_ =	sdelay $0x4  }
0x208: {  	v1 =	vsub.f32 v1, v0;
	_ =	sdelay $0x1  }
0x209: {  	v1 =	vmul.f32 v1, v17;
	_ =	sdelay $0x1  }
0x20a: {  	[tilespmem:v53+s14+$0x0] =	vst.idx.msk $0xffff, v1  }
0x20b: {  	v1 =	vld.idx.msk [tilespmem:v39+s14+$0x0], $0xffff;
	_ =	sdelay $0x4  }
0x20c: {  	v1 =	vsub.f32 v1, v0;
	_ =	sdelay $0x1  }
0x20d: {  	v1 =	vmul.f32 v1, v17;
	_ =	sdelay $0x1  }
0x20e: {  	[tilespmem:v39+s14+$0x0] =	vst.idx.msk $0xffff, v1  }
0x20f: {  	v1 =	vld.idx.msk [tilespmem:v40+s14+$0x0], $0xffff;
	_ =	sdelay $0x4  }
0x210: {  	v1 =	vsub.f32 v1, v0;
	_ =	sdelay $0x1  }
0x211: {  	v1 =	vmul.f32 v1, v17;
	_ =	sdelay $0x1  }
0x212: {  	[tilespmem:v40+s14+$0x0] =	vst.idx.msk $0xffff, v1  }
0x213: {  	v1 =	vld.idx.msk [tilespmem:v6+s14+$0x0], $0xffff;
	_ =	sdelay $0x4  }
0x214: {  	v1 =	vsub.f32 v1, v0;
	_ =	sdelay $0x1  }
0x215: {  	v1 =	vmul.f32 v1, v17;
	_ =	sdelay $0x1  }
0x216: {  	[tilespmem:v6+s14+$0x0] =	vst.idx.msk $0xffff, v1  }
0x217: {  	v1 =	vld.idx.msk [tilespmem:v8+s14+$0x0], $0xffff;
	_ =	sdelay $0x4  }
0x218: {  	v1 =	vsub.f32 v1, v0;
	_ =	sdelay $0x1  }
0x219: {  	v1 =	vmul.f32 v1, v17;
	_ =	sdelay $0x1  }
0x21a: {  	[tilespmem:v8+s14+$0x0] =	vst.idx.msk $0xffff, v1  }
0x21b: {  	v1 =	vld.idx.msk [tilespmem:v22+s14+$0x0], $0xffff;
	_ =	sdelay $0x4  }
0x21c: {  	v1 =	vsub.f32 v1, v0;
	_ =	sdelay $0x1  }
0x21d: {  	v1 =	vmul.f32 v1, v17;
	_ =	sdelay $0x1  }
0x21e: {  	[tilespmem:v22+s14+$0x0] =	vst.idx.msk $0xffff, v1  }
0x21f: {  	v1 =	vld.idx.msk [tilespmem:v5+s14+$0x0], $0xffff;
	_ =	sdelay $0x4  }
0x220: {  	v1 =	vsub.f32 v1, v0;
	_ =	sdelay $0x1  }
0x221: {  	v1 =	vmul.f32 v1, v17;
	_ =	sdelay $0x1  }
0x222: {  	[tilespmem:v5+s14+$0x0] =	vst.idx.msk $0xffff, v1  }
0x223: {  	v1 =	vld.idx.msk [tilespmem:v3+s14+$0x0], $0xffff;
	_ =	sdelay $0x4  }
0x224: {  	v1 =	vsub.f32 v1, v0;
	_ =	sdelay $0x1  }
0x225: {  	v1 =	vmul.f32 v1, v17;
	_ =	sdelay $0x1  }
0x226: {  	[tilespmem:v3+s14+$0x0] =	vst.idx.msk $0xffff, v1  }
0x227: {  	v1 =	vld.idx.msk [tilespmem:v38+s14+$0x0], $0xffff;
	_ =	sdelay $0x4  }
0x228: {  	v1 =	vsub.f32 v1, v0;
	_ =	sdelay $0x1  }
0x229: {  	v1 =	vmul.f32 v1, v17;
	_ =	sdelay $0x1  }
0x22a: {  	v61 =	vld [tilespmem:$0x1FBA0];
	[tilespmem:v38+s14+$0x0] =	vst.idx.msk $0xffff, v1  }
0x22b: {  	v1 =	vld.idx.msk [tilespmem:v21+s14+$0x0], $0xffff;
	_ =	sdelay $0x3  }
0x22c: {  	v9 =	vlaneseq.u32  }
0x22d: {  	v4 =	vor.u32 v9, v61;
	v0 =	vsub.f32 v1, v0;
	_ =	sdelay $0x1  }
0x22e: {  	v0 =	vmul.f32 v0, v17;
	_ =	sdelay $0x1  }
0x22f: {  	[tilespmem:v21+s14+$0x0] =	vst.idx.msk $0xffff, v0  }
0x230: {  	v0 =	vld.idx.msk [tilespmem:v4+s14+$0x0], $0xffff;
	_ =	sdelay $0x4  }
0x231: {  	v5 =	vor.u32 v50, v61;
	v0 =	vmul.f32 v0, v12;
	_ =	sdelay $0x1  }
0x232: {  	v0 =	vadd.f32 v0, v16;
	_ =	sdelay $0x1  }
0x233: {  	[tilespmem:v4+s14+$0x0] =	vst.idx.msk $0xffff, v0  }
0x234: {  	v0 =	vld.idx.msk [tilespmem:v5+s14+$0x0], $0xffff;
	_ =	sdelay $0x4  }
0x235: {  	v6 =	vor.u32 v33, v61;
	v0 =	vmul.f32 v0, v13;
	_ =	sdelay $0x1  }
0x236: {  	v0 =	vadd.f32 v0, v18;
	_ =	sdelay $0x1  }
0x237: {  	[tilespmem:v5+s14+$0x0] =	vst.idx.msk $0xffff, v0  }
0x238: {  	v0 =	vld.idx.msk [tilespmem:v6+s14+$0x0], $0xffff;
	_ =	sdelay $0x4  }
0x239: {  	v7 =	vor.u32 v11, v61;
	v0 =	vmul.f32 v0, v14;
	_ =	sdelay $0x1  }
0x23a: {  	v0 =	vadd.f32 v0, v19;
	_ =	sdelay $0x1  }
0x23b: {  	[tilespmem:v6+s14+$0x0] =	vst.idx.msk $0xffff, v0  }
0x23c: {  	v0 =	vld.idx.msk [tilespmem:v7+s14+$0x0], $0xffff;
	_ =	sdelay $0x2  }
0x23d: {  	s23 =	sshll.u32 s22, $0x6  }
0x23e: {  	s24 =	sadd.s32 $0xFFFFFC80, s23  }
0x23f: {  	v57 =	vor.u32 s24, v9;
	v0 =	vmul.f32 v0, v15;
	_ =	sdelay $0x1  }
0x240: {  	v0 =	vadd.f32 v0, v20;
	_ =	sdelay $0x1  }
0x241: {  	[tilespmem:v7+s14+$0x0] =	vst.idx.msk $0xffff, v0  }
0x242: {  	v0 =	vld.idx.msk [tilespmem:v57+s14+$0x0], $0xffff;
	_ =	sdelay $0x4  }
0x243: {  	v59 =	vor.u32 s24, v50;
	v0 =	vmul.f32 v0, v12;
	_ =	sdelay $0x1  }
0x244: {  	v0 =	vadd.f32 v0, v16;
	_ =	sdelay $0x1  }
0x245: {  	[tilespmem:v57+s14+$0x0] =	vst.idx.msk $0xffff, v0  }
0x246: {  	v0 =	vld.idx.msk [tilespmem:v59+s14+$0x0], $0xffff;
	_ =	sdelay $0x4  }
0x247: {  	v60 =	vor.u32 s24, v33;
	v0 =	vmul.f32 v0, v13;
	_ =	sdelay $0x1  }
0x248: {  	v0 =	vadd.f32 v0, v18;
	_ =	sdelay $0x1  }
0x249: {  	[tilespmem:v59+s14+$0x0] =	vst.idx.msk $0xffff, v0  }
0x24a: {  	v0 =	vld.idx.msk [tilespmem:v60+s14+$0x0], $0xffff;
	_ =	sdelay $0x4  }
0x24b: {  	v61 =	vor.u32 s24, v11;
	v0 =	vmul.f32 v0, v14;
	_ =	sdelay $0x1  }
0x24c: {  	v0 =	vadd.f32 v0, v19;
	_ =	sdelay $0x1  }
0x24d: {  	[tilespmem:v60+s14+$0x0] =	vst.idx.msk $0xffff, v0  }
0x24e: {  	v0 =	vld.idx.msk [tilespmem:v61+s14+$0x0], $0xffff;
	_ =	sdelay $0x3  }
0x24f: {  	s31 =	sadd.s32 $0xFFFFFCC0, s23  }
0x250: {  	v4 =	vor.u32 s31, v9;
	v0 =	vmul.f32 v0, v15;
	_ =	sdelay $0x1  }
0x251: {  	v0 =	vadd.f32 v0, v20;
	_ =	sdelay $0x1  }
0x252: {  	[tilespmem:v61+s14+$0x0] =	vst.idx.msk $0xffff, v0  }
0x253: {  	v0 =	vld.idx.msk [tilespmem:v4+s14+$0x0], $0xffff;
	_ =	sdelay $0x4  }
0x254: {  	v5 =	vor.u32 s31, v50;
	v0 =	vmul.f32 v0, v12;
	_ =	sdelay $0x1  }
0x255: {  	v0 =	vadd.f32 v0, v16;
	_ =	sdelay $0x1  }
0x256: {  	[tilespmem:v4+s14+$0x0] =	vst.idx.msk $0xffff, v0  }
0x257: {  	v0 =	vld.idx.msk [tilespmem:v5+s14+$0x0], $0xffff;
	_ =	sdelay $0x4  }
0x258: {  	v6 =	vor.u32 s31, v33;
	v0 =	vmul.f32 v0, v13;
	_ =	sdelay $0x1  }
0x259: {  	v0 =	vadd.f32 v0, v18;
	_ =	sdelay $0x1  }
0x25a: {  	[tilespmem:v5+s14+$0x0] =	vst.idx.msk $0xffff, v0  }
0x25b: {  	v0 =	vld.idx.msk [tilespmem:v6+s14+$0x0], $0xffff;
	_ =	sdelay $0x4  }
0x25c: {  	v7 =	vor.u32 s31, v11;
	v0 =	vmul.f32 v0, v14;
	_ =	sdelay $0x1  }
0x25d: {  	v0 =	vadd.f32 v0, v19;
	_ =	sdelay $0x1  }
0x25e: {  	[tilespmem:v6+s14+$0x0] =	vst.idx.msk $0xffff, v0  }
0x25f: {  	v0 =	vld.idx.msk [tilespmem:v7+s14+$0x0], $0xffff;
	_ =	sdelay $0x3  }
0x260: {  	s25 =	sadd.s32 $0xFFFFFD00, s23  }
0x261: {  	v57 =	vor.u32 s25, v9;
	v0 =	vmul.f32 v0, v15;
	_ =	sdelay $0x1  }
0x262: {  	v0 =	vadd.f32 v0, v20;
	_ =	sdelay $0x1  }
0x263: {  	[tilespmem:v7+s14+$0x0] =	vst.idx.msk $0xffff, v0  }
0x264: {  	v0 =	vld.idx.msk [tilespmem:v57+s14+$0x0], $0xffff;
	_ =	sdelay $0x4  }
0x265: {  	v59 =	vor.u32 s25, v50;
	v0 =	vmul.f32 v0, v12;
	_ =	sdelay $0x1  }
0x266: {  	v0 =	vadd.f32 v0, v16;
	_ =	sdelay $0x1  }
0x267: {  	[tilespmem:v57+s14+$0x0] =	vst.idx.msk $0xffff, v0  }
0x268: {  	v0 =	vld.idx.msk [tilespmem:v59+s14+$0x0], $0xffff;
	_ =	sdelay $0x4  }
0x269: {  	v60 =	vor.u32 s25, v33;
	v0 =	vmul.f32 v0, v13;
	_ =	sdelay $0x1  }
0x26a: {  	v0 =	vadd.f32 v0, v18;
	_ =	sdelay $0x1  }
0x26b: {  	[tilespmem:v59+s14+$0x0] =	vst.idx.msk $0xffff, v0  }
0x26c: {  	v0 =	vld.idx.msk [tilespmem:v60+s14+$0x0], $0xffff;
	_ =	sdelay $0x4  }
0x26d: {  	v61 =	vor.u32 s25, v11;
	v0 =	vmul.f32 v0, v14;
	_ =	sdelay $0x1  }
0x26e: {  	v0 =	vadd.f32 v0, v19;
	_ =	sdelay $0x1  }
0x26f: {  	[tilespmem:v60+s14+$0x0] =	vst.idx.msk $0xffff, v0  }
0x270: {  	v0 =	vld.idx.msk [tilespmem:v61+s14+$0x0], $0xffff;
	_ =	sdelay $0x3  }
0x271: {  	s26 =	sadd.s32 $0xFFFFFD40, s23  }
0x272: {  	v4 =	vor.u32 s26, v9;
	v0 =	vmul.f32 v0, v15;
	_ =	sdelay $0x1  }
0x273: {  	v0 =	vadd.f32 v0, v20;
	_ =	sdelay $0x1  }
0x274: {  	[tilespmem:v61+s14+$0x0] =	vst.idx.msk $0xffff, v0  }
0x275: {  	v0 =	vld.idx.msk [tilespmem:v4+s14+$0x0], $0xffff;
	_ =	sdelay $0x4  }
0x276: {  	v5 =	vor.u32 s26, v50;
	v0 =	vmul.f32 v0, v12;
	_ =	sdelay $0x1  }
0x277: {  	v0 =	vadd.f32 v0, v16;
	_ =	sdelay $0x1  }
0x278: {  	[tilespmem:v4+s14+$0x0] =	vst.idx.msk $0xffff, v0  }
0x279: {  	v0 =	vld.idx.msk [tilespmem:v5+s14+$0x0], $0xffff;
	_ =	sdelay $0x4  }
0x27a: {  	v6 =	vor.u32 s26, v33;
	v0 =	vmul.f32 v0, v13;
	_ =	sdelay $0x1  }
0x27b: {  	v0 =	vadd.f32 v0, v18;
	_ =	sdelay $0x1  }
0x27c: {  	[tilespmem:v5+s14+$0x0] =	vst.idx.msk $0xffff, v0  }
0x27d: {  	v0 =	vld.idx.msk [tilespmem:v6+s14+$0x0], $0xffff;
	_ =	sdelay $0x4  }
0x27e: {  	v7 =	vor.u32 s26, v11;
	v0 =	vmul.f32 v0, v14;
	_ =	sdelay $0x1  }
0x27f: {  	v0 =	vadd.f32 v0, v19;
	_ =	sdelay $0x1  }
0x280: {  	[tilespmem:v6+s14+$0x0] =	vst.idx.msk $0xffff, v0  }
0x281: {  	v0 =	vld.idx.msk [tilespmem:v7+s14+$0x0], $0xffff;
	_ =	sdelay $0x3  }
0x282: {  	s28 =	sadd.s32 $0xFFFFFD80, s23  }
0x283: {  	v57 =	vor.u32 s28, v9;
	v0 =	vmul.f32 v0, v15;
	_ =	sdelay $0x1  }
0x284: {  	v0 =	vadd.f32 v0, v20;
	_ =	sdelay $0x1  }
0x285: {  	[tilespmem:v7+s14+$0x0] =	vst.idx.msk $0xffff, v0  }
0x286: {  	v0 =	vld.idx.msk [tilespmem:v57+s14+$0x0], $0xffff;
	_ =	sdelay $0x4  }
0x287: {  	v59 =	vor.u32 s28, v50;
	v0 =	vmul.f32 v0, v12;
	_ =	sdelay $0x1  }
0x288: {  	v0 =	vadd.f32 v0, v16;
	_ =	sdelay $0x1  }
0x289: {  	[tilespmem:v57+s14+$0x0] =	vst.idx.msk $0xffff, v0  }
0x28a: {  	v0 =	vld.idx.msk [tilespmem:v59+s14+$0x0], $0xffff;
	_ =	sdelay $0x4  }
0x28b: {  	v60 =	vor.u32 s28, v33;
	v0 =	vmul.f32 v0, v13;
	_ =	sdelay $0x1  }
0x28c: {  	v0 =	vadd.f32 v0, v18;
	_ =	sdelay $0x1  }
0x28d: {  	[tilespmem:v59+s14+$0x0] =	vst.idx.msk $0xffff, v0  }
0x28e: {  	v0 =	vld.idx.msk [tilespmem:v60+s14+$0x0], $0xffff;
	_ =	sdelay $0x4  }
0x28f: {  	v61 =	vor.u32 s28, v11;
	v0 =	vmul.f32 v0, v14;
	_ =	sdelay $0x1  }
0x290: {  	v0 =	vadd.f32 v0, v19;
	_ =	sdelay $0x1  }
0x291: {  	[tilespmem:v60+s14+$0x0] =	vst.idx.msk $0xffff, v0  }
0x292: {  	v0 =	vld.idx.msk [tilespmem:v61+s14+$0x0], $0xffff;
	_ =	sdelay $0x3  }
0x293: {  	s29 =	sadd.s32 $0xFFFFFDC0, s23  }
0x294: {  	v4 =	vor.u32 s29, v9;
	v0 =	vmul.f32 v0, v15;
	_ =	sdelay $0x1  }
0x295: {  	v0 =	vadd.f32 v0, v20;
	_ =	sdelay $0x1  }
0x296: {  	[tilespmem:v61+s14+$0x0] =	vst.idx.msk $0xffff, v0  }
0x297: {  	v0 =	vld.idx.msk [tilespmem:v4+s14+$0x0], $0xffff;
	_ =	sdelay $0x4  }
0x298: {  	v5 =	vor.u32 s29, v50;
	v0 =	vmul.f32 v0, v12;
	_ =	sdelay $0x1  }
0x299: {  	v0 =	vadd.f32 v0, v16;
	_ =	sdelay $0x1  }
0x29a: {  	[tilespmem:v4+s14+$0x0] =	vst.idx.msk $0xffff, v0  }
0x29b: {  	v0 =	vld.idx.msk [tilespmem:v5+s14+$0x0], $0xffff;
	_ =	sdelay $0x4  }
0x29c: {  	v6 =	vor.u32 s29, v33;
	v0 =	vmul.f32 v0, v13;
	_ =	sdelay $0x1  }
0x29d: {  	v0 =	vadd.f32 v0, v18;
	_ =	sdelay $0x1  }
0x29e: {  	[tilespmem:v5+s14+$0x0] =	vst.idx.msk $0xffff, v0  }
0x29f: {  	v0 =	vld.idx.msk [tilespmem:v6+s14+$0x0], $0xffff;
	_ =	sdelay $0x4  }
0x2a0: {  	v7 =	vor.u32 s29, v11;
	v0 =	vmul.f32 v0, v14;
	_ =	sdelay $0x1  }
0x2a1: {  	v0 =	vadd.f32 v0, v19;
	_ =	sdelay $0x1  }
0x2a2: {  	[tilespmem:v6+s14+$0x0] =	vst.idx.msk $0xffff, v0  }
0x2a3: {  	v0 =	vld.idx.msk [tilespmem:v7+s14+$0x0], $0xffff;
	_ =	sdelay $0x3  }
0x2a4: {  	s30 =	sadd.s32 $0xFFFFFE00, s23  }
0x2a5: {  	v57 =	vor.u32 s30, v9;
	v0 =	vmul.f32 v0, v15;
	_ =	sdelay $0x1  }
0x2a6: {  	v0 =	vadd.f32 v0, v20;
	_ =	sdelay $0x1  }
0x2a7: {  	[tilespmem:v7+s14+$0x0] =	vst.idx.msk $0xffff, v0  }
0x2a8: {  	v0 =	vld.idx.msk [tilespmem:v57+s14+$0x0], $0xffff;
	_ =	sdelay $0x4  }
0x2a9: {  	v59 =	vor.u32 s30, v50;
	v0 =	vmul.f32 v0, v12;
	_ =	sdelay $0x1  }
0x2aa: {  	v0 =	vadd.f32 v0, v16;
	_ =	sdelay $0x1  }
0x2ab: {  	[tilespmem:v57+s14+$0x0] =	vst.idx.msk $0xffff, v0  }
0x2ac: {  	v0 =	vld.idx.msk [tilespmem:v59+s14+$0x0], $0xffff;
	_ =	sdelay $0x4  }
0x2ad: {  	v60 =	vor.u32 s30, v33;
	v0 =	vmul.f32 v0, v13;
	_ =	sdelay $0x1  }
0x2ae: {  	v0 =	vadd.f32 v0, v18;
	_ =	sdelay $0x1  }
0x2af: {  	[tilespmem:v59+s14+$0x0] =	vst.idx.msk $0xffff, v0  }
0x2b0: {  	v0 =	vld.idx.msk [tilespmem:v60+s14+$0x0], $0xffff;
	_ =	sdelay $0x4  }
0x2b1: {  	v61 =	vor.u32 s30, v11;
	v0 =	vmul.f32 v0, v14;
	_ =	sdelay $0x1  }
0x2b2: {  	v0 =	vadd.f32 v0, v19;
	_ =	sdelay $0x1  }
0x2b3: {  	[tilespmem:v60+s14+$0x0] =	vst.idx.msk $0xffff, v0  }
0x2b4: {  	v0 =	vld.idx.msk [tilespmem:v61+s14+$0x0], $0xffff;
	_ =	sdelay $0x3  }
0x2b5: {  	s31 =	sadd.s32 $0xFFFFFE40, s23  }
0x2b6: {  	v4 =	vor.u32 s31, v9;
	v0 =	vmul.f32 v0, v15;
	_ =	sdelay $0x1  }
0x2b7: {  	v0 =	vadd.f32 v0, v20;
	_ =	sdelay $0x1  }
0x2b8: {  	[tilespmem:v61+s14+$0x0] =	vst.idx.msk $0xffff, v0  }
0x2b9: {  	v0 =	vld.idx.msk [tilespmem:v4+s14+$0x0], $0xffff;
	_ =	sdelay $0x4  }
0x2ba: {  	v5 =	vor.u32 s31, v50;
	v0 =	vmul.f32 v0, v12;
	_ =	sdelay $0x1  }
0x2bb: {  	v0 =	vadd.f32 v0, v16;
	_ =	sdelay $0x1  }
0x2bc: {  	[tilespmem:v4+s14+$0x0] =	vst.idx.msk $0xffff, v0  }
0x2bd: {  	v0 =	vld.idx.msk [tilespmem:v5+s14+$0x0], $0xffff;
	_ =	sdelay $0x4  }
0x2be: {  	v6 =	vor.u32 s31, v33;
	v0 =	vmul.f32 v0, v13;
	_ =	sdelay $0x1  }
0x2bf: {  	v0 =	vadd.f32 v0, v18;
	_ =	sdelay $0x1  }
0x2c0: {  	[tilespmem:v5+s14+$0x0] =	vst.idx.msk $0xffff, v0  }
0x2c1: {  	v0 =	vld.idx.msk [tilespmem:v6+s14+$0x0], $0xffff;
	_ =	sdelay $0x4  }
0x2c2: {  	v7 =	vor.u32 s31, v11;
	v0 =	vmul.f32 v0, v14;
	_ =	sdelay $0x1  }
0x2c3: {  	v0 =	vadd.f32 v0, v19;
	_ =	sdelay $0x1  }
0x2c4: {  	[tilespmem:v6+s14+$0x0] =	vst.idx.msk $0xffff, v0  }
0x2c5: {  	v0 =	vld.idx.msk [tilespmem:v7+s14+$0x0], $0xffff;
	_ =	sdelay $0x3  }
0x2c6: {  	s25 =	sadd.s32 $0xFFFFFE80, s23  }
0x2c7: {  	v57 =	vor.u32 s25, v9;
	v0 =	vmul.f32 v0, v15;
	_ =	sdelay $0x1  }
0x2c8: {  	v0 =	vadd.f32 v0, v20;
	_ =	sdelay $0x1  }
0x2c9: {  	[tilespmem:v7+s14+$0x0] =	vst.idx.msk $0xffff, v0  }
0x2ca: {  	v0 =	vld.idx.msk [tilespmem:v57+s14+$0x0], $0xffff;
	_ =	sdelay $0x4  }
0x2cb: {  	v59 =	vor.u32 s25, v50;
	v0 =	vmul.f32 v0, v12;
	_ =	sdelay $0x1  }
0x2cc: {  	v0 =	vadd.f32 v0, v16;
	_ =	sdelay $0x1  }
0x2cd: {  	[tilespmem:v57+s14+$0x0] =	vst.idx.msk $0xffff, v0  }
0x2ce: {  	v0 =	vld.idx.msk [tilespmem:v59+s14+$0x0], $0xffff;
	_ =	sdelay $0x4  }
0x2cf: {  	v60 =	vor.u32 s25, v33;
	v0 =	vmul.f32 v0, v13;
	_ =	sdelay $0x1  }
0x2d0: {  	v0 =	vadd.f32 v0, v18;
	_ =	sdelay $0x1  }
0x2d1: {  	[tilespmem:v59+s14+$0x0] =	vst.idx.msk $0xffff, v0  }
0x2d2: {  	v0 =	vld.idx.msk [tilespmem:v60+s14+$0x0], $0xffff;
	_ =	sdelay $0x4  }
0x2d3: {  	v61 =	vor.u32 s25, v11;
	v0 =	vmul.f32 v0, v14;
	_ =	sdelay $0x1  }
0x2d4: {  	v0 =	vadd.f32 v0, v19;
	_ =	sdelay $0x1  }
0x2d5: {  	[tilespmem:v60+s14+$0x0] =	vst.idx.msk $0xffff, v0  }
0x2d6: {  	v0 =	vld.idx.msk [tilespmem:v61+s14+$0x0], $0xffff;
	_ =	sdelay $0x3  }
0x2d7: {  	s26 =	sadd.s32 $0xFFFFFEC0, s23  }
0x2d8: {  	v4 =	vor.u32 s26, v9;
	v0 =	vmul.f32 v0, v15;
	_ =	sdelay $0x1  }
0x2d9: {  	v0 =	vadd.f32 v0, v20;
	_ =	sdelay $0x1  }
0x2da: {  	[tilespmem:v61+s14+$0x0] =	vst.idx.msk $0xffff, v0  }
0x2db: {  	v0 =	vld.idx.msk [tilespmem:v4+s14+$0x0], $0xffff;
	_ =	sdelay $0x4  }
0x2dc: {  	v5 =	vor.u32 s26, v50;
	v0 =	vmul.f32 v0, v12;
	_ =	sdelay $0x1  }
0x2dd: {  	v0 =	vadd.f32 v0, v16;
	_ =	sdelay $0x1  }
0x2de: {  	[tilespmem:v4+s14+$0x0] =	vst.idx.msk $0xffff, v0  }
0x2df: {  	v0 =	vld.idx.msk [tilespmem:v5+s14+$0x0], $0xffff;
	_ =	sdelay $0x4  }
0x2e0: {  	v6 =	vor.u32 s26, v33;
	v0 =	vmul.f32 v0, v13;
	_ =	sdelay $0x1  }
0x2e1: {  	v0 =	vadd.f32 v0, v18;
	_ =	sdelay $0x1  }
0x2e2: {  	[tilespmem:v5+s14+$0x0] =	vst.idx.msk $0xffff, v0  }
0x2e3: {  	v0 =	vld.idx.msk [tilespmem:v6+s14+$0x0], $0xffff;
	_ =	sdelay $0x4  }
0x2e4: {  	v7 =	vor.u32 s26, v11;
	v0 =	vmul.f32 v0, v14;
	_ =	sdelay $0x1  }
0x2e5: {  	v0 =	vadd.f32 v0, v19;
	_ =	sdelay $0x1  }
0x2e6: {  	[tilespmem:v6+s14+$0x0] =	vst.idx.msk $0xffff, v0  }
0x2e7: {  	v0 =	vld.idx.msk [tilespmem:v7+s14+$0x0], $0xffff;
	_ =	sdelay $0x3  }
0x2e8: {  	s28 =	sadd.s32 $0xFFFFFF00, s23  }
0x2e9: {  	v57 =	vor.u32 s28, v9;
	v0 =	vmul.f32 v0, v15;
	_ =	sdelay $0x1  }
0x2ea: {  	v0 =	vadd.f32 v0, v20;
	_ =	sdelay $0x1  }
0x2eb: {  	[tilespmem:v7+s14+$0x0] =	vst.idx.msk $0xffff, v0  }
0x2ec: {  	v0 =	vld.idx.msk [tilespmem:v57+s14+$0x0], $0xffff;
	_ =	sdelay $0x4  }
0x2ed: {  	v59 =	vor.u32 s28, v50;
	v0 =	vmul.f32 v0, v12;
	_ =	sdelay $0x1  }
0x2ee: {  	v0 =	vadd.f32 v0, v16;
	_ =	sdelay $0x1  }
0x2ef: {  	[tilespmem:v57+s14+$0x0] =	vst.idx.msk $0xffff, v0  }
0x2f0: {  	v0 =	vld.idx.msk [tilespmem:v59+s14+$0x0], $0xffff;
	_ =	sdelay $0x4  }
0x2f1: {  	v60 =	vor.u32 s28, v33;
	v0 =	vmul.f32 v0, v13;
	_ =	sdelay $0x1  }
0x2f2: {  	v0 =	vadd.f32 v0, v18;
	_ =	sdelay $0x1  }
0x2f3: {  	[tilespmem:v59+s14+$0x0] =	vst.idx.msk $0xffff, v0  }
0x2f4: {  	v0 =	vld.idx.msk [tilespmem:v60+s14+$0x0], $0xffff;
	_ =	sdelay $0x4  }
0x2f5: {  	v61 =	vor.u32 s28, v11;
	v0 =	vmul.f32 v0, v14;
	_ =	sdelay $0x1  }
0x2f6: {  	v0 =	vadd.f32 v0, v19;
	_ =	sdelay $0x1  }
0x2f7: {  	[tilespmem:v60+s14+$0x0] =	vst.idx.msk $0xffff, v0  }
0x2f8: {  	v0 =	vld.idx.msk [tilespmem:v61+s14+$0x0], $0xffff;
	_ =	sdelay $0x3  }
0x2f9: {  	s29 =	sadd.s32 $0xFFFFFF40, s23  }
0x2fa: {  	v4 =	vor.u32 s29, v9;
	v0 =	vmul.f32 v0, v15;
	_ =	sdelay $0x1  }
0x2fb: {  	v0 =	vadd.f32 v0, v20;
	_ =	sdelay $0x1  }
0x2fc: {  	[tilespmem:v61+s14+$0x0] =	vst.idx.msk $0xffff, v0  }
0x2fd: {  	v0 =	vld.idx.msk [tilespmem:v4+s14+$0x0], $0xffff;
	_ =	sdelay $0x4  }
0x2fe: {  	v5 =	vor.u32 s29, v50;
	v0 =	vmul.f32 v0, v12;
	_ =	sdelay $0x1  }
0x2ff: {  	v0 =	vadd.f32 v0, v16;
	_ =	sdelay $0x1  }
0x300: {  	[tilespmem:v4+s14+$0x0] =	vst.idx.msk $0xffff, v0  }
0x301: {  	v0 =	vld.idx.msk [tilespmem:v5+s14+$0x0], $0xffff;
	_ =	sdelay $0x4  }
0x302: {  	v6 =	vor.u32 s29, v33;
	v0 =	vmul.f32 v0, v13;
	_ =	sdelay $0x1  }
0x303: {  	v0 =	vadd.f32 v0, v18;
	_ =	sdelay $0x1  }
0x304: {  	[tilespmem:v5+s14+$0x0] =	vst.idx.msk $0xffff, v0  }
0x305: {  	v0 =	vld.idx.msk [tilespmem:v6+s14+$0x0], $0xffff;
	_ =	sdelay $0x4  }
0x306: {  	v7 =	vor.u32 s29, v11;
	v0 =	vmul.f32 v0, v14;
	_ =	sdelay $0x1  }
0x307: {  	v0 =	vadd.f32 v0, v19;
	_ =	sdelay $0x1  }
0x308: {  	[tilespmem:v6+s14+$0x0] =	vst.idx.msk $0xffff, v0  }
0x309: {  	v0 =	vld.idx.msk [tilespmem:v7+s14+$0x0], $0xffff;
	_ =	sdelay $0x3  }
0x30a: {  	s30 =	sadd.s32 $0xFFFFFF80, s23  }
0x30b: {  	v57 =	vor.u32 s30, v9;
	v0 =	vmul.f32 v0, v15;
	_ =	sdelay $0x1  }
0x30c: {  	v0 =	vadd.f32 v0, v20;
	_ =	sdelay $0x1  }
0x30d: {  	[tilespmem:v7+s14+$0x0] =	vst.idx.msk $0xffff, v0  }
0x30e: {  	v0 =	vld.idx.msk [tilespmem:v57+s14+$0x0], $0xffff;
	_ =	sdelay $0x4  }
0x30f: {  	v59 =	vor.u32 s30, v50;
	v0 =	vmul.f32 v0, v12;
	_ =	sdelay $0x1  }
0x310: {  	v0 =	vadd.f32 v0, v16;
	_ =	sdelay $0x1  }
0x311: {  	[tilespmem:v57+s14+$0x0] =	vst.idx.msk $0xffff, v0  }
0x312: {  	v0 =	vld.idx.msk [tilespmem:v59+s14+$0x0], $0xffff;
	_ =	sdelay $0x4  }
0x313: {  	v60 =	vor.u32 s30, v33;
	v0 =	vmul.f32 v0, v13;
	_ =	sdelay $0x1  }
0x314: {  	v0 =	vadd.f32 v0, v18;
	_ =	sdelay $0x1  }
0x315: {  	[tilespmem:v59+s14+$0x0] =	vst.idx.msk $0xffff, v0  }
0x316: {  	v0 =	vld.idx.msk [tilespmem:v60+s14+$0x0], $0xffff;
	_ =	sdelay $0x4  }
0x317: {  	v61 =	vor.u32 s30, v11;
	v0 =	vmul.f32 v0, v14;
	_ =	sdelay $0x1  }
0x318: {  	v0 =	vadd.f32 v0, v19;
	_ =	sdelay $0x1  }
0x319: {  	[tilespmem:v60+s14+$0x0] =	vst.idx.msk $0xffff, v0  }
0x31a: {  	v0 =	vld.idx.msk [tilespmem:v61+s14+$0x0], $0xffff;
	_ =	sdelay $0x3  }
0x31b: {  	s31 =	sadd.s32 $0xFFFFFFC0, s23  }
0x31c: {  	v4 =	vor.u32 s31, v9;
	v0 =	vmul.f32 v0, v15;
	_ =	sdelay $0x1  }
0x31d: {  	v0 =	vadd.f32 v0, v20;
	_ =	sdelay $0x1  }
0x31e: {  	[tilespmem:v61+s14+$0x0] =	vst.idx.msk $0xffff, v0  }
0x31f: {  	v0 =	vld.idx.msk [tilespmem:v4+s14+$0x0], $0xffff;
	_ =	sdelay $0x4  }
0x320: {  	v5 =	vor.u32 s31, v50;
	v0 =	vmul.f32 v0, v12;
	_ =	sdelay $0x1  }
0x321: {  	v0 =	vadd.f32 v0, v16;
	_ =	sdelay $0x1  }
0x322: {  	[tilespmem:v4+s14+$0x0] =	vst.idx.msk $0xffff, v0  }
0x323: {  	v0 =	vld.idx.msk [tilespmem:v5+s14+$0x0], $0xffff;
	_ =	sdelay $0x4  }
0x324: {  	v6 =	vor.u32 s31, v33;
	v0 =	vmul.f32 v0, v13;
	_ =	sdelay $0x1  }
0x325: {  	v0 =	vadd.f32 v0, v18;
	_ =	sdelay $0x1  }
0x326: {  	[tilespmem:v5+s14+$0x0] =	vst.idx.msk $0xffff, v0  }
0x327: {  	v0 =	vld.idx.msk [tilespmem:v6+s14+$0x0], $0xffff;
	_ =	sdelay $0x4  }
0x328: {  	v7 =	vor.u32 s31, v11;
	v0 =	vmul.f32 v0, v14;
	_ =	sdelay $0x1  }
0x329: {  	v0 =	vadd.f32 v0, v19;
	_ =	sdelay $0x1  }
0x32a: {  	[tilespmem:v6+s14+$0x0] =	vst.idx.msk $0xffff, v0  }
0x32b: {  	v0 =	vld.idx.msk [tilespmem:v7+s14+$0x0], $0xffff;
	_ =	sdelay $0x4  }
0x32c: {  	v57 =	vor.u32 s23, v9;
	v0 =	vmul.f32 v0, v15;
	_ =	sdelay $0x1  }
0x32d: {  	v0 =	vadd.f32 v0, v20;
	_ =	sdelay $0x1  }
0x32e: {  	[tilespmem:v7+s14+$0x0] =	vst.idx.msk $0xffff, v0  }
0x32f: {  	v0 =	vld.idx.msk [tilespmem:v57+s14+$0x0], $0xffff;
	_ =	sdelay $0x2  }
0x330: {  	v37 =	vmov v10;
	v10 =	vld [tilespmem:$0x1FDE0]  }
0x331: {  	v41 =	vld [tilespmem:$0x1FE10]  }
0x332: {  	v42 =	vld [tilespmem:$0x1FE20];
	v59 =	vor.u32 s23, v50;
	v0 =	vmul.f32 v0, v12  }
0x333: {  	v43 =	vld [tilespmem:$0x1FE30]  }
0x334: {  	v44 =	vld [tilespmem:$0x1FE40];
	v0 =	vadd.f32 v0, v16  }
0x335: {  	v45 =	vld [tilespmem:$0x1FE50]  }
0x336: {  	v46 =	vld [tilespmem:$0x1FE60];
	[tilespmem:v57+s14+$0x0] =	vst.idx.msk $0xffff, v0  }
0x337: {  	v0 =	vld.idx.msk [tilespmem:v59+s14+$0x0], $0xffff  }
0x338: {  	v47 =	vld [tilespmem:$0x1FE90]  }
0x339: {  	v49 =	vld [tilespmem:$0x1FEE0]  }
0x33a: {  	v56 =	vld [tilespmem:$0x1FEA0]  }
0x33b: {  	v54 =	vld [tilespmem:$0x1FF10]  }
0x33c: {  	v55 =	vld [tilespmem:$0x1FE70];
	v60 =	vor.u32 s23, v33;
	v0 =	vmul.f32 v0, v13  }
0x33d: {  	v34 =	vld [tilespmem:$0x1FEB0]  }
0x33e: {  	v35 =	vld [tilespmem:$0x1FEC0];
	v0 =	vadd.f32 v0, v18  }
0x33f: {  	v51 =	vld [tilespmem:$0x1FEF0]  }
0x340: {  	v52 =	vld [tilespmem:$0x1FF00];
	[tilespmem:v59+s14+$0x0] =	vst.idx.msk $0xffff, v0  }
0x341: {  	v0 =	vld.idx.msk [tilespmem:v60+s14+$0x0], $0xffff  }
0x342: {  	v62 =	vld [tilespmem:$0x1FFE0]  }
0x343: {  	v63 =	vld [tilespmem:$0x1FFF0]  }
0x344: {  	v30 =	vld [tilespmem:$0x1FE80]  }
0x345: {  	v31 =	vld [tilespmem:$0x1FF20]  }
0x346: {  	v32 =	vld [tilespmem:$0x1FFB0];
	v61 =	vor.u32 s23, v11;
	v0 =	vmul.f32 v0, v14  }
0x347: {  	v29 =	vld [tilespmem:$0x1FFA0]  }
0x348: {  	v28 =	vld [tilespmem:$0x1FF90];
	v0 =	vadd.f32 v0, v19  }
0x349: {  	v27 =	vld [tilespmem:$0x1FF80]  }
0x34a: {  	v58 =	vld [tilespmem:$0x1FFD0];
	[tilespmem:v60+s14+$0x0] =	vst.idx.msk $0xffff, v0  }
0x34b: {  	v0 =	vld.idx.msk [tilespmem:v61+s14+$0x0], $0xffff  }
0x34c: {  	v26 =	vld [tilespmem:$0x1FF70]  }
0x34d: {  	v25 =	vld [tilespmem:$0x1FF60]  }
0x34e: {  	v36 =	vld [tilespmem:$0x1FED0]  }
0x34f: {  	p0 =	sne.s32 s22, $0x1FF;
	v53 =	vld [tilespmem:$0x1FFC0]  }
.Ltmp0:
0x350: {  	v39 =	vld [tilespmem:$0x1FF40];
	v0 =	vmul.f32 v0, v15;
	(pc) =	sbr.rel @p0 .LBB2_3-.Ltmp0, $4  }
0x351: {  	v40 =	vld [tilespmem:$0x1FF50]  }
0x352: {  	v22 =	vld [tilespmem:$0x1FE00];
	v0 =	vadd.f32 v0, v20  }
0x353: {  	v38 =	vld [tilespmem:$0x1FF30]  }
0x354: {  	s22 =	sadd.s32 $0x10, s22;
	v17 =	vld [tilespmem:$0x1FDF0];
	[tilespmem:v61+s14+$0x0] =	vst.idx.msk $0xffff, v0  }
0x355: {  	s21 =	sadd.s32 s6, s21;
	s20 =	sadd.s32 $0x1, s20  }
0x356: {  	s21 =	sshll.u32 s21, $0x3;
	p0 =	sne.s32 s20, $0x32  }
.Ltmp1:
0x357: {  	s21 =	sadd.s32 s4, s21;
	(pc) =	sbr.rel @p0 .LBB2_2-.Ltmp1, $4  }
0x358: {  	[hbm4b:s21+s5] =	stream.linear.scatter [tilespmem:s14], [sflag:$0x2], $0x8000, $0x38;
	[tilespmem:$0xE480] =	vst v63  }
0x359: {  	_ =	swait.ge [sflag:s10], $0x8000  }
0x35a: {  	[sflag:s10] =	ssyncset.done $0x0  }
0x35b: {  	[sflag:s10] =	ssyncadd.s32 $0xFFFF8000  }
0x35c: {  	s19 =	sadd.s32 $0x1, s19  }
0x35d: {  	p0 =	sne.s32 s19, s9  }
.Ltmp2:
0x35e: {  	_ = 	snop;
	(pc) =	sbr.rel @p0 .LBB2_1-.Ltmp2, $1  }
0x35f: {  	_ =	sdelay $0x3  }
0x360: {  	_ =	sfence.sel $0x180000  }
0x361: {  	[bflag:$0x0] =	sbarrier.arrive $0xFFFF  }
0x362: {  	p0 =	sne.s32 s1, $0x0;
	_ =	strace $0x90000047  }
0x363: {  	s0 =	sadd.s32 @!p0 $0x100000, s3;
	[bflag:$0x2] =	sbarrier.arrive $0xFFFF  }
0x364: {  	[sflag:s0] =	ssyncadd.tile.s32 @!p0 $0x1;
	_ =	shalt  }
.Lfunc_end2:
_tile_overlayer_lowered:
.L_overlay_start_2:
0x365: {  	(tag) =	ssettag $0x2  }
0x366: {  	s0 =	rddreg [dreg:$0x0];
	s2 =	stileid.u32  }
0x367: {  	s1 =	rddreg [dreg:$0x1];
	p0 =	sne.s32 s2, $0x0  }
0x368: {  	s3 =	rddreg [dreg:$0x2];
	[bflag:$0x3] =	sbarrier.arrive $0xFFFF;
	s2 =	simm.s32 @!p0 $0x1C02  }
0x369: {  	[timem:s3], [sflag:s2] =	dma.local @!p0 [hbm:s0], s1  }
0x36a: {  	s0 =	simm.s32 @!p0 $0x2  }
0x36b: {  	_ =	swait.ge @!p0 [sflag:s0], s1  }
0x36c: {  	s1 =	ssub.s32 @!p0 $0x0, s1;
	[sflag:s0] =	ssyncset.done @!p0 $0x0  }
0x36d: {  	[sflag:s0] =	ssyncadd.s32 @!p0 s1  }
0x36e: {  	[bflag:$0x3] =	sbarrier.arrive $0xFFFF  }
0x36f: {  	_ =	shalt  }

// kernel: sparse-core-data-format-call.cloned.1.call-start
scs
called_computation_lowered:
.L_overlay_start_0:
0x0: {  	s2 =	sld [smem:$0x3FD9]  }
0x1: {  	s3 =	sld [smem:$0x3FFE];
	_ =	sdelay $0x1  }
0x2: {  	s1 =	srdreg.scid  }
0x3: {  	s0 =	sand.u32 $0x1, s1  }
0x4: {  	s18 =	sshll.u32 s0, $0xA;
	s2 =	sadd.s32 s3, s2  }
0x5: {  	s2 =	sadd.s32 s2, s18  }
0x6: {  	[smem:$0x3FC4] =	sst s2  }
0x7: {  	_ = 	snop  }
0x8: {  	s2 =	sld [smem:$0x3FD0];
	(tm) =	ssettm $0x1  }
0x9: {  	s19 =	sld [smem:$0x3FFB];
	_ =	sdelay $0x3  }
0xa: {  	_ =	strace s19  }
0xb: {  	s3 =	sld [smem:$0x3FFC];
	_ =	sdelay $0x3  }
0xc: {  	_ =	strace s3  }
0xd: {  	s3 =	sld [smem:$0x3FFD];
	_ =	sdelay $0x3  }
0xe: {  	_ =	strace s3  }
0xf: {  	_ =	strace $0x8FFFFFFF  }
0x10: {  	s20 =	sld [smem:$0x3FDB];
	_ =	sdelay $0x1  }
0x11: {  	s4 =	simm.s32 $_scs_section_size  }
0x12: {  	s5 =	simm.s32 $_size__tile_overlayer_lowered;
	s6 =	simm.s32 $_tile_overlayer_lowered  }
0x13: {  	s23 =	simm.s32 $0x1BFF;
	s22 =	sshll.u32 s6, $0x1;
	s3 =	sadd.s32 s4, s20  }
0x14: {  	s7 =	simm.s32 $0x0;
	s21 =	sshll.u32 s5, $0x1;
	s5 =	sadd.s32 s22, s3  }
0x15: {  	[timem:s7], [sflag:s23] =	dma.local [hbm:s5], s21  }
0x16: {  	_ =	swait.ge [sflag:s23], s21  }
0x17: {  	s4 =	ssub.s32 $0x0, s21;
	[sflag:s23] =	ssyncset.done $0x0  }
0x18: {  	[sflag:s23] =	ssyncadd.s32 s4;
	_ =	sdelay $0x1  }
0x19: {  	s24 =	simm.s32 $0x1B8B  }
0x1a: {  	_ =	swait.ge [sflag:s24], $0x1  }
0x1b: {  	[sflag:s24] =	ssyncset.done $0x0  }
0x1c: {  	s26 =	simm.s32 $0x1B8E;
	s25 =	sld [smem:$0x3FFE];
	[sflag:s24] =	ssyncadd.s32 $0xFFFFFFFF  }
0x1d: {  	s27 =	simm.s32 $execute0_lowered;
	[smem:$0x3FD2] =	sst s26  }
0x1e: {  	s5 =	sshll.u32 s27, $0x1;
	_ =	strace $0x80000049;
	[dreg:$0x1] =	wrdreg $0xFFFFFFFF  }
0x1f: {  	s28 =	simm.s32 $_size_execute0_lowered;
	s3 =	sadd.s32 s3, s5;
	[dreg:$0x0] =	wrdreg $0x0  }
0x20: {  	s5 =	sshll.u32 s28, $0x1;
	[dreg:$0x2] =	wrdreg s3  }
0x21: {  	[dreg:$0x3] =	wrdreg s5  }
0x22: {  	[dreg:$0x4] =	wrdreg $0xC0  }
0x23: {  	_ =	task [dreg:s7], $0x5FFFF  }
0x24: {  	[dreg:$0x1] =	wrdreg $0xFFFFFFFF  }
0x25: {  	[dreg:$0x0] =	wrdreg $0x60  }
0x26: {  	[dreg:$0x2] =	wrdreg s25  }
0x27: {  	[dreg:$0x3] =	wrdreg s2  }
0x28: {  	[dreg:$0x4] =	wrdreg $0x9  }
0x29: {  	_ =	task.clear_ibuf [dreg:s7], $0x5FFFF;
	_ =	strace $0x90000049  }
0x2a: {  	s29 =	simm.s32 $0x9;
	_ =	strace $0x8000004B  }
0x2b: {  	_ =	swait.ge [sflag:s29], $0x1  }
0x2c: {  	[sflag:s29] =	ssyncadd.s32 $0xFFFFFFFF  }
0x2d: {  	_ =	strace $0x9000004B  }
0x2e: {  	_ =	sfence  }
0x2f: {  	s30 =	sld [smem:$0x0];
	_ =	sdelay $0x2  }
0x30: {  	s31 =	sshll.u32 s1, $0xD;
	s1 =	sshrl.u32 s1, $0x2  }
0x31: {  	s3 =	sand.u32 $0x4000, s31;
	s1 =	sadd.s32 s1, s30  }
0x32: {  	s0 =	sor.u32 s3, s0;
	s1 =	sshll.u32 s1, $0x11  }
0x33: {  	s0 =	sor.u32 s1, s0  }
0x34: {  	s0 =	sadd.s32 $0x8F2B, s0  }
0x35: {  	[sflag:s0] =	ssyncadd.remote.s32 $0x1  }
0x36: {  	_ =	sfence.sel $0xFFFF  }
0x37: {  	[dreg:$0x0] =	wrdreg $0xFFFFFFFF;
	(pc) =	sbr.abs _section_cstart, $3  }
0x38: {  	[dreg:$0x1] =	wrdreg $0xFFFFFFFF  }
0x39: {  	_ =	task.clear_ibuf [dreg:s7], $0x2FFFF;
	_ =	strace $0x9FFFFFFF  }
0x3a: {  	(tm) =	ssettm $0x7FFFFFFF  }
0x3b: {  	_ =	shalt  }
tec
execute0_lowered:
.L_overlay_start_1:
0x0: {  	(tag) =	ssettag $0x1  }
0x1: {  	s0 =	srdreg.scid  }
0x2: {  	s1 =	sshll.u32 s0, $0x4  }
0x3: {  	s0 =	stileid.u32;
	s1 =	sand.u32 $0x10, s1  }
0x4: {  	s1 =	sor.u32 s0, s1  }
0x5: {  	s6 =	rddreg [dreg:$0x0];
	s4 =	simm.s32 $0x1;
	s2 =	sshll.u32 s1, $0x7  }
0x6: {  	s7 =	simm.s32 $0x2;
	s12 =	simm.s32 $0x0;
	s1 =	ssub.s32 $0x4000, s2  }
0x7: {  	s8 =	simm.s32 $0x20000;
	s13 =	simm.s32 $0x0;
	s3 =	sand.u32 $0xF80, s1  }
0x8: {  	s9 =	simm.s32 $0x0;
	s5 =	sshrl.u32 s1, $0xC;
	p0 =	sne.s32 s3, $0x0  }
.Ltmp0:
0x9: {  	s1 =	rddreg [dreg:$0x2];
	s4 =	simm.s32 @!p0 $0x0;
	(pc) =	sbr.rel .LBB1_1-.Ltmp0, $4  }
0xa: {  	s11 =	simm.s32 $0x0;
	s3 =	rddreg [dreg:$0x1];
	s5 =	sadd.s32 s4, s5  }
0xb: {  	_ =	strace $0x8000004A;
	s4 =	simm.s32 $0x1;
	s5 =	smul.u32 $0x32, s5  }
0xc: {  	s6 =	sadd.s32 $0xA00, s6;
	s10 =	smov.u32 s2;
	[sflag:s4] =	ssyncpa.u1 $0x0  }
0xd: {  	p0 =	por $0x0, $0x0;
	[sflag:s7] =	ssyncpa.u1 $0x0;
	s7 =	sor.u32 $0x1, s5  }
.LBB1_4:
0xe: {  	s16 =	sshll.u32 s13, $0x3;
	s17 =	sand.u32 $0x78, s13  }
0xf: {  	s30 =	sand.u32 $0x1F800, s13;
	s12 =	sshll.u32 s12, $0x11;
	s16 =	sand.u32 $0x3C00, s16  }
0x10: {  	[tilespmem:s15+$0x810 ss:$0x81] =	vst.msk $0xffff, v2;
	s31 =	sand.u32 $0x7, s13;
	s16 =	sor.u32 s17, s16;
	s17 =	sadd.s32 s3, s30  }
0x11: {  	[tilespmem:s15+$0x1020 ss:$0x81] =	vst.msk $0xffff, v0;
	s13 =	sshll.u32 s31, $0x12;
	s12 =	sadd.s32 s12, s17;
	s16 =	sshrl.u32 s16, $0x3  }
0x12: {  	[tilespmem:s15+$0x0 ss:$0x81] =	vst.msk $0xffff, v1;
	s13 =	sor.u32 $0x400, s13;
	s12 =	sadd.s32 s16, s12  }
0x13: {  	[hbm4b:s12+s13] =	stream.strided.scatter [tilespmem:s14], [sflag:$0x2], $0x2000, s8, s13, $0x20;
	[tilespmem:$0x8080] =	vst v63  }
.LBB1_5:
0x14: {  	s14 =	sadd.s32 $0x1, s9  }
0x15: {  	s12 =	sadd.s32 $0x1000, s10;
	s16 =	smov.u32 s10;
	p2 =	sgt.s32 s14, $0x31  }
0x16: {  	s16 =	smov.u32 @p2 s12  }
0x17: {  	s14 =	simm.s32 @p2 $0x0;
	p2 =	sgt.s32 s16, $0x3FFF  }
0x18: {  	s16 =	smov.u32 @p2 s2;
	p2 =	sne.s32 s11, s7  }
.Ltmp1:
0x19: {  	p1 =	slt.u32 s11, $0x2;
	(pc) =	sbr.rel @!p2 .LBB1_6-.Ltmp1, $4  }
0x1a: {  	s15 =	simm.s32 @!p1 $0x2  }
0x1b: {  	s13 =	smov.u32 s10;
	p0 =	por !p0, !p0;
	_ =	swait.ge @!p1 [sflag:s15], $0x2000  }
0x1c: {  	s12 =	smov.u32 s9;
	[sflag:s15] =	ssyncset.done @!p1 $0x0;
	s9 =	smov.u32 s14  }
0x1d: {  	s11 =	sadd.s32 $0x1, s11;
	[sflag:s15] =	ssyncadd.s32 @!p1 $0xFFFFE000;
	s10 =	smov.u32 s16  }
.LBB1_1:
0x1e: {  	p1 =	sge.u32 s11, s5  }
0x1f: {  	s14 =	sand.u32 @!p1 $0x1FFFFFF, s9  }
0x20: {  	s15 =	smulhi.u32 @!p1 $0x4924925, s14;
	_ =	sdelay $0x1  }
0x21: {  	s15 =	smul.u32 @!p1 $0x38, s15  }
0x22: {  	s16 =	sxor.u32 @!p1 $0xFFFFFFFF, s11;
	s17 =	smul.u32 @!p1 $0x380, s10  }
0x23: {  	s31 =	sadd.s32 $0xFFFFFFFF, s11;
	s16 =	sshll.u32 @!p1 s16, $0xD;
	s14 =	ssub.s32 @!p1 s14, s15  }
0x24: {  	s15 =	sand.u32 @!p1 $0x2000, s16;
	s16 =	sadd.s32 @!p1 s6, s17;
	s14 =	sshll.u32 @!p1 s14, $0x4  }
0x25: {  	s17 =	simm.s32 @!p1 $0x1C00;
	s14 =	sadd.s32 @!p1 s14, s16;
	s16 =	simm.s32 @!p1 $0x40  }
0x26: {  	[tilespmem:s15], [sflag:$0x1] =	stream.strided.gather @!p1 [hbm4b:s14+s16], $0x2000, s17, s16, $0x38;
	[tilespmem:$0x8080] =	vst v63  }
0x27: {  	p1 =	sge.u32 s31, s5  }
.Ltmp2:
0x28: {  	_ = 	snop;
	(pc) =	sbr.rel @p1 .LBB1_5-.Ltmp2, $1  }
0x29: {  	_ =	sdelay $0x3  }
0x2a: {  	s14 =	simm.s32 $0x1  }
0x2b: {  	_ =	swait.ge [sflag:s4], $0x2000;
	s14 =	simm.s32 @!p0 $0x0  }
0x2c: {  	[sflag:s4] =	ssyncset.done $0x0;
	s15 =	sshll.u32 s14, $0xD  }
0x2d: {  	[sflag:s4] =	ssyncadd.s32 $0xFFFFE000;
	s18 =	sor.u32 $0x20, s15  }
0x2e: {  	s14 =	smul.u32 $0x8100, s14;
	v3 =	vld [tilespmem:s18+$0x10]  }
0x2f: {  	s30 =	sand.u32 $0x1, s11;
	v2 =	vld [tilespmem:s18+$0xFFFFFFF0]  }
0x30: {  	s15 =	smul.u32 $0x8100, s30;
	s14 =	sshrl.u32 s14, $0x2;
	v0 =	vld [tilespmem:s18+$0x0]  }
0x31: {  	v1 =	vld [tilespmem:s18+$0xFFFFFFE0];
	s16 =	sor.u32 $0x4000, s14  }
0x32: {  	s31 =	sshrl.u32 s15, $0x2;
	s15 =	sadd.s32 $0x0, s16  }
0x33: {  	s17 =	simm.s32 $0x4;
	s18 =	sadd.s32 $0x40, s18;
	s14 =	sor.u32 $0x4000, s31;
	[tilespmem:s15+$0x1830 ss:$0x81] =	vst.msk $0xffff, v3  }
.LBB1_3:
0x34: {  	v3 =	vld [tilespmem:s18+$0x10];
	p1 =	sne.s32 s17, $0x1FC;
	[tilespmem:s15+$0x810 ss:$0x81] =	vst.msk $0xffff, v2;
	s19 =	smov.u32 s17;
	s17 =	sadd.s32 $0x4, s17  }
.Ltmp3:
0x35: {  	v2 =	vld [tilespmem:s18+$0xFFFFFFF0];
	[tilespmem:s15+$0x1020 ss:$0x81] =	vst.msk $0xffff, v0;
	(pc) =	sbr.rel @p1 .LBB1_3-.Ltmp3, $4  }
0x36: {  	v0 =	vld [tilespmem:s18+$0x0];
	[tilespmem:s15+$0x0 ss:$0x81] =	vst.msk $0xffff, v1  }
0x37: {  	s15 =	sshra.s32 s19, $0x2;
	v1 =	vld [tilespmem:s18+$0xFFFFFFE0]  }
0x38: {  	s15 =	sadd.s32 s15, s16  }
0x39: {  	s18 =	sadd.s32 $0x40, s18;
	[tilespmem:s15+$0x1830 ss:$0x81] =	vst.msk $0xffff, v3  }
.Ltmp4:
0x3a: {  	_ = 	snop;
	(pc) =	sbr.rel .LBB1_4-.Ltmp4, $1  }
0x3b: {  	_ =	sdelay $0x3  }
.LBB1_6:
0x3c: {  	_ =	sfence.sel $0x180000  }
0x3d: {  	s2 =	simm.s32 $0x1;
	[bflag:$0x0] =	sbarrier.arrive $0xFFFF  }
0x3e: {  	s31 =	simm.s32 $0x2;
	[sflag:s2] =	ssyncpa.u1 $0x1  }
0x3f: {  	[sflag:s31] =	ssyncpa.u1 $0x1  }
0x40: {  	p0 =	sne.s32 s0, $0x0;
	_ =	strace $0x9000004A  }
0x41: {  	s0 =	sadd.s32 @!p0 $0x100000, s1;
	[bflag:$0x2] =	sbarrier.arrive $0xFFFF  }
0x42: {  	[sflag:s0] =	ssyncadd.tile.s32 @!p0 $0x1;
	_ =	shalt  }
.Lfunc_end1:
_tile_overlayer_lowered:
.L_overlay_start_2:
0x43: {  	(tag) =	ssettag $0x2  }
0x44: {  	s0 =	rddreg [dreg:$0x0];
	s2 =	stileid.u32  }
0x45: {  	s1 =	rddreg [dreg:$0x1];
	p0 =	sne.s32 s2, $0x0  }
0x46: {  	s3 =	rddreg [dreg:$0x2];
	[bflag:$0x3] =	sbarrier.arrive $0xFFFF;
	s2 =	simm.s32 @!p0 $0x1C01  }
0x47: {  	[timem:s3], [sflag:s2] =	dma.local @!p0 [hbm:s0], s1  }
0x48: {  	s0 =	simm.s32 @!p0 $0x1  }
0x49: {  	_ =	swait.ge @!p0 [sflag:s0], s1  }
0x4a: {  	s1 =	ssub.s32 @!p0 $0x0, s1;
	[sflag:s0] =	ssyncset.done @!p0 $0x0  }
0x4b: {  	[sflag:s0] =	ssyncadd.s32 @!p0 s1  }
0x4c: {  	[bflag:$0x3] =	sbarrier.arrive $0xFFFF  }
0x4d: {  	_ =	shalt  }

</sc_bundles>
